<compile_context>
chip_gen: v7x
topology: tpu7x:2x2x1
jax: 0.10.2.dev20260603
libtpu: 0.0.44.dev20260713+nightly
codegen_flags: <defaults>
</compile_context>

<pallas_src>
import functools

import jax
import jax.numpy as jnp
from jax import lax
from jax.experimental import pallas as pl
from jax.experimental.pallas import tpu as pltpu
from jax.experimental.pallas import tpu_sc as plsc

EPS = 1e-12
NC, NS, L = 2, 16, 16
NW = NC * NS
D = 1024
NLANE = D // L
CHUNK = 32


def _rsqrt16(v):
    i = plsc.bitcast(v, jnp.int32)
    i = jnp.full((L,), 0x5F3759DF, jnp.int32) - lax.shift_right_logical(
        i, jnp.full((L,), 1, jnp.int32)
    )
    y = plsc.bitcast(i, jnp.float32)
    half = 0.5 * v
    for _ in range(3):
        y = y * (1.5 - half * y * y)
    return y


def _sc_body(x_hbm, pe_hbm, g_hbm, b_hbm, out_hbm, xv, pev, gv, bv):
    wid = lax.axis_index("s") * NC + lax.axis_index("c")
    rows_per_w = x_hbm.shape[0] // NW
    base = wid * rows_per_w
    pbase = (wid % (pe_hbm.shape[0] // rows_per_w)) * rows_per_w

    pltpu.sync_copy(g_hbm, gv)
    pltpu.sync_copy(b_hbm, bv)

    def chunk_body(c, carry):
        start = base + c * CHUNK
        pstart = pbase + c * CHUNK
        pltpu.sync_copy(x_hbm.at[pl.ds(start, CHUNK)], xv)
        pltpu.sync_copy(pe_hbm.at[pl.ds(pstart, CHUNK)], pev)

        def row_body(r, carry2):
            acc1 = jnp.zeros((L,), jnp.float32)
            acc2 = jnp.zeros((L,), jnp.float32)
            for j in range(NLANE):
                v = xv[r, pl.ds(j * L, L)] + pev[r, pl.ds(j * L, L)]
                acc1 = acc1 + v
                acc2 = acc2 + v * v
            s1 = jnp.sum(acc1)
            s2 = jnp.sum(acc2)
            uv = jnp.full((L,), s1 * (1.0 / D), jnp.float32)
            e2 = jnp.full((L,), s2 * (1.0 / D), jnp.float32)
            var = e2 - uv * uv + EPS
            rv = _rsqrt16(var)
            for j in range(NLANE):
                sl = pl.ds(j * L, L)
                v = xv[r, sl] + pev[r, sl]
                xv[r, sl] = (v - uv) * rv * gv[sl] + bv[sl]
            return carry2

        lax.fori_loop(0, CHUNK, row_body, 0)
        pltpu.sync_copy(xv, out_hbm.at[pl.ds(start, CHUNK)])
        return carry

    lax.fori_loop(0, rows_per_w // CHUNK, chunk_body, 0)


@jax.jit
def _run_sc(xf, pos_embed, gamma, beta):
    R, _ = xf.shape
    mesh = plsc.VectorSubcoreMesh(
        core_axis_name="c", subcore_axis_name="s", num_cores=NC, num_subcores=NS
    )
    f = functools.partial(
        pl.kernel,
        out_type=jax.ShapeDtypeStruct((R, D), jnp.float32),
        mesh=mesh,
        scratch_types=[
            pltpu.VMEM((CHUNK, D), jnp.float32),
            pltpu.VMEM((CHUNK, D), jnp.float32),
            pltpu.VMEM((D,), jnp.float32),
            pltpu.VMEM((D,), jnp.float32),
        ],
        compiler_params=pltpu.CompilerParams(needs_layout_passes=False),
    )(_sc_body)
    return f(xf, pos_embed, gamma, beta)


def kernel(x, pos_embed, gamma, beta):
    B, S, Dd = x.shape
    xf = x.reshape(B * S, Dd)
    out = _run_sc(xf, pos_embed[:S], gamma, beta)
    return out.reshape(B, S, Dd)

# --- scband reference (transcript-rebuilt; emitter-appended) ---
"""Pipeline reference for scband-embeddings-77292231458918 (READ-ONLY COPY).

The authoritative reference and input builder live on the scoring server;
editing this copy changes nothing except your own understanding.
"""

import jax, jax.numpy as jnp
import numpy as np

MAX_LEN = 8192
DIM = 1024
BATCH = 4
SEQ = 8192
EPS = 1e-12

def setup_inputs(seed: int = 0) -> dict:
    key = jax.random.key(seed)
    k1, k2 = jax.random.split(key)
    x = jax.random.normal(k1, (BATCH, SEQ, DIM), dtype=jnp.float32)
    pos_embed = jax.random.normal(k2, (MAX_LEN, DIM), dtype=jnp.float32)
    gamma = jnp.ones((DIM,), dtype=jnp.float32)
    beta = jnp.zeros((DIM,), dtype=jnp.float32)
    return {"x": x, "pos_embed": pos_embed, "gamma": gamma, "beta": beta}

def reference(x, pos_embed, gamma, beta):
    seq_len = x.shape[1]
    pos = jnp.arange(seq_len, dtype=jnp.int32)
    pos = jnp.broadcast_to(pos[None, :], (x.shape[0], seq_len))
    pos_e = jnp.take(pos_embed, pos, axis=0)  # [B, S, D] embedding gather
    x = x + pos_e
    u = jnp.mean(x, axis=-1, keepdims=True)
    s = jnp.mean((x - u) ** 2, axis=-1, keepdims=True)
    x = (x - u) / jnp.sqrt(s + EPS)
    out = gamma * x + beta
    # dropout with p=0.0 (eval / identity)
    return out

if __name__ == "__main__":
    import jax
    _d = setup_inputs()
    print(jax.jit(kernel)(*tuple(_d.values())))

</pallas_src>

<mosaic_0001>
#map = affine_map<(d0, d1) -> (0, 0)>
#map1 = affine_map<(d0, d1) -> (0)>
module attributes {stable_mosaic.version = 14 : i64} {
  func.func @_sc_body(%arg0: i32, %arg1: i32, %arg2: memref<32768x1024xf32, #tpu.memory_space<hbm>>, %arg3: memref<8192x1024xf32, #tpu.memory_space<hbm>>, %arg4: memref<1024xf32, #tpu.memory_space<hbm>>, %arg5: memref<1024xf32, #tpu.memory_space<hbm>>, %arg6: memref<32768x1024xf32, #tpu.memory_space<hbm>>, %arg7: memref<32x1024xf32, #tpu.memory_space<vmem>>, %arg8: memref<32x1024xf32, #tpu.memory_space<vmem>>, %arg9: memref<1024xf32, #tpu.memory_space<vmem>>, %arg10: memref<1024xf32, #tpu.memory_space<vmem>>) attributes {dimension_semantics = [#tpu.dimension_semantics<core_parallel>, #tpu.dimension_semantics<subcore_parallel>], iteration_bounds = array<i64: 2, 16>, scalar_prefetch = 0 : i64, scratch_operands = 4 : i64, tpu.core_type = #tpu.core_type<sc_vector_subcore>, window_params = [{transform_indices = #map}, {transform_indices = #map}, {transform_indices = #map1}, {transform_indices = #map1}, {transform_indices = #map}]} {
    %mul3A = arith.constant 2 : i32
    %mul3A_0 = arith.muli %arg1, %mul3A : i32
    %add3A = arith.addi %mul3A_0, %arg0 : i32
    %mul3A_1 = arith.constant 1024 : i32
    %mul3A_2 = arith.muli %add3A, %mul3A_1 : i32
    %jit3A = arith.constant 8 : i32
    %eq3A = arith.constant 0 : i32
    %eq3A_3 = arith.cmpi eq, %jit3A, %eq3A : i32
    %jit3A_4 = arith.constant 1 : i32
    %select_n3A = arith.select %eq3A_3, %jit3A_4, %jit3A : i32
    %rem3A = arith.remsi %add3A, %select_n3A : i32
    %ne3A = arith.constant 0 : i32
    %ne3A_5 = arith.cmpi ne, %rem3A, %ne3A : i32
    %lt3A = arith.constant 0 : i32
    %lt3A_6 = arith.cmpi slt, %rem3A, %lt3A : i32
    %lt3A_7 = arith.constant 0 : i32
    %lt3A_8 = arith.cmpi slt, %select_n3A, %lt3A_7 : i32
    %ne3A_9 = arith.xori %lt3A_6, %lt3A_8 : i1
    %and3A = arith.andi %ne3A_9, %ne3A_5 : i1
    %add3A_10 = arith.addi %rem3A, %select_n3A : i32
    %select_n3A_11 = arith.select %and3A, %add3A_10, %rem3A : i32
    %mul3A_12 = arith.constant 1024 : i32
    %mul3A_13 = arith.muli %select_n3A_11, %mul3A_12 : i32
    "tpu.region"() ({
      %run_scoped3A = tpu.sem_alloc : memref<!tpu.dma_semaphore, #tpu.memory_space<semaphore_mem>>
      tpu.enqueue_dma source(%arg4 : memref<1024xf32, #tpu.memory_space<hbm>>) target(%arg9 : memref<1024xf32, #tpu.memory_space<vmem>>) target_semaphore(%run_scoped3A : memref<!tpu.dma_semaphore, #tpu.memory_space<semaphore_mem>>)
      tpu.wait_dma2 semaphore(%run_scoped3A : memref<!tpu.dma_semaphore, #tpu.memory_space<semaphore_mem>>) src(%arg4 : memref<1024xf32, #tpu.memory_space<hbm>>) dst(%arg9 : memref<1024xf32, #tpu.memory_space<vmem>>)
      tpu.yield
    }) : () -> ()
    "tpu.region"() ({
      %run_scoped3A = tpu.sem_alloc : memref<!tpu.dma_semaphore, #tpu.memory_space<semaphore_mem>>
      tpu.enqueue_dma source(%arg5 : memref<1024xf32, #tpu.memory_space<hbm>>) target(%arg10 : memref<1024xf32, #tpu.memory_space<vmem>>) target_semaphore(%run_scoped3A : memref<!tpu.dma_semaphore, #tpu.memory_space<semaphore_mem>>)
      tpu.wait_dma2 semaphore(%run_scoped3A : memref<!tpu.dma_semaphore, #tpu.memory_space<semaphore_mem>>) src(%arg5 : memref<1024xf32, #tpu.memory_space<hbm>>) dst(%arg10 : memref<1024xf32, #tpu.memory_space<vmem>>)
      tpu.yield
    }) : () -> ()
    %scan3A = arith.constant 0 : i32
    %scan3A_14 = arith.constant 0 : i32
    %scan3A_15 = arith.constant 32 : i32
    %scan3A_16 = arith.addi %scan3A_14, %scan3A_15 : i32
    %scan3A_17 = arith.constant 1 : i32
    scf.for %scan3A_19 = %scan3A_14 to %scan3A_16 step %scan3A_17  : i32 {
      %mul3A_20 = arith.constant 32 : i32
      %mul3A_21 = arith.muli %scan3A_19, %mul3A_20 : i32
      %add3A_22 = arith.addi %mul3A_2, %mul3A_21 : i32
      %mul3A_23 = arith.constant 32 : i32
      %mul3A_24 = arith.muli %scan3A_19, %mul3A_23 : i32
      %add3A_25 = arith.addi %mul3A_13, %mul3A_24 : i32
      "tpu.region"() ({
        %run_scoped3A = tpu.sem_alloc : memref<!tpu.dma_semaphore, #tpu.memory_space<semaphore_mem>>
        %dma_start3A = arith.constant 0 : i32
        %dma_start3A_32 = tpu.memref_slice %arg2[%add3A_22, %dma_start3A] : memref<32768x1024xf32, #tpu.memory_space<hbm>> -> memref<32x1024xf32, #tpu.memory_space<hbm>>
        %dma_start3A_33 = arith.constant 0 : i32
        %dma_start3A_34 = tpu.memref_slice %arg2[%add3A_22, %dma_start3A_33] : memref<32768x1024xf32, #tpu.memory_space<hbm>> -> memref<32x1024xf32, #tpu.memory_space<hbm>>
        tpu.enqueue_dma source(%dma_start3A_34 : memref<32x1024xf32, #tpu.memory_space<hbm>>) target(%arg7 : memref<32x1024xf32, #tpu.memory_space<vmem>>) target_semaphore(%run_scoped3A : memref<!tpu.dma_semaphore, #tpu.memory_space<semaphore_mem>>)
        %dma_wait3A = arith.constant 0 : i32
        %dma_wait3A_35 = tpu.memref_slice %arg2[%add3A_22, %dma_wait3A] : memref<32768x1024xf32, #tpu.memory_space<hbm>> -> memref<32x1024xf32, #tpu.memory_space<hbm>>
        %dma_wait3A_36 = arith.constant 0 : i32
        %dma_wait3A_37 = tpu.memref_slice %arg2[%add3A_22, %dma_wait3A_36] : memref<32768x1024xf32, #tpu.memory_space<hbm>> -> memref<32x1024xf32, #tpu.memory_space<hbm>>
        tpu.wait_dma2 semaphore(%run_scoped3A : memref<!tpu.dma_semaphore, #tpu.memory_space<semaphore_mem>>) src(%dma_wait3A_37 : memref<32x1024xf32, #tpu.memory_space<hbm>>) dst(%arg7 : memref<32x1024xf32, #tpu.memory_space<vmem>>)
        tpu.yield
      }) : () -> ()
      "tpu.region"() ({
        %run_scoped3A = tpu.sem_alloc : memref<!tpu.dma_semaphore, #tpu.memory_space<semaphore_mem>>
        %dma_start3A = arith.constant 0 : i32
        %dma_start3A_32 = tpu.memref_slice %arg3[%add3A_25, %dma_start3A] : memref<8192x1024xf32, #tpu.memory_space<hbm>> -> memref<32x1024xf32, #tpu.memory_space<hbm>>
        %dma_start3A_33 = arith.constant 0 : i32
        %dma_start3A_34 = tpu.memref_slice %arg3[%add3A_25, %dma_start3A_33] : memref<8192x1024xf32, #tpu.memory_space<hbm>> -> memref<32x1024xf32, #tpu.memory_space<hbm>>
        tpu.enqueue_dma source(%dma_start3A_34 : memref<32x1024xf32, #tpu.memory_space<hbm>>) target(%arg8 : memref<32x1024xf32, #tpu.memory_space<vmem>>) target_semaphore(%run_scoped3A : memref<!tpu.dma_semaphore, #tpu.memory_space<semaphore_mem>>)
        %dma_wait3A = arith.constant 0 : i32
        %dma_wait3A_35 = tpu.memref_slice %arg3[%add3A_25, %dma_wait3A] : memref<8192x1024xf32, #tpu.memory_space<hbm>> -> memref<32x1024xf32, #tpu.memory_space<hbm>>
        %dma_wait3A_36 = arith.constant 0 : i32
        %dma_wait3A_37 = tpu.memref_slice %arg3[%add3A_25, %dma_wait3A_36] : memref<8192x1024xf32, #tpu.memory_space<hbm>> -> memref<32x1024xf32, #tpu.memory_space<hbm>>
        tpu.wait_dma2 semaphore(%run_scoped3A : memref<!tpu.dma_semaphore, #tpu.memory_space<semaphore_mem>>) src(%dma_wait3A_37 : memref<32x1024xf32, #tpu.memory_space<hbm>>) dst(%arg8 : memref<32x1024xf32, #tpu.memory_space<vmem>>)
        tpu.yield
      }) : () -> ()
      %scan3A_26 = arith.constant 0 : i32
      %scan3A_27 = arith.constant 0 : i32
      %scan3A_28 = arith.constant 32 : i32
      %scan3A_29 = arith.addi %scan3A_27, %scan3A_28 : i32
      %scan3A_30 = arith.constant 1 : i32
      scf.for %scan3A_32 = %scan3A_27 to %scan3A_29 step %scan3A_30  : i32 {
        %broadcast_in_dim3A = arith.constant 0.000000e+00 : f32
        %broadcast_in_dim3A_33 = vector.broadcast %broadcast_in_dim3A : f32 to vector<16xf32>
        %broadcast_in_dim3A_34 = arith.constant 0.000000e+00 : f32
        %broadcast_in_dim3A_35 = vector.broadcast %broadcast_in_dim3A_34 : f32 to vector<16xf32>
        %get3A = arith.index_cast %scan3A_32 : i32 to index
        %get3A_36 = arith.constant 0 : index
        %get3A_37 = tpu.vector_load %arg7[%get3A, %get3A_36] {strides = array<i32>} : memref<32x1024xf32, #tpu.memory_space<vmem>>, vector<16xf32>,
        %get3A_38 = arith.index_cast %scan3A_32 : i32 to index
        %get3A_39 = arith.constant 0 : index
        %get3A_40 = tpu.vector_load %arg8[%get3A_38, %get3A_39] {strides = array<i32>} : memref<32x1024xf32, #tpu.memory_space<vmem>>, vector<16xf32>,
        %add3A_41 = arith.addf %get3A_37, %get3A_40 : vector<16xf32>
        %add3A_42 = arith.addf %broadcast_in_dim3A_33, %add3A_41 : vector<16xf32>
        %mul3A_43 = arith.mulf %add3A_41, %add3A_41 : vector<16xf32>
        %add3A_44 = arith.addf %broadcast_in_dim3A_35, %mul3A_43 : vector<16xf32>
        %get3A_45 = arith.index_cast %scan3A_32 : i32 to index
        %get3A_46 = arith.constant 16 : index
        %get3A_47 = tpu.vector_load %arg7[%get3A_45, %get3A_46] {strides = array<i32>} : memref<32x1024xf32, #tpu.memory_space<vmem>>, vector<16xf32>,
        %get3A_48 = arith.index_cast %scan3A_32 : i32 to index
        %get3A_49 = arith.constant 16 : index
        %get3A_50 = tpu.vector_load %arg8[%get3A_48, %get3A_49] {strides = array<i32>} : memref<32x1024xf32, #tpu.memory_space<vmem>>, vector<16xf32>,
        %add3A_51 = arith.addf %get3A_47, %get3A_50 : vector<16xf32>
        %add3A_52 = arith.addf %add3A_42, %add3A_51 : vector<16xf32>
        %mul3A_53 = arith.mulf %add3A_51, %add3A_51 : vector<16xf32>
        %add3A_54 = arith.addf %add3A_44, %mul3A_53 : vector<16xf32>
        %get3A_55 = arith.index_cast %scan3A_32 : i32 to index
        %get3A_56 = arith.constant 32 : index
        %get3A_57 = tpu.vector_load %arg7[%get3A_55, %get3A_56] {strides = array<i32>} : memref<32x1024xf32, #tpu.memory_space<vmem>>, vector<16xf32>,
        %get3A_58 = arith.index_cast %scan3A_32 : i32 to index
        %get3A_59 = arith.constant 32 : index
        %get3A_60 = tpu.vector_load %arg8[%get3A_58, %get3A_59] {strides = array<i32>} : memref<32x1024xf32, #tpu.memory_space<vmem>>, vector<16xf32>,
        %add3A_61 = arith.addf %get3A_57, %get3A_60 : vector<16xf32>
        %add3A_62 = arith.addf %add3A_52, %add3A_61 : vector<16xf32>
        %mul3A_63 = arith.mulf %add3A_61, %add3A_61 : vector<16xf32>
        %add3A_64 = arith.addf %add3A_54, %mul3A_63 : vector<16xf32>
        %get3A_65 = arith.index_cast %scan3A_32 : i32 to index
        %get3A_66 = arith.constant 48 : index
        %get3A_67 = tpu.vector_load %arg7[%get3A_65, %get3A_66] {strides = array<i32>} : memref<32x1024xf32, #tpu.memory_space<vmem>>, vector<16xf32>,
        %get3A_68 = arith.index_cast %scan3A_32 : i32 to index
        %get3A_69 = arith.constant 48 : index
        %get3A_70 = tpu.vector_load %arg8[%get3A_68, %get3A_69] {strides = array<i32>} : memref<32x1024xf32, #tpu.memory_space<vmem>>, vector<16xf32>,
        %add3A_71 = arith.addf %get3A_67, %get3A_70 : vector<16xf32>
        %add3A_72 = arith.addf %add3A_62, %add3A_71 : vector<16xf32>
        %mul3A_73 = arith.mulf %add3A_71, %add3A_71 : vector<16xf32>
        %add3A_74 = arith.addf %add3A_64, %mul3A_73 : vector<16xf32>
        %get3A_75 = arith.index_cast %scan3A_32 : i32 to index
        %get3A_76 = arith.constant 64 : index
        %get3A_77 = tpu.vector_load %arg7[%get3A_75, %get3A_76] {strides = array<i32>} : memref<32x1024xf32, #tpu.memory_space<vmem>>, vector<16xf32>,
        %get3A_78 = arith.index_cast %scan3A_32 : i32 to index
        %get3A_79 = arith.constant 64 : index
        %get3A_80 = tpu.vector_load %arg8[%get3A_78, %get3A_79] {strides = array<i32>} : memref<32x1024xf32, #tpu.memory_space<vmem>>, vector<16xf32>,
        %add3A_81 = arith.addf %get3A_77, %get3A_80 : vector<16xf32>
        %add3A_82 = arith.addf %add3A_72, %add3A_81 : vector<16xf32>
        %mul3A_83 = arith.mulf %add3A_81, %add3A_81 : vector<16xf32>
        %add3A_84 = arith.addf %add3A_74, %mul3A_83 : vector<16xf32>
        %get3A_85 = arith.index_cast %scan3A_32 : i32 to index
        %get3A_86 = arith.constant 80 : index
        %get3A_87 = tpu.vector_load %arg7[%get3A_85, %get3A_86] {strides = array<i32>} : memref<32x1024xf32, #tpu.memory_space<vmem>>, vector<16xf32>,
        %get3A_88 = arith.index_cast %scan3A_32 : i32 to index
        %get3A_89 = arith.constant 80 : index
        %get3A_90 = tpu.vector_load %arg8[%get3A_88, %get3A_89] {strides = array<i32>} : memref<32x1024xf32, #tpu.memory_space<vmem>>, vector<16xf32>,
        %add3A_91 = arith.addf %get3A_87, %get3A_90 : vector<16xf32>
        %add3A_92 = arith.addf %add3A_82, %add3A_91 : vector<16xf32>
        %mul3A_93 = arith.mulf %add3A_91, %add3A_91 : vector<16xf32>
        %add3A_94 = arith.addf %add3A_84, %mul3A_93 : vector<16xf32>
        %get3A_95 = arith.index_cast %scan3A_32 : i32 to index
        %get3A_96 = arith.constant 96 : index
        %get3A_97 = tpu.vector_load %arg7[%get3A_95, %get3A_96] {strides = array<i32>} : memref<32x1024xf32, #tpu.memory_space<vmem>>, vector<16xf32>,
        %get3A_98 = arith.index_cast %scan3A_32 : i32 to index
        %get3A_99 = arith.constant 96 : index
        %get3A_100 = tpu.vector_load %arg8[%get3A_98, %get3A_99] {strides = array<i32>} : memref<32x1024xf32, #tpu.memory_space<vmem>>, vector<16xf32>,
        %add3A_101 = arith.addf %get3A_97, %get3A_100 : vector<16xf32>
        %add3A_102 = arith.addf %add3A_92, %add3A_101 : vector<16xf32>
        %mul3A_103 = arith.mulf %add3A_101, %add3A_101 : vector<16xf32>
        %add3A_104 = arith.addf %add3A_94, %mul3A_103 : vector<16xf32>
        %get3A_105 = arith.index_cast %scan3A_32 : i32 to index
        %get3A_106 = arith.constant 112 : index
        %get3A_107 = tpu.vector_load %arg7[%get3A_105, %get3A_106] {strides = array<i32>} : memref<32x1024xf32, #tpu.memory_space<vmem>>, vector<16xf32>,
        %get3A_108 = arith.index_cast %scan3A_32 : i32 to index
        %get3A_109 = arith.constant 112 : index
        %get3A_110 = tpu.vector_load %arg8[%get3A_108, %get3A_109] {strides = array<i32>} : memref<32x1024xf32, #tpu.memory_space<vmem>>, vector<16xf32>,
        %add3A_111 = arith.addf %get3A_107, %get3A_110 : vector<16xf32>
        %add3A_112 = arith.addf %add3A_102, %add3A_111 : vector<16xf32>
        %mul3A_113 = arith.mulf %add3A_111, %add3A_111 : vector<16xf32>
        %add3A_114 = arith.addf %add3A_104, %mul3A_113 : vector<16xf32>
        %get3A_115 = arith.index_cast %scan3A_32 : i32 to index
        %get3A_116 = arith.constant 128 : index
        %get3A_117 = tpu.vector_load %arg7[%get3A_115, %get3A_116] {strides = array<i32>} : memref<32x1024xf32, #tpu.memory_space<vmem>>, vector<16xf32>,
        %get3A_118 = arith.index_cast %scan3A_32 : i32 to index
        %get3A_119 = arith.constant 128 : index
        %get3A_120 = tpu.vector_load %arg8[%get3A_118, %get3A_119] {strides = array<i32>} : memref<32x1024xf32, #tpu.memory_space<vmem>>, vector<16xf32>,
        %add3A_121 = arith.addf %get3A_117, %get3A_120 : vector<16xf32>
        %add3A_122 = arith.addf %add3A_112, %add3A_121 : vector<16xf32>
        %mul3A_123 = arith.mulf %add3A_121, %add3A_121 : vector<16xf32>
        %add3A_124 = arith.addf %add3A_114, %mul3A_123 : vector<16xf32>
        %get3A_125 = arith.index_cast %scan3A_32 : i32 to index
        %get3A_126 = arith.constant 144 : index
        %get3A_127 = tpu.vector_load %arg7[%get3A_125, %get3A_126] {strides = array<i32>} : memref<32x1024xf32, #tpu.memory_space<vmem>>, vector<16xf32>,
        %get3A_128 = arith.index_cast %scan3A_32 : i32 to index
        %get3A_129 = arith.constant 144 : index
        %get3A_130 = tpu.vector_load %arg8[%get3A_128, %get3A_129] {strides = array<i32>} : memref<32x1024xf32, #tpu.memory_space<vmem>>, vector<16xf32>,
        %add3A_131 = arith.addf %get3A_127, %get3A_130 : vector<16xf32>
        %add3A_132 = arith.addf %add3A_122, %add3A_131 : vector<16xf32>
        %mul3A_133 = arith.mulf %add3A_131, %add3A_131 : vector<16xf32>
        %add3A_134 = arith.addf %add3A_124, %mul3A_133 : vector<16xf32>
        %get3A_135 = arith.index_cast %scan3A_32 : i32 to index
        %get3A_136 = arith.constant 160 : index
        %get3A_137 = tpu.vector_load %arg7[%get3A_135, %get3A_136] {strides = array<i32>} : memref<32x1024xf32, #tpu.memory_space<vmem>>, vector<16xf32>,
        %get3A_138 = arith.index_cast %scan3A_32 : i32 to index
        %get3A_139 = arith.constant 160 : index
        %get3A_140 = tpu.vector_load %arg8[%get3A_138, %get3A_139] {strides = array<i32>} : memref<32x1024xf32, #tpu.memory_space<vmem>>, vector<16xf32>,
        %add3A_141 = arith.addf %get3A_137, %get3A_140 : vector<16xf32>
        %add3A_142 = arith.addf %add3A_132, %add3A_141 : vector<16xf32>
        %mul3A_143 = arith.mulf %add3A_141, %add3A_141 : vector<16xf32>
        %add3A_144 = arith.addf %add3A_134, %mul3A_143 : vector<16xf32>
        %get3A_145 = arith.index_cast %scan3A_32 : i32 to index
        %get3A_146 = arith.constant 176 : index
        %get3A_147 = tpu.vector_load %arg7[%get3A_145, %get3A_146] {strides = array<i32>} : memref<32x1024xf32, #tpu.memory_space<vmem>>, vector<16xf32>,
        %get3A_148 = arith.index_cast %scan3A_32 : i32 to index
        %get3A_149 = arith.constant 176 : index
        %get3A_150 = tpu.vector_load %arg8[%get3A_148, %get3A_149] {strides = array<i32>} : memref<32x1024xf32, #tpu.memory_space<vmem>>, vector<16xf32>,
        %add3A_151 = arith.addf %get3A_147, %get3A_150 : vector<16xf32>
        %add3A_152 = arith.addf %add3A_142, %add3A_151 : vector<16xf32>
        %mul3A_153 = arith.mulf %add3A_151, %add3A_151 : vector<16xf32>
        %add3A_154 = arith.addf %add3A_144, %mul3A_153 : vector<16xf32>
        %get3A_155 = arith.index_cast %scan3A_32 : i32 to index
        %get3A_156 = arith.constant 192 : index
        %get3A_157 = tpu.vector_load %arg7[%get3A_155, %get3A_156] {strides = array<i32>} : memref<32x1024xf32, #tpu.memory_space<vmem>>, vector<16xf32>,
        %get3A_158 = arith.index_cast %scan3A_32 : i32 to index
        %get3A_159 = arith.constant 192 : index
        %get3A_160 = tpu.vector_load %arg8[%get3A_158, %get3A_159] {strides = array<i32>} : memref<32x1024xf32, #tpu.memory_space<vmem>>, vector<16xf32>,
        %add3A_161 = arith.addf %get3A_157, %get3A_160 : vector<16xf32>
        %add3A_162 = arith.addf %add3A_152, %add3A_161 : vector<16xf32>
        %mul3A_163 = arith.mulf %add3A_161, %add3A_161 : vector<16xf32>
        %add3A_164 = arith.addf %add3A_154, %mul3A_163 : vector<16xf32>
        %get3A_165 = arith.index_cast %scan3A_32 : i32 to index
        %get3A_166 = arith.constant 208 : index
        %get3A_167 = tpu.vector_load %arg7[%get3A_165, %get3A_166] {strides = array<i32>} : memref<32x1024xf32, #tpu.memory_space<vmem>>, vector<16xf32>,
        %get3A_168 = arith.index_cast %scan3A_32 : i32 to index
        %get3A_169 = arith.constant 208 : index
        %get3A_170 = tpu.vector_load %arg8[%get3A_168, %get3A_169] {strides = array<i32>} : memref<32x1024xf32, #tpu.memory_space<vmem>>, vector<16xf32>,
        %add3A_171 = arith.addf %get3A_167, %get3A_170 : vector<16xf32>
        %add3A_172 = arith.addf %add3A_162, %add3A_171 : vector<16xf32>
        %mul3A_173 = arith.mulf %add3A_171, %add3A_171 : vector<16xf32>
        %add3A_174 = arith.addf %add3A_164, %mul3A_173 : vector<16xf32>
        %get3A_175 = arith.index_cast %scan3A_32 : i32 to index
        %get3A_176 = arith.constant 224 : index
        %get3A_177 = tpu.vector_load %arg7[%get3A_175, %get3A_176] {strides = array<i32>} : memref<32x1024xf32, #tpu.memory_space<vmem>>, vector<16xf32>,
        %get3A_178 = arith.index_cast %scan3A_32 : i32 to index
        %get3A_179 = arith.constant 224 : index
        %get3A_180 = tpu.vector_load %arg8[%get3A_178, %get3A_179] {strides = array<i32>} : memref<32x1024xf32, #tpu.memory_space<vmem>>, vector<16xf32>,
        %add3A_181 = arith.addf %get3A_177, %get3A_180 : vector<16xf32>
        %add3A_182 = arith.addf %add3A_172, %add3A_181 : vector<16xf32>
        %mul3A_183 = arith.mulf %add3A_181, %add3A_181 : vector<16xf32>
        %add3A_184 = arith.addf %add3A_174, %mul3A_183 : vector<16xf32>
        %get3A_185 = arith.index_cast %scan3A_32 : i32 to index
        %get3A_186 = arith.constant 240 : index
        %get3A_187 = tpu.vector_load %arg7[%get3A_185, %get3A_186] {strides = array<i32>} : memref<32x1024xf32, #tpu.memory_space<vmem>>, vector<16xf32>,
        %get3A_188 = arith.index_cast %scan3A_32 : i32 to index
        %get3A_189 = arith.constant 240 : index
        %get3A_190 = tpu.vector_load %arg8[%get3A_188, %get3A_189] {strides = array<i32>} : memref<32x1024xf32, #tpu.memory_space<vmem>>, vector<16xf32>,
        %add3A_191 = arith.addf %get3A_187, %get3A_190 : vector<16xf32>
        %add3A_192 = arith.addf %add3A_182, %add3A_191 : vector<16xf32>
        %mul3A_193 = arith.mulf %add3A_191, %add3A_191 : vector<16xf32>
        %add3A_194 = arith.addf %add3A_184, %mul3A_193 : vector<16xf32>
        %get3A_195 = arith.index_cast %scan3A_32 : i32 to index
        %get3A_196 = arith.constant 256 : index
        %get3A_197 = tpu.vector_load %arg7[%get3A_195, %get3A_196] {strides = array<i32>} : memref<32x1024xf32, #tpu.memory_space<vmem>>, vector<16xf32>,
        %get3A_198 = arith.index_cast %scan3A_32 : i32 to index
        %get3A_199 = arith.constant 256 : index
        %get3A_200 = tpu.vector_load %arg8[%get3A_198, %get3A_199] {strides = array<i32>} : memref<32x1024xf32, #tpu.memory_space<vmem>>, vector<16xf32>,
        %add3A_201 = arith.addf %get3A_197, %get3A_200 : vector<16xf32>
        %add3A_202 = arith.addf %add3A_192, %add3A_201 : vector<16xf32>
        %mul3A_203 = arith.mulf %add3A_201, %add3A_201 : vector<16xf32>
        %add3A_204 = arith.addf %add3A_194, %mul3A_203 : vector<16xf32>
        %get3A_205 = arith.index_cast %scan3A_32 : i32 to index
        %get3A_206 = arith.constant 272 : index
        %get3A_207 = tpu.vector_load %arg7[%get3A_205, %get3A_206] {strides = array<i32>} : memref<32x1024xf32, #tpu.memory_space<vmem>>, vector<16xf32>,
        %get3A_208 = arith.index_cast %scan3A_32 : i32 to index
        %get3A_209 = arith.constant 272 : index
        %get3A_210 = tpu.vector_load %arg8[%get3A_208, %get3A_209] {strides = array<i32>} : memref<32x1024xf32, #tpu.memory_space<vmem>>, vector<16xf32>,
        %add3A_211 = arith.addf %get3A_207, %get3A_210 : vector<16xf32>
        %add3A_212 = arith.addf %add3A_202, %add3A_211 : vector<16xf32>
        %mul3A_213 = arith.mulf %add3A_211, %add3A_211 : vector<16xf32>
        %add3A_214 = arith.addf %add3A_204, %mul3A_213 : vector<16xf32>
        %get3A_215 = arith.index_cast %scan3A_32 : i32 to index
        %get3A_216 = arith.constant 288 : index
        %get3A_217 = tpu.vector_load %arg7[%get3A_215, %get3A_216] {strides = array<i32>} : memref<32x1024xf32, #tpu.memory_space<vmem>>, vector<16xf32>,
        %get3A_218 = arith.index_cast %scan3A_32 : i32 to index
        %get3A_219 = arith.constant 288 : index
        %get3A_220 = tpu.vector_load %arg8[%get3A_218, %get3A_219] {strides = array<i32>} : memref<32x1024xf32, #tpu.memory_space<vmem>>, vector<16xf32>,
        %add3A_221 = arith.addf %get3A_217, %get3A_220 : vector<16xf32>
        %add3A_222 = arith.addf %add3A_212, %add3A_221 : vector<16xf32>
        %mul3A_223 = arith.mulf %add3A_221, %add3A_221 : vector<16xf32>
        %add3A_224 = arith.addf %add3A_214, %mul3A_223 : vector<16xf32>
        %get3A_225 = arith.index_cast %scan3A_32 : i32 to index
        %get3A_226 = arith.constant 304 : index
        %get3A_227 = tpu.vector_load %arg7[%get3A_225, %get3A_226] {strides = array<i32>} : memref<32x1024xf32, #tpu.memory_space<vmem>>, vector<16xf32>,
        %get3A_228 = arith.index_cast %scan3A_32 : i32 to index
        %get3A_229 = arith.constant 304 : index
        %get3A_230 = tpu.vector_load %arg8[%get3A_228, %get3A_229] {strides = array<i32>} : memref<32x1024xf32, #tpu.memory_space<vmem>>, vector<16xf32>,
        %add3A_231 = arith.addf %get3A_227, %get3A_230 : vector<16xf32>
        %add3A_232 = arith.addf %add3A_222, %add3A_231 : vector<16xf32>
        %mul3A_233 = arith.mulf %add3A_231, %add3A_231 : vector<16xf32>
        %add3A_234 = arith.addf %add3A_224, %mul3A_233 : vector<16xf32>
        %get3A_235 = arith.index_cast %scan3A_32 : i32 to index
        %get3A_236 = arith.constant 320 : index
        %get3A_237 = tpu.vector_load %arg7[%get3A_235, %get3A_236] {strides = array<i32>} : memref<32x1024xf32, #tpu.memory_space<vmem>>, vector<16xf32>,
        %get3A_238 = arith.index_cast %scan3A_32 : i32 to index
        %get3A_239 = arith.constant 320 : index
        %get3A_240 = tpu.vector_load %arg8[%get3A_238, %get3A_239] {strides = array<i32>} : memref<32x1024xf32, #tpu.memory_space<vmem>>, vector<16xf32>,
        %add3A_241 = arith.addf %get3A_237, %get3A_240 : vector<16xf32>
        %add3A_242 = arith.addf %add3A_232, %add3A_241 : vector<16xf32>
        %mul3A_243 = arith.mulf %add3A_241, %add3A_241 : vector<16xf32>
        %add3A_244 = arith.addf %add3A_234, %mul3A_243 : vector<16xf32>
        %get3A_245 = arith.index_cast %scan3A_32 : i32 to index
        %get3A_246 = arith.constant 336 : index
        %get3A_247 = tpu.vector_load %arg7[%get3A_245, %get3A_246] {strides = array<i32>} : memref<32x1024xf32, #tpu.memory_space<vmem>>, vector<16xf32>,
        %get3A_248 = arith.index_cast %scan3A_32 : i32 to index
        %get3A_249 = arith.constant 336 : index
        %get3A_250 = tpu.vector_load %arg8[%get3A_248, %get3A_249] {strides = array<i32>} : memref<32x1024xf32, #tpu.memory_space<vmem>>, vector<16xf32>,
        %add3A_251 = arith.addf %get3A_247, %get3A_250 : vector<16xf32>
        %add3A_252 = arith.addf %add3A_242, %add3A_251 : vector<16xf32>
        %mul3A_253 = arith.mulf %add3A_251, %add3A_251 : vector<16xf32>
        %add3A_254 = arith.addf %add3A_244, %mul3A_253 : vector<16xf32>
        %get3A_255 = arith.index_cast %scan3A_32 : i32 to index
        %get3A_256 = arith.constant 352 : index
        %get3A_257 = tpu.vector_load %arg7[%get3A_255, %get3A_256] {strides = array<i32>} : memref<32x1024xf32, #tpu.memory_space<vmem>>, vector<16xf32>,
        %get3A_258 = arith.index_cast %scan3A_32 : i32 to index
        %get3A_259 = arith.constant 352 : index
        %get3A_260 = tpu.vector_load %arg8[%get3A_258, %get3A_259] {strides = array<i32>} : memref<32x1024xf32, #tpu.memory_space<vmem>>, vector<16xf32>,
        %add3A_261 = arith.addf %get3A_257, %get3A_260 : vector<16xf32>
        %add3A_262 = arith.addf %add3A_252, %add3A_261 : vector<16xf32>
        %mul3A_263 = arith.mulf %add3A_261, %add3A_261 : vector<16xf32>
        %add3A_264 = arith.addf %add3A_254, %mul3A_263 : vector<16xf32>
        %get3A_265 = arith.index_cast %scan3A_32 : i32 to index
        %get3A_266 = arith.constant 368 : index
        %get3A_267 = tpu.vector_load %arg7[%get3A_265, %get3A_266] {strides = array<i32>} : memref<32x1024xf32, #tpu.memory_space<vmem>>, vector<16xf32>,
        %get3A_268 = arith.index_cast %scan3A_32 : i32 to index
        %get3A_269 = arith.constant 368 : index
        %get3A_270 = tpu.vector_load %arg8[%get3A_268, %get3A_269] {strides = array<i32>} : memref<32x1024xf32, #tpu.memory_space<vmem>>, vector<16xf32>,
        %add3A_271 = arith.addf %get3A_267, %get3A_270 : vector<16xf32>
        %add3A_272 = arith.addf %add3A_262, %add3A_271 : vector<16xf32>
        %mul3A_273 = arith.mulf %add3A_271, %add3A_271 : vector<16xf32>
        %add3A_274 = arith.addf %add3A_264, %mul3A_273 : vector<16xf32>
        %get3A_275 = arith.index_cast %scan3A_32 : i32 to index
        %get3A_276 = arith.constant 384 : index
        %get3A_277 = tpu.vector_load %arg7[%get3A_275, %get3A_276] {strides = array<i32>} : memref<32x1024xf32, #tpu.memory_space<vmem>>, vector<16xf32>,
        %get3A_278 = arith.index_cast %scan3A_32 : i32 to index
        %get3A_279 = arith.constant 384 : index
        %get3A_280 = tpu.vector_load %arg8[%get3A_278, %get3A_279] {strides = array<i32>} : memref<32x1024xf32, #tpu.memory_space<vmem>>, vector<16xf32>,
        %add3A_281 = arith.addf %get3A_277, %get3A_280 : vector<16xf32>
        %add3A_282 = arith.addf %add3A_272, %add3A_281 : vector<16xf32>
        %mul3A_283 = arith.mulf %add3A_281, %add3A_281 : vector<16xf32>
        %add3A_284 = arith.addf %add3A_274, %mul3A_283 : vector<16xf32>
        %get3A_285 = arith.index_cast %scan3A_32 : i32 to index
        %get3A_286 = arith.constant 400 : index
        %get3A_287 = tpu.vector_load %arg7[%get3A_285, %get3A_286] {strides = array<i32>} : memref<32x1024xf32, #tpu.memory_space<vmem>>, vector<16xf32>,
        %get3A_288 = arith.index_cast %scan3A_32 : i32 to index
        %get3A_289 = arith.constant 400 : index
        %get3A_290 = tpu.vector_load %arg8[%get3A_288, %get3A_289] {strides = array<i32>} : memref<32x1024xf32, #tpu.memory_space<vmem>>, vector<16xf32>,
        %add3A_291 = arith.addf %get3A_287, %get3A_290 : vector<16xf32>
        %add3A_292 = arith.addf %add3A_282, %add3A_291 : vector<16xf32>
        %mul3A_293 = arith.mulf %add3A_291, %add3A_291 : vector<16xf32>
        %add3A_294 = arith.addf %add3A_284, %mul3A_293 : vector<16xf32>
        %get3A_295 = arith.index_cast %scan3A_32 : i32 to index
        %get3A_296 = arith.constant 416 : index
        %get3A_297 = tpu.vector_load %arg7[%get3A_295, %get3A_296] {strides = array<i32>} : memref<32x1024xf32, #tpu.memory_space<vmem>>, vector<16xf32>,
        %get3A_298 = arith.index_cast %scan3A_32 : i32 to index
        %get3A_299 = arith.constant 416 : index
        %get3A_300 = tpu.vector_load %arg8[%get3A_298, %get3A_299] {strides = array<i32>} : memref<32x1024xf32, #tpu.memory_space<vmem>>, vector<16xf32>,
        %add3A_301 = arith.addf %get3A_297, %get3A_300 : vector<16xf32>
        %add3A_302 = arith.addf %add3A_292, %add3A_301 : vector<16xf32>
        %mul3A_303 = arith.mulf %add3A_301, %add3A_301 : vector<16xf32>
        %add3A_304 = arith.addf %add3A_294, %mul3A_303 : vector<16xf32>
        %get3A_305 = arith.index_cast %scan3A_32 : i32 to index
        %get3A_306 = arith.constant 432 : index
        %get3A_307 = tpu.vector_load %arg7[%get3A_305, %get3A_306] {strides = array<i32>} : memref<32x1024xf32, #tpu.memory_space<vmem>>, vector<16xf32>,
        %get3A_308 = arith.index_cast %scan3A_32 : i32 to index
        %get3A_309 = arith.constant 432 : index
        %get3A_310 = tpu.vector_load %arg8[%get3A_308, %get3A_309] {strides = array<i32>} : memref<32x1024xf32, #tpu.memory_space<vmem>>, vector<16xf32>,
        %add3A_311 = arith.addf %get3A_307, %get3A_310 : vector<16xf32>
        %add3A_312 = arith.addf %add3A_302, %add3A_311 : vector<16xf32>
        %mul3A_313 = arith.mulf %add3A_311, %add3A_311 : vector<16xf32>
        %add3A_314 = arith.addf %add3A_304, %mul3A_313 : vector<16xf32>
        %get3A_315 = arith.index_cast %scan3A_32 : i32 to index
        %get3A_316 = arith.constant 448 : index
        %get3A_317 = tpu.vector_load %arg7[%get3A_315, %get3A_316] {strides = array<i32>} : memref<32x1024xf32, #tpu.memory_space<vmem>>, vector<16xf32>,
        %get3A_318 = arith.index_cast %scan3A_32 : i32 to index
        %get3A_319 = arith.constant 448 : index
        %get3A_320 = tpu.vector_load %arg8[%get3A_318, %get3A_319] {strides = array<i32>} : memref<32x1024xf32, #tpu.memory_space<vmem>>, vector<16xf32>,
        %add3A_321 = arith.addf %get3A_317, %get3A_320 : vector<16xf32>
        %add3A_322 = arith.addf %add3A_312, %add3A_321 : vector<16xf32>
        %mul3A_323 = arith.mulf %add3A_321, %add3A_321 : vector<16xf32>
        %add3A_324 = arith.addf %add3A_314, %mul3A_323 : vector<16xf32>
        %get3A_325 = arith.index_cast %scan3A_32 : i32 to index
        %get3A_326 = arith.constant 464 : index
        %get3A_327 = tpu.vector_load %arg7[%get3A_325, %get3A_326] {strides = array<i32>} : memref<32x1024xf32, #tpu.memory_space<vmem>>, vector<16xf32>,
        %get3A_328 = arith.index_cast %scan3A_32 : i32 to index
        %get3A_329 = arith.constant 464 : index
        %get3A_330 = tpu.vector_load %arg8[%get3A_328, %get3A_329] {strides = array<i32>} : memref<32x1024xf32, #tpu.memory_space<vmem>>, vector<16xf32>,
        %add3A_331 = arith.addf %get3A_327, %get3A_330 : vector<16xf32>
        %add3A_332 = arith.addf %add3A_322, %add3A_331 : vector<16xf32>
        %mul3A_333 = arith.mulf %add3A_331, %add3A_331 : vector<16xf32>
        %add3A_334 = arith.addf %add3A_324, %mul3A_333 : vector<16xf32>
        %get3A_335 = arith.index_cast %scan3A_32 : i32 to index
        %get3A_336 = arith.constant 480 : index
        %get3A_337 = tpu.vector_load %arg7[%get3A_335, %get3A_336] {strides = array<i32>} : memref<32x1024xf32, #tpu.memory_space<vmem>>, vector<16xf32>,
        %get3A_338 = arith.index_cast %scan3A_32 : i32 to index
        %get3A_339 = arith.constant 480 : index
        %get3A_340 = tpu.vector_load %arg8[%get3A_338, %get3A_339] {strides = array<i32>} : memref<32x1024xf32, #tpu.memory_space<vmem>>, vector<16xf32>,
        %add3A_341 = arith.addf %get3A_337, %get3A_340 : vector<16xf32>
        %add3A_342 = arith.addf %add3A_332, %add3A_341 : vector<16xf32>
        %mul3A_343 = arith.mulf %add3A_341, %add3A_341 : vector<16xf32>
        %add3A_344 = arith.addf %add3A_334, %mul3A_343 : vector<16xf32>
        %get3A_345 = arith.index_cast %scan3A_32 : i32 to index
        %get3A_346 = arith.constant 496 : index
        %get3A_347 = tpu.vector_load %arg7[%get3A_345, %get3A_346] {strides = array<i32>} : memref<32x1024xf32, #tpu.memory_space<vmem>>, vector<16xf32>,
        %get3A_348 = arith.index_cast %scan3A_32 : i32 to index
        %get3A_349 = arith.constant 496 : index
        %get3A_350 = tpu.vector_load %arg8[%get3A_348, %get3A_349] {strides = array<i32>} : memref<32x1024xf32, #tpu.memory_space<vmem>>, vector<16xf32>,
        %add3A_351 = arith.addf %get3A_347, %get3A_350 : vector<16xf32>
        %add3A_352 = arith.addf %add3A_342, %add3A_351 : vector<16xf32>
        %mul3A_353 = arith.mulf %add3A_351, %add3A_351 : vector<16xf32>
        %add3A_354 = arith.addf %add3A_344, %mul3A_353 : vector<16xf32>
        %get3A_355 = arith.index_cast %scan3A_32 : i32 to index
        %get3A_356 = arith.constant 512 : index
        %get3A_357 = tpu.vector_load %arg7[%get3A_355, %get3A_356] {strides = array<i32>} : memref<32x1024xf32, #tpu.memory_space<vmem>>, vector<16xf32>,
        %get3A_358 = arith.index_cast %scan3A_32 : i32 to index
        %get3A_359 = arith.constant 512 : index
        %get3A_360 = tpu.vector_load %arg8[%get3A_358, %get3A_359] {strides = array<i32>} : memref<32x1024xf32, #tpu.memory_space<vmem>>, vector<16xf32>,
        %add3A_361 = arith.addf %get3A_357, %get3A_360 : vector<16xf32>
        %add3A_362 = arith.addf %add3A_352, %add3A_361 : vector<16xf32>
        %mul3A_363 = arith.mulf %add3A_361, %add3A_361 : vector<16xf32>
        %add3A_364 = arith.addf %add3A_354, %mul3A_363 : vector<16xf32>
        %get3A_365 = arith.index_cast %scan3A_32 : i32 to index
        %get3A_366 = arith.constant 528 : index
        %get3A_367 = tpu.vector_load %arg7[%get3A_365, %get3A_366] {strides = array<i32>} : memref<32x1024xf32, #tpu.memory_space<vmem>>, vector<16xf32>,
        %get3A_368 = arith.index_cast %scan3A_32 : i32 to index
        %get3A_369 = arith.constant 528 : index
        %get3A_370 = tpu.vector_load %arg8[%get3A_368, %get3A_369] {strides = array<i32>} : memref<32x1024xf32, #tpu.memory_space<vmem>>, vector<16xf32>,
        %add3A_371 = arith.addf %get3A_367, %get3A_370 : vector<16xf32>
        %add3A_372 = arith.addf %add3A_362, %add3A_371 : vector<16xf32>
        %mul3A_373 = arith.mulf %add3A_371, %add3A_371 : vector<16xf32>
        %add3A_374 = arith.addf %add3A_364, %mul3A_373 : vector<16xf32>
        %get3A_375 = arith.index_cast %scan3A_32 : i32 to index
        %get3A_376 = arith.constant 544 : index
        %get3A_377 = tpu.vector_load %arg7[%get3A_375, %get3A_376] {strides = array<i32>} : memref<32x1024xf32, #tpu.memory_space<vmem>>, vector<16xf32>,
        %get3A_378 = arith.index_cast %scan3A_32 : i32 to index
        %get3A_379 = arith.constant 544 : index
        %get3A_380 = tpu.vector_load %arg8[%get3A_378, %get3A_379] {strides = array<i32>} : memref<32x1024xf32, #tpu.memory_space<vmem>>, vector<16xf32>,
        %add3A_381 = arith.addf %get3A_377, %get3A_380 : vector<16xf32>
        %add3A_382 = arith.addf %add3A_372, %add3A_381 : vector<16xf32>
        %mul3A_383 = arith.mulf %add3A_381, %add3A_381 : vector<16xf32>
        %add3A_384 = arith.addf %add3A_374, %mul3A_383 : vector<16xf32>
        %get3A_385 = arith.index_cast %scan3A_32 : i32 to index
        %get3A_386 = arith.constant 560 : index
        %get3A_387 = tpu.vector_load %arg7[%get3A_385, %get3A_386] {strides = array<i32>} : memref<32x1024xf32, #tpu.memory_space<vmem>>, vector<16xf32>,
        %get3A_388 = arith.index_cast %scan3A_32 : i32 to index
        %get3A_389 = arith.constant 560 : index
        %get3A_390 = tpu.vector_load %arg8[%get3A_388, %get3A_389] {strides = array<i32>} : memref<32x1024xf32, #tpu.memory_space<vmem>>, vector<16xf32>,
        %add3A_391 = arith.addf %get3A_387, %get3A_390 : vector<16xf32>
        %add3A_392 = arith.addf %add3A_382, %add3A_391 : vector<16xf32>
        %mul3A_393 = arith.mulf %add3A_391, %add3A_391 : vector<16xf32>
        %add3A_394 = arith.addf %add3A_384, %mul3A_393 : vector<16xf32>
        %get3A_395 = arith.index_cast %scan3A_32 : i32 to index
        %get3A_396 = arith.constant 576 : index
        %get3A_397 = tpu.vector_load %arg7[%get3A_395, %get3A_396] {strides = array<i32>} : memref<32x1024xf32, #tpu.memory_space<vmem>>, vector<16xf32>,
        %get3A_398 = arith.index_cast %scan3A_32 : i32 to index
        %get3A_399 = arith.constant 576 : index
        %get3A_400 = tpu.vector_load %arg8[%get3A_398, %get3A_399] {strides = array<i32>} : memref<32x1024xf32, #tpu.memory_space<vmem>>, vector<16xf32>,
        %add3A_401 = arith.addf %get3A_397, %get3A_400 : vector<16xf32>
        %add3A_402 = arith.addf %add3A_392, %add3A_401 : vector<16xf32>
        %mul3A_403 = arith.mulf %add3A_401, %add3A_401 : vector<16xf32>
        %add3A_404 = arith.addf %add3A_394, %mul3A_403 : vector<16xf32>
        %get3A_405 = arith.index_cast %scan3A_32 : i32 to index
        %get3A_406 = arith.constant 592 : index
        %get3A_407 = tpu.vector_load %arg7[%get3A_405, %get3A_406] {strides = array<i32>} : memref<32x1024xf32, #tpu.memory_space<vmem>>, vector<16xf32>,
        %get3A_408 = arith.index_cast %scan3A_32 : i32 to index
        %get3A_409 = arith.constant 592 : index
        %get3A_410 = tpu.vector_load %arg8[%get3A_408, %get3A_409] {strides = array<i32>} : memref<32x1024xf32, #tpu.memory_space<vmem>>, vector<16xf32>,
        %add3A_411 = arith.addf %get3A_407, %get3A_410 : vector<16xf32>
        %add3A_412 = arith.addf %add3A_402, %add3A_411 : vector<16xf32>
        %mul3A_413 = arith.mulf %add3A_411, %add3A_411 : vector<16xf32>
        %add3A_414 = arith.addf %add3A_404, %mul3A_413 : vector<16xf32>
        %get3A_415 = arith.index_cast %scan3A_32 : i32 to index
        %get3A_416 = arith.constant 608 : index
        %get3A_417 = tpu.vector_load %arg7[%get3A_415, %get3A_416] {strides = array<i32>} : memref<32x1024xf32, #tpu.memory_space<vmem>>, vector<16xf32>,
        %get3A_418 = arith.index_cast %scan3A_32 : i32 to index
        %get3A_419 = arith.constant 608 : index
        %get3A_420 = tpu.vector_load %arg8[%get3A_418, %get3A_419] {strides = array<i32>} : memref<32x1024xf32, #tpu.memory_space<vmem>>, vector<16xf32>,
        %add3A_421 = arith.addf %get3A_417, %get3A_420 : vector<16xf32>
        %add3A_422 = arith.addf %add3A_412, %add3A_421 : vector<16xf32>
        %mul3A_423 = arith.mulf %add3A_421, %add3A_421 : vector<16xf32>
        %add3A_424 = arith.addf %add3A_414, %mul3A_423 : vector<16xf32>
        %get3A_425 = arith.index_cast %scan3A_32 : i32 to index
        %get3A_426 = arith.constant 624 : index
        %get3A_427 = tpu.vector_load %arg7[%get3A_425, %get3A_426] {strides = array<i32>} : memref<32x1024xf32, #tpu.memory_space<vmem>>, vector<16xf32>,
        %get3A_428 = arith.index_cast %scan3A_32 : i32 to index
        %get3A_429 = arith.constant 624 : index
        %get3A_430 = tpu.vector_load %arg8[%get3A_428, %get3A_429] {strides = array<i32>} : memref<32x1024xf32, #tpu.memory_space<vmem>>, vector<16xf32>,
        %add3A_431 = arith.addf %get3A_427, %get3A_430 : vector<16xf32>
        %add3A_432 = arith.addf %add3A_422, %add3A_431 : vector<16xf32>
        %mul3A_433 = arith.mulf %add3A_431, %add3A_431 : vector<16xf32>
        %add3A_434 = arith.addf %add3A_424, %mul3A_433 : vector<16xf32>
        %get3A_435 = arith.index_cast %scan3A_32 : i32 to index
        %get3A_436 = arith.constant 640 : index
        %get3A_437 = tpu.vector_load %arg7[%get3A_435, %get3A_436] {strides = array<i32>} : memref<32x1024xf32, #tpu.memory_space<vmem>>, vector<16xf32>,
        %get3A_438 = arith.index_cast %scan3A_32 : i32 to index
        %get3A_439 = arith.constant 640 : index
        %get3A_440 = tpu.vector_load %arg8[%get3A_438, %get3A_439] {strides = array<i32>} : memref<32x1024xf32, #tpu.memory_space<vmem>>, vector<16xf32>,
        %add3A_441 = arith.addf %get3A_437, %get3A_440 : vector<16xf32>
        %add3A_442 = arith.addf %add3A_432, %add3A_441 : vector<16xf32>
        %mul3A_443 = arith.mulf %add3A_441, %add3A_441 : vector<16xf32>
        %add3A_444 = arith.addf %add3A_434, %mul3A_443 : vector<16xf32>
        %get3A_445 = arith.index_cast %scan3A_32 : i32 to index
        %get3A_446 = arith.constant 656 : index
        %get3A_447 = tpu.vector_load %arg7[%get3A_445, %get3A_446] {strides = array<i32>} : memref<32x1024xf32, #tpu.memory_space<vmem>>, vector<16xf32>,
        %get3A_448 = arith.index_cast %scan3A_32 : i32 to index
        %get3A_449 = arith.constant 656 : index
        %get3A_450 = tpu.vector_load %arg8[%get3A_448, %get3A_449] {strides = array<i32>} : memref<32x1024xf32, #tpu.memory_space<vmem>>, vector<16xf32>,
        %add3A_451 = arith.addf %get3A_447, %get3A_450 : vector<16xf32>
        %add3A_452 = arith.addf %add3A_442, %add3A_451 : vector<16xf32>
        %mul3A_453 = arith.mulf %add3A_451, %add3A_451 : vector<16xf32>
        %add3A_454 = arith.addf %add3A_444, %mul3A_453 : vector<16xf32>
        %get3A_455 = arith.index_cast %scan3A_32 : i32 to index
        %get3A_456 = arith.constant 672 : index
        %get3A_457 = tpu.vector_load %arg7[%get3A_455, %get3A_456] {strides = array<i32>} : memref<32x1024xf32, #tpu.memory_space<vmem>>, vector<16xf32>,
        %get3A_458 = arith.index_cast %scan3A_32 : i32 to index
        %get3A_459 = arith.constant 672 : index
        %get3A_460 = tpu.vector_load %arg8[%get3A_458, %get3A_459] {strides = array<i32>} : memref<32x1024xf32, #tpu.memory_space<vmem>>, vector<16xf32>,
        %add3A_461 = arith.addf %get3A_457, %get3A_460 : vector<16xf32>
        %add3A_462 = arith.addf %add3A_452, %add3A_461 : vector<16xf32>
        %mul3A_463 = arith.mulf %add3A_461, %add3A_461 : vector<16xf32>
        %add3A_464 = arith.addf %add3A_454, %mul3A_463 : vector<16xf32>
        %get3A_465 = arith.index_cast %scan3A_32 : i32 to index
        %get3A_466 = arith.constant 688 : index
        %get3A_467 = tpu.vector_load %arg7[%get3A_465, %get3A_466] {strides = array<i32>} : memref<32x1024xf32, #tpu.memory_space<vmem>>, vector<16xf32>,
        %get3A_468 = arith.index_cast %scan3A_32 : i32 to index
        %get3A_469 = arith.constant 688 : index
        %get3A_470 = tpu.vector_load %arg8[%get3A_468, %get3A_469] {strides = array<i32>} : memref<32x1024xf32, #tpu.memory_space<vmem>>, vector<16xf32>,
        %add3A_471 = arith.addf %get3A_467, %get3A_470 : vector<16xf32>
        %add3A_472 = arith.addf %add3A_462, %add3A_471 : vector<16xf32>
        %mul3A_473 = arith.mulf %add3A_471, %add3A_471 : vector<16xf32>
        %add3A_474 = arith.addf %add3A_464, %mul3A_473 : vector<16xf32>
        %get3A_475 = arith.index_cast %scan3A_32 : i32 to index
        %get3A_476 = arith.constant 704 : index
        %get3A_477 = tpu.vector_load %arg7[%get3A_475, %get3A_476] {strides = array<i32>} : memref<32x1024xf32, #tpu.memory_space<vmem>>, vector<16xf32>,
        %get3A_478 = arith.index_cast %scan3A_32 : i32 to index
        %get3A_479 = arith.constant 704 : index
        %get3A_480 = tpu.vector_load %arg8[%get3A_478, %get3A_479] {strides = array<i32>} : memref<32x1024xf32, #tpu.memory_space<vmem>>, vector<16xf32>,
        %add3A_481 = arith.addf %get3A_477, %get3A_480 : vector<16xf32>
        %add3A_482 = arith.addf %add3A_472, %add3A_481 : vector<16xf32>
        %mul3A_483 = arith.mulf %add3A_481, %add3A_481 : vector<16xf32>
        %add3A_484 = arith.addf %add3A_474, %mul3A_483 : vector<16xf32>
        %get3A_485 = arith.index_cast %scan3A_32 : i32 to index
        %get3A_486 = arith.constant 720 : index
        %get3A_487 = tpu.vector_load %arg7[%get3A_485, %get3A_486] {strides = array<i32>} : memref<32x1024xf32, #tpu.memory_space<vmem>>, vector<16xf32>,
        %get3A_488 = arith.index_cast %scan3A_32 : i32 to index
        %get3A_489 = arith.constant 720 : index
        %get3A_490 = tpu.vector_load %arg8[%get3A_488, %get3A_489] {strides = array<i32>} : memref<32x1024xf32, #tpu.memory_space<vmem>>, vector<16xf32>,
        %add3A_491 = arith.addf %get3A_487, %get3A_490 : vector<16xf32>
        %add3A_492 = arith.addf %add3A_482, %add3A_491 : vector<16xf32>
        %mul3A_493 = arith.mulf %add3A_491, %add3A_491 : vector<16xf32>
        %add3A_494 = arith.addf %add3A_484, %mul3A_493 : vector<16xf32>
        %get3A_495 = arith.index_cast %scan3A_32 : i32 to index
        %get3A_496 = arith.constant 736 : index
        %get3A_497 = tpu.vector_load %arg7[%get3A_495, %get3A_496] {strides = array<i32>} : memref<32x1024xf32, #tpu.memory_space<vmem>>, vector<16xf32>,
        %get3A_498 = arith.index_cast %scan3A_32 : i32 to index
        %get3A_499 = arith.constant 736 : index
        %get3A_500 = tpu.vector_load %arg8[%get3A_498, %get3A_499] {strides = array<i32>} : memref<32x1024xf32, #tpu.memory_space<vmem>>, vector<16xf32>,
        %add3A_501 = arith.addf %get3A_497, %get3A_500 : vector<16xf32>
        %add3A_502 = arith.addf %add3A_492, %add3A_501 : vector<16xf32>
        %mul3A_503 = arith.mulf %add3A_501, %add3A_501 : vector<16xf32>
        %add3A_504 = arith.addf %add3A_494, %mul3A_503 : vector<16xf32>
        %get3A_505 = arith.index_cast %scan3A_32 : i32 to index
        %get3A_506 = arith.constant 752 : index
        %get3A_507 = tpu.vector_load %arg7[%get3A_505, %get3A_506] {strides = array<i32>} : memref<32x1024xf32, #tpu.memory_space<vmem>>, vector<16xf32>,
        %get3A_508 = arith.index_cast %scan3A_32 : i32 to index
        %get3A_509 = arith.constant 752 : index
        %get3A_510 = tpu.vector_load %arg8[%get3A_508, %get3A_509] {strides = array<i32>} : memref<32x1024xf32, #tpu.memory_space<vmem>>, vector<16xf32>,
        %add3A_511 = arith.addf %get3A_507, %get3A_510 : vector<16xf32>
        %add3A_512 = arith.addf %add3A_502, %add3A_511 : vector<16xf32>
        %mul3A_513 = arith.mulf %add3A_511, %add3A_511 : vector<16xf32>
        %add3A_514 = arith.addf %add3A_504, %mul3A_513 : vector<16xf32>
        %get3A_515 = arith.index_cast %scan3A_32 : i32 to index
        %get3A_516 = arith.constant 768 : index
        %get3A_517 = tpu.vector_load %arg7[%get3A_515, %get3A_516] {strides = array<i32>} : memref<32x1024xf32, #tpu.memory_space<vmem>>, vector<16xf32>,
        %get3A_518 = arith.index_cast %scan3A_32 : i32 to index
        %get3A_519 = arith.constant 768 : index
        %get3A_520 = tpu.vector_load %arg8[%get3A_518, %get3A_519] {strides = array<i32>} : memref<32x1024xf32, #tpu.memory_space<vmem>>, vector<16xf32>,
        %add3A_521 = arith.addf %get3A_517, %get3A_520 : vector<16xf32>
        %add3A_522 = arith.addf %add3A_512, %add3A_521 : vector<16xf32>
        %mul3A_523 = arith.mulf %add3A_521, %add3A_521 : vector<16xf32>
        %add3A_524 = arith.addf %add3A_514, %mul3A_523 : vector<16xf32>
        %get3A_525 = arith.index_cast %scan3A_32 : i32 to index
        %get3A_526 = arith.constant 784 : index
        %get3A_527 = tpu.vector_load %arg7[%get3A_525, %get3A_526] {strides = array<i32>} : memref<32x1024xf32, #tpu.memory_space<vmem>>, vector<16xf32>,
        %get3A_528 = arith.index_cast %scan3A_32 : i32 to index
        %get3A_529 = arith.constant 784 : index
        %get3A_530 = tpu.vector_load %arg8[%get3A_528, %get3A_529] {strides = array<i32>} : memref<32x1024xf32, #tpu.memory_space<vmem>>, vector<16xf32>,
        %add3A_531 = arith.addf %get3A_527, %get3A_530 : vector<16xf32>
        %add3A_532 = arith.addf %add3A_522, %add3A_531 : vector<16xf32>
        %mul3A_533 = arith.mulf %add3A_531, %add3A_531 : vector<16xf32>
        %add3A_534 = arith.addf %add3A_524, %mul3A_533 : vector<16xf32>
        %get3A_535 = arith.index_cast %scan3A_32 : i32 to index
        %get3A_536 = arith.constant 800 : index
        %get3A_537 = tpu.vector_load %arg7[%get3A_535, %get3A_536] {strides = array<i32>} : memref<32x1024xf32, #tpu.memory_space<vmem>>, vector<16xf32>,
        %get3A_538 = arith.index_cast %scan3A_32 : i32 to index
        %get3A_539 = arith.constant 800 : index
        %get3A_540 = tpu.vector_load %arg8[%get3A_538, %get3A_539] {strides = array<i32>} : memref<32x1024xf32, #tpu.memory_space<vmem>>, vector<16xf32>,
        %add3A_541 = arith.addf %get3A_537, %get3A_540 : vector<16xf32>
        %add3A_542 = arith.addf %add3A_532, %add3A_541 : vector<16xf32>
        %mul3A_543 = arith.mulf %add3A_541, %add3A_541 : vector<16xf32>
        %add3A_544 = arith.addf %add3A_534, %mul3A_543 : vector<16xf32>
        %get3A_545 = arith.index_cast %scan3A_32 : i32 to index
        %get3A_546 = arith.constant 816 : index
        %get3A_547 = tpu.vector_load %arg7[%get3A_545, %get3A_546] {strides = array<i32>} : memref<32x1024xf32, #tpu.memory_space<vmem>>, vector<16xf32>,
        %get3A_548 = arith.index_cast %scan3A_32 : i32 to index
        %get3A_549 = arith.constant 816 : index
        %get3A_550 = tpu.vector_load %arg8[%get3A_548, %get3A_549] {strides = array<i32>} : memref<32x1024xf32, #tpu.memory_space<vmem>>, vector<16xf32>,
        %add3A_551 = arith.addf %get3A_547, %get3A_550 : vector<16xf32>
        %add3A_552 = arith.addf %add3A_542, %add3A_551 : vector<16xf32>
        %mul3A_553 = arith.mulf %add3A_551, %add3A_551 : vector<16xf32>
        %add3A_554 = arith.addf %add3A_544, %mul3A_553 : vector<16xf32>
        %get3A_555 = arith.index_cast %scan3A_32 : i32 to index
        %get3A_556 = arith.constant 832 : index
        %get3A_557 = tpu.vector_load %arg7[%get3A_555, %get3A_556] {strides = array<i32>} : memref<32x1024xf32, #tpu.memory_space<vmem>>, vector<16xf32>,
        %get3A_558 = arith.index_cast %scan3A_32 : i32 to index
        %get3A_559 = arith.constant 832 : index
        %get3A_560 = tpu.vector_load %arg8[%get3A_558, %get3A_559] {strides = array<i32>} : memref<32x1024xf32, #tpu.memory_space<vmem>>, vector<16xf32>,
        %add3A_561 = arith.addf %get3A_557, %get3A_560 : vector<16xf32>
        %add3A_562 = arith.addf %add3A_552, %add3A_561 : vector<16xf32>
        %mul3A_563 = arith.mulf %add3A_561, %add3A_561 : vector<16xf32>
        %add3A_564 = arith.addf %add3A_554, %mul3A_563 : vector<16xf32>
        %get3A_565 = arith.index_cast %scan3A_32 : i32 to index
        %get3A_566 = arith.constant 848 : index
        %get3A_567 = tpu.vector_load %arg7[%get3A_565, %get3A_566] {strides = array<i32>} : memref<32x1024xf32, #tpu.memory_space<vmem>>, vector<16xf32>,
        %get3A_568 = arith.index_cast %scan3A_32 : i32 to index
        %get3A_569 = arith.constant 848 : index
        %get3A_570 = tpu.vector_load %arg8[%get3A_568, %get3A_569] {strides = array<i32>} : memref<32x1024xf32, #tpu.memory_space<vmem>>, vector<16xf32>,
        %add3A_571 = arith.addf %get3A_567, %get3A_570 : vector<16xf32>
        %add3A_572 = arith.addf %add3A_562, %add3A_571 : vector<16xf32>
        %mul3A_573 = arith.mulf %add3A_571, %add3A_571 : vector<16xf32>
        %add3A_574 = arith.addf %add3A_564, %mul3A_573 : vector<16xf32>
        %get3A_575 = arith.index_cast %scan3A_32 : i32 to index
        %get3A_576 = arith.constant 864 : index
        %get3A_577 = tpu.vector_load %arg7[%get3A_575, %get3A_576] {strides = array<i32>} : memref<32x1024xf32, #tpu.memory_space<vmem>>, vector<16xf32>,
        %get3A_578 = arith.index_cast %scan3A_32 : i32 to index
        %get3A_579 = arith.constant 864 : index
        %get3A_580 = tpu.vector_load %arg8[%get3A_578, %get3A_579] {strides = array<i32>} : memref<32x1024xf32, #tpu.memory_space<vmem>>, vector<16xf32>,
        %add3A_581 = arith.addf %get3A_577, %get3A_580 : vector<16xf32>
        %add3A_582 = arith.addf %add3A_572, %add3A_581 : vector<16xf32>
        %mul3A_583 = arith.mulf %add3A_581, %add3A_581 : vector<16xf32>
        %add3A_584 = arith.addf %add3A_574, %mul3A_583 : vector<16xf32>
        %get3A_585 = arith.index_cast %scan3A_32 : i32 to index
        %get3A_586 = arith.constant 880 : index
        %get3A_587 = tpu.vector_load %arg7[%get3A_585, %get3A_586] {strides = array<i32>} : memref<32x1024xf32, #tpu.memory_space<vmem>>, vector<16xf32>,
        %get3A_588 = arith.index_cast %scan3A_32 : i32 to index
        %get3A_589 = arith.constant 880 : index
        %get3A_590 = tpu.vector_load %arg8[%get3A_588, %get3A_589] {strides = array<i32>} : memref<32x1024xf32, #tpu.memory_space<vmem>>, vector<16xf32>,
        %add3A_591 = arith.addf %get3A_587, %get3A_590 : vector<16xf32>
        %add3A_592 = arith.addf %add3A_582, %add3A_591 : vector<16xf32>
        %mul3A_593 = arith.mulf %add3A_591, %add3A_591 : vector<16xf32>
        %add3A_594 = arith.addf %add3A_584, %mul3A_593 : vector<16xf32>
        %get3A_595 = arith.index_cast %scan3A_32 : i32 to index
        %get3A_596 = arith.constant 896 : index
        %get3A_597 = tpu.vector_load %arg7[%get3A_595, %get3A_596] {strides = array<i32>} : memref<32x1024xf32, #tpu.memory_space<vmem>>, vector<16xf32>,
        %get3A_598 = arith.index_cast %scan3A_32 : i32 to index
        %get3A_599 = arith.constant 896 : index
        %get3A_600 = tpu.vector_load %arg8[%get3A_598, %get3A_599] {strides = array<i32>} : memref<32x1024xf32, #tpu.memory_space<vmem>>, vector<16xf32>,
        %add3A_601 = arith.addf %get3A_597, %get3A_600 : vector<16xf32>
        %add3A_602 = arith.addf %add3A_592, %add3A_601 : vector<16xf32>
        %mul3A_603 = arith.mulf %add3A_601, %add3A_601 : vector<16xf32>
        %add3A_604 = arith.addf %add3A_594, %mul3A_603 : vector<16xf32>
        %get3A_605 = arith.index_cast %scan3A_32 : i32 to index
        %get3A_606 = arith.constant 912 : index
        %get3A_607 = tpu.vector_load %arg7[%get3A_605, %get3A_606] {strides = array<i32>} : memref<32x1024xf32, #tpu.memory_space<vmem>>, vector<16xf32>,
        %get3A_608 = arith.index_cast %scan3A_32 : i32 to index
        %get3A_609 = arith.constant 912 : index
        %get3A_610 = tpu.vector_load %arg8[%get3A_608, %get3A_609] {strides = array<i32>} : memref<32x1024xf32, #tpu.memory_space<vmem>>, vector<16xf32>,
        %add3A_611 = arith.addf %get3A_607, %get3A_610 : vector<16xf32>
        %add3A_612 = arith.addf %add3A_602, %add3A_611 : vector<16xf32>
        %mul3A_613 = arith.mulf %add3A_611, %add3A_611 : vector<16xf32>
        %add3A_614 = arith.addf %add3A_604, %mul3A_613 : vector<16xf32>
        %get3A_615 = arith.index_cast %scan3A_32 : i32 to index
        %get3A_616 = arith.constant 928 : index
        %get3A_617 = tpu.vector_load %arg7[%get3A_615, %get3A_616] {strides = array<i32>} : memref<32x1024xf32, #tpu.memory_space<vmem>>, vector<16xf32>,
        %get3A_618 = arith.index_cast %scan3A_32 : i32 to index
        %get3A_619 = arith.constant 928 : index
        %get3A_620 = tpu.vector_load %arg8[%get3A_618, %get3A_619] {strides = array<i32>} : memref<32x1024xf32, #tpu.memory_space<vmem>>, vector<16xf32>,
        %add3A_621 = arith.addf %get3A_617, %get3A_620 : vector<16xf32>
        %add3A_622 = arith.addf %add3A_612, %add3A_621 : vector<16xf32>
        %mul3A_623 = arith.mulf %add3A_621, %add3A_621 : vector<16xf32>
        %add3A_624 = arith.addf %add3A_614, %mul3A_623 : vector<16xf32>
        %get3A_625 = arith.index_cast %scan3A_32 : i32 to index
        %get3A_626 = arith.constant 944 : index
        %get3A_627 = tpu.vector_load %arg7[%get3A_625, %get3A_626] {strides = array<i32>} : memref<32x1024xf32, #tpu.memory_space<vmem>>, vector<16xf32>,
        %get3A_628 = arith.index_cast %scan3A_32 : i32 to index
        %get3A_629 = arith.constant 944 : index
        %get3A_630 = tpu.vector_load %arg8[%get3A_628, %get3A_629] {strides = array<i32>} : memref<32x1024xf32, #tpu.memory_space<vmem>>, vector<16xf32>,
        %add3A_631 = arith.addf %get3A_627, %get3A_630 : vector<16xf32>
        %add3A_632 = arith.addf %add3A_622, %add3A_631 : vector<16xf32>
        %mul3A_633 = arith.mulf %add3A_631, %add3A_631 : vector<16xf32>
        %add3A_634 = arith.addf %add3A_624, %mul3A_633 : vector<16xf32>
        %get3A_635 = arith.index_cast %scan3A_32 : i32 to index
        %get3A_636 = arith.constant 960 : index
        %get3A_637 = tpu.vector_load %arg7[%get3A_635, %get3A_636] {strides = array<i32>} : memref<32x1024xf32, #tpu.memory_space<vmem>>, vector<16xf32>,
        %get3A_638 = arith.index_cast %scan3A_32 : i32 to index
        %get3A_639 = arith.constant 960 : index
        %get3A_640 = tpu.vector_load %arg8[%get3A_638, %get3A_639] {strides = array<i32>} : memref<32x1024xf32, #tpu.memory_space<vmem>>, vector<16xf32>,
        %add3A_641 = arith.addf %get3A_637, %get3A_640 : vector<16xf32>
        %add3A_642 = arith.addf %add3A_632, %add3A_641 : vector<16xf32>
        %mul3A_643 = arith.mulf %add3A_641, %add3A_641 : vector<16xf32>
        %add3A_644 = arith.addf %add3A_634, %mul3A_643 : vector<16xf32>
        %get3A_645 = arith.index_cast %scan3A_32 : i32 to index
        %get3A_646 = arith.constant 976 : index
        %get3A_647 = tpu.vector_load %arg7[%get3A_645, %get3A_646] {strides = array<i32>} : memref<32x1024xf32, #tpu.memory_space<vmem>>, vector<16xf32>,
        %get3A_648 = arith.index_cast %scan3A_32 : i32 to index
        %get3A_649 = arith.constant 976 : index
        %get3A_650 = tpu.vector_load %arg8[%get3A_648, %get3A_649] {strides = array<i32>} : memref<32x1024xf32, #tpu.memory_space<vmem>>, vector<16xf32>,
        %add3A_651 = arith.addf %get3A_647, %get3A_650 : vector<16xf32>
        %add3A_652 = arith.addf %add3A_642, %add3A_651 : vector<16xf32>
        %mul3A_653 = arith.mulf %add3A_651, %add3A_651 : vector<16xf32>
        %add3A_654 = arith.addf %add3A_644, %mul3A_653 : vector<16xf32>
        %get3A_655 = arith.index_cast %scan3A_32 : i32 to index
        %get3A_656 = arith.constant 992 : index
        %get3A_657 = tpu.vector_load %arg7[%get3A_655, %get3A_656] {strides = array<i32>} : memref<32x1024xf32, #tpu.memory_space<vmem>>, vector<16xf32>,
        %get3A_658 = arith.index_cast %scan3A_32 : i32 to index
        %get3A_659 = arith.constant 992 : index
        %get3A_660 = tpu.vector_load %arg8[%get3A_658, %get3A_659] {strides = array<i32>} : memref<32x1024xf32, #tpu.memory_space<vmem>>, vector<16xf32>,
        %add3A_661 = arith.addf %get3A_657, %get3A_660 : vector<16xf32>
        %add3A_662 = arith.addf %add3A_652, %add3A_661 : vector<16xf32>
        %mul3A_663 = arith.mulf %add3A_661, %add3A_661 : vector<16xf32>
        %add3A_664 = arith.addf %add3A_654, %mul3A_663 : vector<16xf32>
        %get3A_665 = arith.index_cast %scan3A_32 : i32 to index
        %get3A_666 = arith.constant 1008 : index
        %get3A_667 = tpu.vector_load %arg7[%get3A_665, %get3A_666] {strides = array<i32>} : memref<32x1024xf32, #tpu.memory_space<vmem>>, vector<16xf32>,
        %get3A_668 = arith.index_cast %scan3A_32 : i32 to index
        %get3A_669 = arith.constant 1008 : index
        %get3A_670 = tpu.vector_load %arg8[%get3A_668, %get3A_669] {strides = array<i32>} : memref<32x1024xf32, #tpu.memory_space<vmem>>, vector<16xf32>,
        %add3A_671 = arith.addf %get3A_667, %get3A_670 : vector<16xf32>
        %add3A_672 = arith.addf %add3A_662, %add3A_671 : vector<16xf32>
        %mul3A_673 = arith.mulf %add3A_671, %add3A_671 : vector<16xf32>
        %add3A_674 = arith.addf %add3A_664, %mul3A_673 : vector<16xf32>
        %reduce_sum3A = arith.constant true
        %reduce_sum3A_675 = vector.broadcast %reduce_sum3A : i1 to vector<16xi1>
        %reduce_sum3A_676 = tpu.scan <sum>, %add3A_672 masked %reduce_sum3A_675 : vector<16xf32>, vector<16xi1> -> vector<16xf32>
        %reduce_sum3A_677 = vector.extract %reduce_sum3A_676[15] : f32 from vector<16xf32>
        %reduce_sum3A_678 = arith.constant true
        %reduce_sum3A_679 = vector.broadcast %reduce_sum3A_678 : i1 to vector<16xi1>
        %reduce_sum3A_680 = tpu.scan <sum>, %add3A_674 masked %reduce_sum3A_679 : vector<16xf32>, vector<16xi1> -> vector<16xf32>
        %reduce_sum3A_681 = vector.extract %reduce_sum3A_680[15] : f32 from vector<16xf32>
        %mul3A_682 = arith.constant 9.765625E-4 : f32
        %mul3A_683 = arith.mulf %reduce_sum3A_677, %mul3A_682 : f32
        %broadcast_in_dim3A_684 = vector.broadcast %mul3A_683 : f32 to vector<16xf32>
        %mul3A_685 = arith.constant 9.765625E-4 : f32
        %mul3A_686 = arith.mulf %reduce_sum3A_681, %mul3A_685 : f32
        %broadcast_in_dim3A_687 = vector.broadcast %mul3A_686 : f32 to vector<16xf32>
        %mul3A_688 = arith.mulf %broadcast_in_dim3A_684, %broadcast_in_dim3A_684 : vector<16xf32>
        %sub3A = arith.subf %broadcast_in_dim3A_687, %mul3A_688 : vector<16xf32>
        %add3A_689 = arith.constant 9.99999996E-13 : f32
        %add3A_690 = vector.broadcast %add3A_689 : f32 to vector<16xf32>
        %add3A_691 = arith.addf %sub3A, %add3A_690 : vector<16xf32>
        %bitcast3A = vector.bitcast %add3A_691 : vector<16xf32> to vector<16xi32>
        %broadcast_in_dim3A_692 = arith.constant 1597463007 : i32
        %broadcast_in_dim3A_693 = vector.broadcast %broadcast_in_dim3A_692 : i32 to vector<16xi32>
        %broadcast_in_dim3A_694 = arith.constant 1 : i32
        %broadcast_in_dim3A_695 = vector.broadcast %broadcast_in_dim3A_694 : i32 to vector<16xi32>
        %shift_right_logical3A = arith.shrui %bitcast3A, %broadcast_in_dim3A_695 : vector<16xi32>
        %sub3A_696 = arith.subi %broadcast_in_dim3A_693, %shift_right_logical3A : vector<16xi32>
        %bitcast3A_697 = vector.bitcast %sub3A_696 : vector<16xi32> to vector<16xf32>
        %mul3A_698 = arith.constant 5.000000e-01 : f32
        %mul3A_699 = vector.broadcast %mul3A_698 : f32 to vector<16xf32>
        %mul3A_700 = arith.mulf %mul3A_699, %add3A_691 : vector<16xf32>
        %mul3A_701 = arith.mulf %mul3A_700, %bitcast3A_697 : vector<16xf32>
        %mul3A_702 = arith.mulf %mul3A_701, %bitcast3A_697 : vector<16xf32>
        %sub3A_703 = arith.constant 1.500000e+00 : f32
        %sub3A_704 = vector.broadcast %sub3A_703 : f32 to vector<16xf32>
        %sub3A_705 = arith.subf %sub3A_704, %mul3A_702 : vector<16xf32>
        %mul3A_706 = arith.mulf %bitcast3A_697, %sub3A_705 : vector<16xf32>
        %mul3A_707 = arith.mulf %mul3A_700, %mul3A_706 : vector<16xf32>
        %mul3A_708 = arith.mulf %mul3A_707, %mul3A_706 : vector<16xf32>
        %sub3A_709 = arith.constant 1.500000e+00 : f32
        %sub3A_710 = vector.broadcast %sub3A_709 : f32 to vector<16xf32>
        %sub3A_711 = arith.subf %sub3A_710, %mul3A_708 : vector<16xf32>
        %mul3A_712 = arith.mulf %mul3A_706, %sub3A_711 : vector<16xf32>
        %mul3A_713 = arith.mulf %mul3A_700, %mul3A_712 : vector<16xf32>
        %mul3A_714 = arith.mulf %mul3A_713, %mul3A_712 : vector<16xf32>
        %sub3A_715 = arith.constant 1.500000e+00 : f32
        %sub3A_716 = vector.broadcast %sub3A_715 : f32 to vector<16xf32>
        %sub3A_717 = arith.subf %sub3A_716, %mul3A_714 : vector<16xf32>
        %mul3A_718 = arith.mulf %mul3A_712, %sub3A_717 : vector<16xf32>
        %get3A_719 = arith.index_cast %scan3A_32 : i32 to index
        %get3A_720 = arith.constant 0 : index
        %get3A_721 = tpu.vector_load %arg7[%get3A_719, %get3A_720] {strides = array<i32>} : memref<32x1024xf32, #tpu.memory_space<vmem>>, vector<16xf32>,
        %get3A_722 = arith.index_cast %scan3A_32 : i32 to index
        %get3A_723 = arith.constant 0 : index
        %get3A_724 = tpu.vector_load %arg8[%get3A_722, %get3A_723] {strides = array<i32>} : memref<32x1024xf32, #tpu.memory_space<vmem>>, vector<16xf32>,
        %add3A_725 = arith.addf %get3A_721, %get3A_724 : vector<16xf32>
        %sub3A_726 = arith.subf %add3A_725, %broadcast_in_dim3A_684 : vector<16xf32>
        %mul3A_727 = arith.mulf %sub3A_726, %mul3A_718 : vector<16xf32>
        %get3A_728 = arith.constant 0 : index
        %get3A_729 = tpu.vector_load %arg9[%get3A_728] {strides = array<i32>} : memref<1024xf32, #tpu.memory_space<vmem>>, vector<16xf32>,
        %mul3A_730 = arith.mulf %mul3A_727, %get3A_729 : vector<16xf32>
        %get3A_731 = arith.constant 0 : index
        %get3A_732 = tpu.vector_load %arg10[%get3A_731] {strides = array<i32>} : memref<1024xf32, #tpu.memory_space<vmem>>, vector<16xf32>,
        %add3A_733 = arith.addf %mul3A_730, %get3A_732 : vector<16xf32>
        %swap3A = arith.index_cast %scan3A_32 : i32 to index
        %swap3A_734 = arith.constant 0 : index
        %swap3A_735 = tpu.vector_load %arg7[%swap3A, %swap3A_734] {strides = array<i32>} : memref<32x1024xf32, #tpu.memory_space<vmem>>, vector<16xf32>,
        tpu.vector_store %arg7[%swap3A, %swap3A_734], %add3A_733 {strides = array<i32>} : memref<32x1024xf32, #tpu.memory_space<vmem>>, vector<16xf32>,
        %get3A_736 = arith.index_cast %scan3A_32 : i32 to index
        %get3A_737 = arith.constant 16 : index
        %get3A_738 = tpu.vector_load %arg7[%get3A_736, %get3A_737] {strides = array<i32>} : memref<32x1024xf32, #tpu.memory_space<vmem>>, vector<16xf32>,
        %get3A_739 = arith.index_cast %scan3A_32 : i32 to index
        %get3A_740 = arith.constant 16 : index
        %get3A_741 = tpu.vector_load %arg8[%get3A_739, %get3A_740] {strides = array<i32>} : memref<32x1024xf32, #tpu.memory_space<vmem>>, vector<16xf32>,
        %add3A_742 = arith.addf %get3A_738, %get3A_741 : vector<16xf32>
        %sub3A_743 = arith.subf %add3A_742, %broadcast_in_dim3A_684 : vector<16xf32>
        %mul3A_744 = arith.mulf %sub3A_743, %mul3A_718 : vector<16xf32>
        %get3A_745 = arith.constant 16 : index
        %get3A_746 = tpu.vector_load %arg9[%get3A_745] {strides = array<i32>} : memref<1024xf32, #tpu.memory_space<vmem>>, vector<16xf32>,
        %mul3A_747 = arith.mulf %mul3A_744, %get3A_746 : vector<16xf32>
        %get3A_748 = arith.constant 16 : index
        %get3A_749 = tpu.vector_load %arg10[%get3A_748] {strides = array<i32>} : memref<1024xf32, #tpu.memory_space<vmem>>, vector<16xf32>,
        %add3A_750 = arith.addf %mul3A_747, %get3A_749 : vector<16xf32>
        %swap3A_751 = arith.index_cast %scan3A_32 : i32 to index
        %swap3A_752 = arith.constant 16 : index
        %swap3A_753 = tpu.vector_load %arg7[%swap3A_751, %swap3A_752] {strides = array<i32>} : memref<32x1024xf32, #tpu.memory_space<vmem>>, vector<16xf32>,
        tpu.vector_store %arg7[%swap3A_751, %swap3A_752], %add3A_750 {strides = array<i32>} : memref<32x1024xf32, #tpu.memory_space<vmem>>, vector<16xf32>,
        %get3A_754 = arith.index_cast %scan3A_32 : i32 to index
        %get3A_755 = arith.constant 32 : index
        %get3A_756 = tpu.vector_load %arg7[%get3A_754, %get3A_755] {strides = array<i32>} : memref<32x1024xf32, #tpu.memory_space<vmem>>, vector<16xf32>,
        %get3A_757 = arith.index_cast %scan3A_32 : i32 to index
        %get3A_758 = arith.constant 32 : index
        %get3A_759 = tpu.vector_load %arg8[%get3A_757, %get3A_758] {strides = array<i32>} : memref<32x1024xf32, #tpu.memory_space<vmem>>, vector<16xf32>,
        %add3A_760 = arith.addf %get3A_756, %get3A_759 : vector<16xf32>
        %sub3A_761 = arith.subf %add3A_760, %broadcast_in_dim3A_684 : vector<16xf32>
        %mul3A_762 = arith.mulf %sub3A_761, %mul3A_718 : vector<16xf32>
        %get3A_763 = arith.constant 32 : index
        %get3A_764 = tpu.vector_load %arg9[%get3A_763] {strides = array<i32>} : memref<1024xf32, #tpu.memory_space<vmem>>, vector<16xf32>,
        %mul3A_765 = arith.mulf %mul3A_762, %get3A_764 : vector<16xf32>
        %get3A_766 = arith.constant 32 : index
        %get3A_767 = tpu.vector_load %arg10[%get3A_766] {strides = array<i32>} : memref<1024xf32, #tpu.memory_space<vmem>>, vector<16xf32>,
        %add3A_768 = arith.addf %mul3A_765, %get3A_767 : vector<16xf32>
        %swap3A_769 = arith.index_cast %scan3A_32 : i32 to index
        %swap3A_770 = arith.constant 32 : index
        %swap3A_771 = tpu.vector_load %arg7[%swap3A_769, %swap3A_770] {strides = array<i32>} : memref<32x1024xf32, #tpu.memory_space<vmem>>, vector<16xf32>,
        tpu.vector_store %arg7[%swap3A_769, %swap3A_770], %add3A_768 {strides = array<i32>} : memref<32x1024xf32, #tpu.memory_space<vmem>>, vector<16xf32>,
        %get3A_772 = arith.index_cast %scan3A_32 : i32 to index
        %get3A_773 = arith.constant 48 : index
        %get3A_774 = tpu.vector_load %arg7[%get3A_772, %get3A_773] {strides = array<i32>} : memref<32x1024xf32, #tpu.memory_space<vmem>>, vector<16xf32>,
        %get3A_775 = arith.index_cast %scan3A_32 : i32 to index
        %get3A_776 = arith.constant 48 : index
        %get3A_777 = tpu.vector_load %arg8[%get3A_775, %get3A_776] {strides = array<i32>} : memref<32x1024xf32, #tpu.memory_space<vmem>>, vector<16xf32>,
        %add3A_778 = arith.addf %get3A_774, %get3A_777 : vector<16xf32>
        %sub3A_779 = arith.subf %add3A_778, %broadcast_in_dim3A_684 : vector<16xf32>
        %mul3A_780 = arith.mulf %sub3A_779, %mul3A_718 : vector<16xf32>
        %get3A_781 = arith.constant 48 : index
        %get3A_782 = tpu.vector_load %arg9[%get3A_781] {strides = array<i32>} : memref<1024xf32, #tpu.memory_space<vmem>>, vector<16xf32>,
        %mul3A_783 = arith.mulf %mul3A_780, %get3A_782 : vector<16xf32>
        %get3A_784 = arith.constant 48 : index
        %get3A_785 = tpu.vector_load %arg10[%get3A_784] {strides = array<i32>} : memref<1024xf32, #tpu.memory_space<vmem>>, vector<16xf32>,
        %add3A_786 = arith.addf %mul3A_783, %get3A_785 : vector<16xf32>
        %swap3A_787 = arith.index_cast %scan3A_32 : i32 to index
        %swap3A_788 = arith.constant 48 : index
        %swap3A_789 = tpu.vector_load %arg7[%swap3A_787, %swap3A_788] {strides = array<i32>} : memref<32x1024xf32, #tpu.memory_space<vmem>>, vector<16xf32>,
        tpu.vector_store %arg7[%swap3A_787, %swap3A_788], %add3A_786 {strides = array<i32>} : memref<32x1024xf32, #tpu.memory_space<vmem>>, vector<16xf32>,
        %get3A_790 = arith.index_cast %scan3A_32 : i32 to index
        %get3A_791 = arith.constant 64 : index
        %get3A_792 = tpu.vector_load %arg7[%get3A_790, %get3A_791] {strides = array<i32>} : memref<32x1024xf32, #tpu.memory_space<vmem>>, vector<16xf32>,
        %get3A_793 = arith.index_cast %scan3A_32 : i32 to index
        %get3A_794 = arith.constant 64 : index
        %get3A_795 = tpu.vector_load %arg8[%get3A_793, %get3A_794] {strides = array<i32>} : memref<32x1024xf32, #tpu.memory_space<vmem>>, vector<16xf32>,
        %add3A_796 = arith.addf %get3A_792, %get3A_795 : vector<16xf32>
        %sub3A_797 = arith.subf %add3A_796, %broadcast_in_dim3A_684 : vector<16xf32>
        %mul3A_798 = arith.mulf %sub3A_797, %mul3A_718 : vector<16xf32>
        %get3A_799 = arith.constant 64 : index
        %get3A_800 = tpu.vector_load %arg9[%get3A_799] {strides = array<i32>} : memref<1024xf32, #tpu.memory_space<vmem>>, vector<16xf32>,
        %mul3A_801 = arith.mulf %mul3A_798, %get3A_800 : vector<16xf32>
        %get3A_802 = arith.constant 64 : index
        %get3A_803 = tpu.vector_load %arg10[%get3A_802] {strides = array<i32>} : memref<1024xf32, #tpu.memory_space<vmem>>, vector<16xf32>,
        %add3A_804 = arith.addf %mul3A_801, %get3A_803 : vector<16xf32>
        %swap3A_805 = arith.index_cast %scan3A_32 : i32 to index
        %swap3A_806 = arith.constant 64 : index
        %swap3A_807 = tpu.vector_load %arg7[%swap3A_805, %swap3A_806] {strides = array<i32>} : memref<32x1024xf32, #tpu.memory_space<vmem>>, vector<16xf32>,
        tpu.vector_store %arg7[%swap3A_805, %swap3A_806], %add3A_804 {strides = array<i32>} : memref<32x1024xf32, #tpu.memory_space<vmem>>, vector<16xf32>,
        %get3A_808 = arith.index_cast %scan3A_32 : i32 to index
        %get3A_809 = arith.constant 80 : index
        %get3A_810 = tpu.vector_load %arg7[%get3A_808, %get3A_809] {strides = array<i32>} : memref<32x1024xf32, #tpu.memory_space<vmem>>, vector<16xf32>,
        %get3A_811 = arith.index_cast %scan3A_32 : i32 to index
        %get3A_812 = arith.constant 80 : index
        %get3A_813 = tpu.vector_load %arg8[%get3A_811, %get3A_812] {strides = array<i32>} : memref<32x1024xf32, #tpu.memory_space<vmem>>, vector<16xf32>,
        %add3A_814 = arith.addf %get3A_810, %get3A_813 : vector<16xf32>
        %sub3A_815 = arith.subf %add3A_814, %broadcast_in_dim3A_684 : vector<16xf32>
        %mul3A_816 = arith.mulf %sub3A_815, %mul3A_718 : vector<16xf32>
        %get3A_817 = arith.constant 80 : index
        %get3A_818 = tpu.vector_load %arg9[%get3A_817] {strides = array<i32>} : memref<1024xf32, #tpu.memory_space<vmem>>, vector<16xf32>,
        %mul3A_819 = arith.mulf %mul3A_816, %get3A_818 : vector<16xf32>
        %get3A_820 = arith.constant 80 : index
        %get3A_821 = tpu.vector_load %arg10[%get3A_820] {strides = array<i32>} : memref<1024xf32, #tpu.memory_space<vmem>>, vector<16xf32>,
        %add3A_822 = arith.addf %mul3A_819, %get3A_821 : vector<16xf32>
        %swap3A_823 = arith.index_cast %scan3A_32 : i32 to index
        %swap3A_824 = arith.constant 80 : index
        %swap3A_825 = tpu.vector_load %arg7[%swap3A_823, %swap3A_824] {strides = array<i32>} : memref<32x1024xf32, #tpu.memory_space<vmem>>, vector<16xf32>,
        tpu.vector_store %arg7[%swap3A_823, %swap3A_824], %add3A_822 {strides = array<i32>} : memref<32x1024xf32, #tpu.memory_space<vmem>>, vector<16xf32>,
        %get3A_826 = arith.index_cast %scan3A_32 : i32 to index
        %get3A_827 = arith.constant 96 : index
        %get3A_828 = tpu.vector_load %arg7[%get3A_826, %get3A_827] {strides = array<i32>} : memref<32x1024xf32, #tpu.memory_space<vmem>>, vector<16xf32>,
        %get3A_829 = arith.index_cast %scan3A_32 : i32 to index
        %get3A_830 = arith.constant 96 : index
        %get3A_831 = tpu.vector_load %arg8[%get3A_829, %get3A_830] {strides = array<i32>} : memref<32x1024xf32, #tpu.memory_space<vmem>>, vector<16xf32>,
        %add3A_832 = arith.addf %get3A_828, %get3A_831 : vector<16xf32>
        %sub3A_833 = arith.subf %add3A_832, %broadcast_in_dim3A_684 : vector<16xf32>
        %mul3A_834 = arith.mulf %sub3A_833, %mul3A_718 : vector<16xf32>
        %get3A_835 = arith.constant 96 : index
        %get3A_836 = tpu.vector_load %arg9[%get3A_835] {strides = array<i32>} : memref<1024xf32, #tpu.memory_space<vmem>>, vector<16xf32>,
        %mul3A_837 = arith.mulf %mul3A_834, %get3A_836 : vector<16xf32>
        %get3A_838 = arith.constant 96 : index
        %get3A_839 = tpu.vector_load %arg10[%get3A_838] {strides = array<i32>} : memref<1024xf32, #tpu.memory_space<vmem>>, vector<16xf32>,
        %add3A_840 = arith.addf %mul3A_837, %get3A_839 : vector<16xf32>
        %swap3A_841 = arith.index_cast %scan3A_32 : i32 to index
        %swap3A_842 = arith.constant 96 : index
        %swap3A_843 = tpu.vector_load %arg7[%swap3A_841, %swap3A_842] {strides = array<i32>} : memref<32x1024xf32, #tpu.memory_space<vmem>>, vector<16xf32>,
        tpu.vector_store %arg7[%swap3A_841, %swap3A_842], %add3A_840 {strides = array<i32>} : memref<32x1024xf32, #tpu.memory_space<vmem>>, vector<16xf32>,
        %get3A_844 = arith.index_cast %scan3A_32 : i32 to index
        %get3A_845 = arith.constant 112 : index
        %get3A_846 = tpu.vector_load %arg7[%get3A_844, %get3A_845] {strides = array<i32>} : memref<32x1024xf32, #tpu.memory_space<vmem>>, vector<16xf32>,
        %get3A_847 = arith.index_cast %scan3A_32 : i32 to index
        %get3A_848 = arith.constant 112 : index
        %get3A_849 = tpu.vector_load %arg8[%get3A_847, %get3A_848] {strides = array<i32>} : memref<32x1024xf32, #tpu.memory_space<vmem>>, vector<16xf32>,
        %add3A_850 = arith.addf %get3A_846, %get3A_849 : vector<16xf32>
        %sub3A_851 = arith.subf %add3A_850, %broadcast_in_dim3A_684 : vector<16xf32>
        %mul3A_852 = arith.mulf %sub3A_851, %mul3A_718 : vector<16xf32>
        %get3A_853 = arith.constant 112 : index
        %get3A_854 = tpu.vector_load %arg9[%get3A_853] {strides = array<i32>} : memref<1024xf32, #tpu.memory_space<vmem>>, vector<16xf32>,
        %mul3A_855 = arith.mulf %mul3A_852, %get3A_854 : vector<16xf32>
        %get3A_856 = arith.constant 112 : index
        %get3A_857 = tpu.vector_load %arg10[%get3A_856] {strides = array<i32>} : memref<1024xf32, #tpu.memory_space<vmem>>, vector<16xf32>,
        %add3A_858 = arith.addf %mul3A_855, %get3A_857 : vector<16xf32>
        %swap3A_859 = arith.index_cast %scan3A_32 : i32 to index
        %swap3A_860 = arith.constant 112 : index
        %swap3A_861 = tpu.vector_load %arg7[%swap3A_859, %swap3A_860] {strides = array<i32>} : memref<32x1024xf32, #tpu.memory_space<vmem>>, vector<16xf32>,
        tpu.vector_store %arg7[%swap3A_859, %swap3A_860], %add3A_858 {strides = array<i32>} : memref<32x1024xf32, #tpu.memory_space<vmem>>, vector<16xf32>,
        %get3A_862 = arith.index_cast %scan3A_32 : i32 to index
        %get3A_863 = arith.constant 128 : index
        %get3A_864 = tpu.vector_load %arg7[%get3A_862, %get3A_863] {strides = array<i32>} : memref<32x1024xf32, #tpu.memory_space<vmem>>, vector<16xf32>,
        %get3A_865 = arith.index_cast %scan3A_32 : i32 to index
        %get3A_866 = arith.constant 128 : index
        %get3A_867 = tpu.vector_load %arg8[%get3A_865, %get3A_866] {strides = array<i32>} : memref<32x1024xf32, #tpu.memory_space<vmem>>, vector<16xf32>,
        %add3A_868 = arith.addf %get3A_864, %get3A_867 : vector<16xf32>
        %sub3A_869 = arith.subf %add3A_868, %broadcast_in_dim3A_684 : vector<16xf32>
        %mul3A_870 = arith.mulf %sub3A_869, %mul3A_718 : vector<16xf32>
        %get3A_871 = arith.constant 128 : index
        %get3A_872 = tpu.vector_load %arg9[%get3A_871] {strides = array<i32>} : memref<1024xf32, #tpu.memory_space<vmem>>, vector<16xf32>,
        %mul3A_873 = arith.mulf %mul3A_870, %get3A_872 : vector<16xf32>
        %get3A_874 = arith.constant 128 : index
        %get3A_875 = tpu.vector_load %arg10[%get3A_874] {strides = array<i32>} : memref<1024xf32, #tpu.memory_space<vmem>>, vector<16xf32>,
        %add3A_876 = arith.addf %mul3A_873, %get3A_875 : vector<16xf32>
        %swap3A_877 = arith.index_cast %scan3A_32 : i32 to index
        %swap3A_878 = arith.constant 128 : index
        %swap3A_879 = tpu.vector_load %arg7[%swap3A_877, %swap3A_878] {strides = array<i32>} : memref<32x1024xf32, #tpu.memory_space<vmem>>, vector<16xf32>,
        tpu.vector_store %arg7[%swap3A_877, %swap3A_878], %add3A_876 {strides = array<i32>} : memref<32x1024xf32, #tpu.memory_space<vmem>>, vector<16xf32>,
        %get3A_880 = arith.index_cast %scan3A_32 : i32 to index
        %get3A_881 = arith.constant 144 : index
        %get3A_882 = tpu.vector_load %arg7[%get3A_880, %get3A_881] {strides = array<i32>} : memref<32x1024xf32, #tpu.memory_space<vmem>>, vector<16xf32>,
        %get3A_883 = arith.index_cast %scan3A_32 : i32 to index
        %get3A_884 = arith.constant 144 : index
        %get3A_885 = tpu.vector_load %arg8[%get3A_883, %get3A_884] {strides = array<i32>} : memref<32x1024xf32, #tpu.memory_space<vmem>>, vector<16xf32>,
        %add3A_886 = arith.addf %get3A_882, %get3A_885 : vector<16xf32>
        %sub3A_887 = arith.subf %add3A_886, %broadcast_in_dim3A_684 : vector<16xf32>
        %mul3A_888 = arith.mulf %sub3A_887, %mul3A_718 : vector<16xf32>
        %get3A_889 = arith.constant 144 : index
        %get3A_890 = tpu.vector_load %arg9[%get3A_889] {strides = array<i32>} : memref<1024xf32, #tpu.memory_space<vmem>>, vector<16xf32>,
        %mul3A_891 = arith.mulf %mul3A_888, %get3A_890 : vector<16xf32>
        %get3A_892 = arith.constant 144 : index
        %get3A_893 = tpu.vector_load %arg10[%get3A_892] {strides = array<i32>} : memref<1024xf32, #tpu.memory_space<vmem>>, vector<16xf32>,
        %add3A_894 = arith.addf %mul3A_891, %get3A_893 : vector<16xf32>
        %swap3A_895 = arith.index_cast %scan3A_32 : i32 to index
        %swap3A_896 = arith.constant 144 : index
        %swap3A_897 = tpu.vector_load %arg7[%swap3A_895, %swap3A_896] {strides = array<i32>} : memref<32x1024xf32, #tpu.memory_space<vmem>>, vector<16xf32>,
        tpu.vector_store %arg7[%swap3A_895, %swap3A_896], %add3A_894 {strides = array<i32>} : memref<32x1024xf32, #tpu.memory_space<vmem>>, vector<16xf32>,
        %get3A_898 = arith.index_cast %scan3A_32 : i32 to index
        %get3A_899 = arith.constant 160 : index
        %get3A_900 = tpu.vector_load %arg7[%get3A_898, %get3A_899] {strides = array<i32>} : memref<32x1024xf32, #tpu.memory_space<vmem>>, vector<16xf32>,
        %get3A_901 = arith.index_cast %scan3A_32 : i32 to index
        %get3A_902 = arith.constant 160 : index
        %get3A_903 = tpu.vector_load %arg8[%get3A_901, %get3A_902] {strides = array<i32>} : memref<32x1024xf32, #tpu.memory_space<vmem>>, vector<16xf32>,
        %add3A_904 = arith.addf %get3A_900, %get3A_903 : vector<16xf32>
        %sub3A_905 = arith.subf %add3A_904, %broadcast_in_dim3A_684 : vector<16xf32>
        %mul3A_906 = arith.mulf %sub3A_905, %mul3A_718 : vector<16xf32>
        %get3A_907 = arith.constant 160 : index
        %get3A_908 = tpu.vector_load %arg9[%get3A_907] {strides = array<i32>} : memref<1024xf32, #tpu.memory_space<vmem>>, vector<16xf32>,
        %mul3A_909 = arith.mulf %mul3A_906, %get3A_908 : vector<16xf32>
        %get3A_910 = arith.constant 160 : index
        %get3A_911 = tpu.vector_load %arg10[%get3A_910] {strides = array<i32>} : memref<1024xf32, #tpu.memory_space<vmem>>, vector<16xf32>,
        %add3A_912 = arith.addf %mul3A_909, %get3A_911 : vector<16xf32>
        %swap3A_913 = arith.index_cast %scan3A_32 : i32 to index
        %swap3A_914 = arith.constant 160 : index
        %swap3A_915 = tpu.vector_load %arg7[%swap3A_913, %swap3A_914] {strides = array<i32>} : memref<32x1024xf32, #tpu.memory_space<vmem>>, vector<16xf32>,
        tpu.vector_store %arg7[%swap3A_913, %swap3A_914], %add3A_912 {strides = array<i32>} : memref<32x1024xf32, #tpu.memory_space<vmem>>, vector<16xf32>,
        %get3A_916 = arith.index_cast %scan3A_32 : i32 to index
        %get3A_917 = arith.constant 176 : index
        %get3A_918 = tpu.vector_load %arg7[%get3A_916, %get3A_917] {strides = array<i32>} : memref<32x1024xf32, #tpu.memory_space<vmem>>, vector<16xf32>,
        %get3A_919 = arith.index_cast %scan3A_32 : i32 to index
        %get3A_920 = arith.constant 176 : index
        %get3A_921 = tpu.vector_load %arg8[%get3A_919, %get3A_920] {strides = array<i32>} : memref<32x1024xf32, #tpu.memory_space<vmem>>, vector<16xf32>,
        %add3A_922 = arith.addf %get3A_918, %get3A_921 : vector<16xf32>
        %sub3A_923 = arith.subf %add3A_922, %broadcast_in_dim3A_684 : vector<16xf32>
        %mul3A_924 = arith.mulf %sub3A_923, %mul3A_718 : vector<16xf32>
        %get3A_925 = arith.constant 176 : index
        %get3A_926 = tpu.vector_load %arg9[%get3A_925] {strides = array<i32>} : memref<1024xf32, #tpu.memory_space<vmem>>, vector<16xf32>,
        %mul3A_927 = arith.mulf %mul3A_924, %get3A_926 : vector<16xf32>
        %get3A_928 = arith.constant 176 : index
        %get3A_929 = tpu.vector_load %arg10[%get3A_928] {strides = array<i32>} : memref<1024xf32, #tpu.memory_space<vmem>>, vector<16xf32>,
        %add3A_930 = arith.addf %mul3A_927, %get3A_929 : vector<16xf32>
        %swap3A_931 = arith.index_cast %scan3A_32 : i32 to index
        %swap3A_932 = arith.constant 176 : index
        %swap3A_933 = tpu.vector_load %arg7[%swap3A_931, %swap3A_932] {strides = array<i32>} : memref<32x1024xf32, #tpu.memory_space<vmem>>, vector<16xf32>,
        tpu.vector_store %arg7[%swap3A_931, %swap3A_932], %add3A_930 {strides = array<i32>} : memref<32x1024xf32, #tpu.memory_space<vmem>>, vector<16xf32>,
        %get3A_934 = arith.index_cast %scan3A_32 : i32 to index
        %get3A_935 = arith.constant 192 : index
        %get3A_936 = tpu.vector_load %arg7[%get3A_934, %get3A_935] {strides = array<i32>} : memref<32x1024xf32, #tpu.memory_space<vmem>>, vector<16xf32>,
        %get3A_937 = arith.index_cast %scan3A_32 : i32 to index
        %get3A_938 = arith.constant 192 : index
        %get3A_939 = tpu.vector_load %arg8[%get3A_937, %get3A_938] {strides = array<i32>} : memref<32x1024xf32, #tpu.memory_space<vmem>>, vector<16xf32>,
        %add3A_940 = arith.addf %get3A_936, %get3A_939 : vector<16xf32>
        %sub3A_941 = arith.subf %add3A_940, %broadcast_in_dim3A_684 : vector<16xf32>
        %mul3A_942 = arith.mulf %sub3A_941, %mul3A_718 : vector<16xf32>
        %get3A_943 = arith.constant 192 : index
        %get3A_944 = tpu.vector_load %arg9[%get3A_943] {strides = array<i32>} : memref<1024xf32, #tpu.memory_space<vmem>>, vector<16xf32>,
        %mul3A_945 = arith.mulf %mul3A_942, %get3A_944 : vector<16xf32>
        %get3A_946 = arith.constant 192 : index
        %get3A_947 = tpu.vector_load %arg10[%get3A_946] {strides = array<i32>} : memref<1024xf32, #tpu.memory_space<vmem>>, vector<16xf32>,
        %add3A_948 = arith.addf %mul3A_945, %get3A_947 : vector<16xf32>
        %swap3A_949 = arith.index_cast %scan3A_32 : i32 to index
        %swap3A_950 = arith.constant 192 : index
        %swap3A_951 = tpu.vector_load %arg7[%swap3A_949, %swap3A_950] {strides = array<i32>} : memref<32x1024xf32, #tpu.memory_space<vmem>>, vector<16xf32>,
        tpu.vector_store %arg7[%swap3A_949, %swap3A_950], %add3A_948 {strides = array<i32>} : memref<32x1024xf32, #tpu.memory_space<vmem>>, vector<16xf32>,
        %get3A_952 = arith.index_cast %scan3A_32 : i32 to index
        %get3A_953 = arith.constant 208 : index
        %get3A_954 = tpu.vector_load %arg7[%get3A_952, %get3A_953] {strides = array<i32>} : memref<32x1024xf32, #tpu.memory_space<vmem>>, vector<16xf32>,
        %get3A_955 = arith.index_cast %scan3A_32 : i32 to index
        %get3A_956 = arith.constant 208 : index
        %get3A_957 = tpu.vector_load %arg8[%get3A_955, %get3A_956] {strides = array<i32>} : memref<32x1024xf32, #tpu.memory_space<vmem>>, vector<16xf32>,
        %add3A_958 = arith.addf %get3A_954, %get3A_957 : vector<16xf32>
        %sub3A_959 = arith.subf %add3A_958, %broadcast_in_dim3A_684 : vector<16xf32>
        %mul3A_960 = arith.mulf %sub3A_959, %mul3A_718 : vector<16xf32>
        %get3A_961 = arith.constant 208 : index
        %get3A_962 = tpu.vector_load %arg9[%get3A_961] {strides = array<i32>} : memref<1024xf32, #tpu.memory_space<vmem>>, vector<16xf32>,
        %mul3A_963 = arith.mulf %mul3A_960, %get3A_962 : vector<16xf32>
        %get3A_964 = arith.constant 208 : index
        %get3A_965 = tpu.vector_load %arg10[%get3A_964] {strides = array<i32>} : memref<1024xf32, #tpu.memory_space<vmem>>, vector<16xf32>,
        %add3A_966 = arith.addf %mul3A_963, %get3A_965 : vector<16xf32>
        %swap3A_967 = arith.index_cast %scan3A_32 : i32 to index
        %swap3A_968 = arith.constant 208 : index
        %swap3A_969 = tpu.vector_load %arg7[%swap3A_967, %swap3A_968] {strides = array<i32>} : memref<32x1024xf32, #tpu.memory_space<vmem>>, vector<16xf32>,
        tpu.vector_store %arg7[%swap3A_967, %swap3A_968], %add3A_966 {strides = array<i32>} : memref<32x1024xf32, #tpu.memory_space<vmem>>, vector<16xf32>,
        %get3A_970 = arith.index_cast %scan3A_32 : i32 to index
        %get3A_971 = arith.constant 224 : index
        %get3A_972 = tpu.vector_load %arg7[%get3A_970, %get3A_971] {strides = array<i32>} : memref<32x1024xf32, #tpu.memory_space<vmem>>, vector<16xf32>,
        %get3A_973 = arith.index_cast %scan3A_32 : i32 to index
        %get3A_974 = arith.constant 224 : index
        %get3A_975 = tpu.vector_load %arg8[%get3A_973, %get3A_974] {strides = array<i32>} : memref<32x1024xf32, #tpu.memory_space<vmem>>, vector<16xf32>,
        %add3A_976 = arith.addf %get3A_972, %get3A_975 : vector<16xf32>
        %sub3A_977 = arith.subf %add3A_976, %broadcast_in_dim3A_684 : vector<16xf32>
        %mul3A_978 = arith.mulf %sub3A_977, %mul3A_718 : vector<16xf32>
        %get3A_979 = arith.constant 224 : index
        %get3A_980 = tpu.vector_load %arg9[%get3A_979] {strides = array<i32>} : memref<1024xf32, #tpu.memory_space<vmem>>, vector<16xf32>,
        %mul3A_981 = arith.mulf %mul3A_978, %get3A_980 : vector<16xf32>
        %get3A_982 = arith.constant 224 : index
        %get3A_983 = tpu.vector_load %arg10[%get3A_982] {strides = array<i32>} : memref<1024xf32, #tpu.memory_space<vmem>>, vector<16xf32>,
        %add3A_984 = arith.addf %mul3A_981, %get3A_983 : vector<16xf32>
        %swap3A_985 = arith.index_cast %scan3A_32 : i32 to index
        %swap3A_986 = arith.constant 224 : index
        %swap3A_987 = tpu.vector_load %arg7[%swap3A_985, %swap3A_986] {strides = array<i32>} : memref<32x1024xf32, #tpu.memory_space<vmem>>, vector<16xf32>,
        tpu.vector_store %arg7[%swap3A_985, %swap3A_986], %add3A_984 {strides = array<i32>} : memref<32x1024xf32, #tpu.memory_space<vmem>>, vector<16xf32>,
        %get3A_988 = arith.index_cast %scan3A_32 : i32 to index
        %get3A_989 = arith.constant 240 : index
        %get3A_990 = tpu.vector_load %arg7[%get3A_988, %get3A_989] {strides = array<i32>} : memref<32x1024xf32, #tpu.memory_space<vmem>>, vector<16xf32>,
        %get3A_991 = arith.index_cast %scan3A_32 : i32 to index
        %get3A_992 = arith.constant 240 : index
        %get3A_993 = tpu.vector_load %arg8[%get3A_991, %get3A_992] {strides = array<i32>} : memref<32x1024xf32, #tpu.memory_space<vmem>>, vector<16xf32>,
        %add3A_994 = arith.addf %get3A_990, %get3A_993 : vector<16xf32>
        %sub3A_995 = arith.subf %add3A_994, %broadcast_in_dim3A_684 : vector<16xf32>
        %mul3A_996 = arith.mulf %sub3A_995, %mul3A_718 : vector<16xf32>
        %get3A_997 = arith.constant 240 : index
        %get3A_998 = tpu.vector_load %arg9[%get3A_997] {strides = array<i32>} : memref<1024xf32, #tpu.memory_space<vmem>>, vector<16xf32>,
        %mul3A_999 = arith.mulf %mul3A_996, %get3A_998 : vector<16xf32>
        %get3A_1000 = arith.constant 240 : index
        %get3A_1001 = tpu.vector_load %arg10[%get3A_1000] {strides = array<i32>} : memref<1024xf32, #tpu.memory_space<vmem>>, vector<16xf32>,
        %add3A_1002 = arith.addf %mul3A_999, %get3A_1001 : vector<16xf32>
        %swap3A_1003 = arith.index_cast %scan3A_32 : i32 to index
        %swap3A_1004 = arith.constant 240 : index
        %swap3A_1005 = tpu.vector_load %arg7[%swap3A_1003, %swap3A_1004] {strides = array<i32>} : memref<32x1024xf32, #tpu.memory_space<vmem>>, vector<16xf32>,
        tpu.vector_store %arg7[%swap3A_1003, %swap3A_1004], %add3A_1002 {strides = array<i32>} : memref<32x1024xf32, #tpu.memory_space<vmem>>, vector<16xf32>,
        %get3A_1006 = arith.index_cast %scan3A_32 : i32 to index
        %get3A_1007 = arith.constant 256 : index
        %get3A_1008 = tpu.vector_load %arg7[%get3A_1006, %get3A_1007] {strides = array<i32>} : memref<32x1024xf32, #tpu.memory_space<vmem>>, vector<16xf32>,
        %get3A_1009 = arith.index_cast %scan3A_32 : i32 to index
        %get3A_1010 = arith.constant 256 : index
        %get3A_1011 = tpu.vector_load %arg8[%get3A_1009, %get3A_1010] {strides = array<i32>} : memref<32x1024xf32, #tpu.memory_space<vmem>>, vector<16xf32>,
        %add3A_1012 = arith.addf %get3A_1008, %get3A_1011 : vector<16xf32>
        %sub3A_1013 = arith.subf %add3A_1012, %broadcast_in_dim3A_684 : vector<16xf32>
        %mul3A_1014 = arith.mulf %sub3A_1013, %mul3A_718 : vector<16xf32>
        %get3A_1015 = arith.constant 256 : index
        %get3A_1016 = tpu.vector_load %arg9[%get3A_1015] {strides = array<i32>} : memref<1024xf32, #tpu.memory_space<vmem>>, vector<16xf32>,
        %mul3A_1017 = arith.mulf %mul3A_1014, %get3A_1016 : vector<16xf32>
        %get3A_1018 = arith.constant 256 : index
        %get3A_1019 = tpu.vector_load %arg10[%get3A_1018] {strides = array<i32>} : memref<1024xf32, #tpu.memory_space<vmem>>, vector<16xf32>,
        %add3A_1020 = arith.addf %mul3A_1017, %get3A_1019 : vector<16xf32>
        %swap3A_1021 = arith.index_cast %scan3A_32 : i32 to index
        %swap3A_1022 = arith.constant 256 : index
        %swap3A_1023 = tpu.vector_load %arg7[%swap3A_1021, %swap3A_1022] {strides = array<i32>} : memref<32x1024xf32, #tpu.memory_space<vmem>>, vector<16xf32>,
        tpu.vector_store %arg7[%swap3A_1021, %swap3A_1022], %add3A_1020 {strides = array<i32>} : memref<32x1024xf32, #tpu.memory_space<vmem>>, vector<16xf32>,
        %get3A_1024 = arith.index_cast %scan3A_32 : i32 to index
        %get3A_1025 = arith.constant 272 : index
        %get3A_1026 = tpu.vector_load %arg7[%get3A_1024, %get3A_1025] {strides = array<i32>} : memref<32x1024xf32, #tpu.memory_space<vmem>>, vector<16xf32>,
        %get3A_1027 = arith.index_cast %scan3A_32 : i32 to index
        %get3A_1028 = arith.constant 272 : index
        %get3A_1029 = tpu.vector_load %arg8[%get3A_1027, %get3A_1028] {strides = array<i32>} : memref<32x1024xf32, #tpu.memory_space<vmem>>, vector<16xf32>,
        %add3A_1030 = arith.addf %get3A_1026, %get3A_1029 : vector<16xf32>
        %sub3A_1031 = arith.subf %add3A_1030, %broadcast_in_dim3A_684 : vector<16xf32>
        %mul3A_1032 = arith.mulf %sub3A_1031, %mul3A_718 : vector<16xf32>
        %get3A_1033 = arith.constant 272 : index
        %get3A_1034 = tpu.vector_load %arg9[%get3A_1033] {strides = array<i32>} : memref<1024xf32, #tpu.memory_space<vmem>>, vector<16xf32>,
        %mul3A_1035 = arith.mulf %mul3A_1032, %get3A_1034 : vector<16xf32>
        %get3A_1036 = arith.constant 272 : index
        %get3A_1037 = tpu.vector_load %arg10[%get3A_1036] {strides = array<i32>} : memref<1024xf32, #tpu.memory_space<vmem>>, vector<16xf32>,
        %add3A_1038 = arith.addf %mul3A_1035, %get3A_1037 : vector<16xf32>
        %swap3A_1039 = arith.index_cast %scan3A_32 : i32 to index
        %swap3A_1040 = arith.constant 272 : index
        %swap3A_1041 = tpu.vector_load %arg7[%swap3A_1039, %swap3A_1040] {strides = array<i32>} : memref<32x1024xf32, #tpu.memory_space<vmem>>, vector<16xf32>,
        tpu.vector_store %arg7[%swap3A_1039, %swap3A_1040], %add3A_1038 {strides = array<i32>} : memref<32x1024xf32, #tpu.memory_space<vmem>>, vector<16xf32>,
        %get3A_1042 = arith.index_cast %scan3A_32 : i32 to index
        %get3A_1043 = arith.constant 288 : index
        %get3A_1044 = tpu.vector_load %arg7[%get3A_1042, %get3A_1043] {strides = array<i32>} : memref<32x1024xf32, #tpu.memory_space<vmem>>, vector<16xf32>,
        %get3A_1045 = arith.index_cast %scan3A_32 : i32 to index
        %get3A_1046 = arith.constant 288 : index
        %get3A_1047 = tpu.vector_load %arg8[%get3A_1045, %get3A_1046] {strides = array<i32>} : memref<32x1024xf32, #tpu.memory_space<vmem>>, vector<16xf32>,
        %add3A_1048 = arith.addf %get3A_1044, %get3A_1047 : vector<16xf32>
        %sub3A_1049 = arith.subf %add3A_1048, %broadcast_in_dim3A_684 : vector<16xf32>
        %mul3A_1050 = arith.mulf %sub3A_1049, %mul3A_718 : vector<16xf32>
        %get3A_1051 = arith.constant 288 : index
        %get3A_1052 = tpu.vector_load %arg9[%get3A_1051] {strides = array<i32>} : memref<1024xf32, #tpu.memory_space<vmem>>, vector<16xf32>,
        %mul3A_1053 = arith.mulf %mul3A_1050, %get3A_1052 : vector<16xf32>
        %get3A_1054 = arith.constant 288 : index
        %get3A_1055 = tpu.vector_load %arg10[%get3A_1054] {strides = array<i32>} : memref<1024xf32, #tpu.memory_space<vmem>>, vector<16xf32>,
        %add3A_1056 = arith.addf %mul3A_1053, %get3A_1055 : vector<16xf32>
        %swap3A_1057 = arith.index_cast %scan3A_32 : i32 to index
        %swap3A_1058 = arith.constant 288 : index
        %swap3A_1059 = tpu.vector_load %arg7[%swap3A_1057, %swap3A_1058] {strides = array<i32>} : memref<32x1024xf32, #tpu.memory_space<vmem>>, vector<16xf32>,
        tpu.vector_store %arg7[%swap3A_1057, %swap3A_1058], %add3A_1056 {strides = array<i32>} : memref<32x1024xf32, #tpu.memory_space<vmem>>, vector<16xf32>,
        %get3A_1060 = arith.index_cast %scan3A_32 : i32 to index
        %get3A_1061 = arith.constant 304 : index
        %get3A_1062 = tpu.vector_load %arg7[%get3A_1060, %get3A_1061] {strides = array<i32>} : memref<32x1024xf32, #tpu.memory_space<vmem>>, vector<16xf32>,
        %get3A_1063 = arith.index_cast %scan3A_32 : i32 to index
        %get3A_1064 = arith.constant 304 : index
        %get3A_1065 = tpu.vector_load %arg8[%get3A_1063, %get3A_1064] {strides = array<i32>} : memref<32x1024xf32, #tpu.memory_space<vmem>>, vector<16xf32>,
        %add3A_1066 = arith.addf %get3A_1062, %get3A_1065 : vector<16xf32>
        %sub3A_1067 = arith.subf %add3A_1066, %broadcast_in_dim3A_684 : vector<16xf32>
        %mul3A_1068 = arith.mulf %sub3A_1067, %mul3A_718 : vector<16xf32>
        %get3A_1069 = arith.constant 304 : index
        %get3A_1070 = tpu.vector_load %arg9[%get3A_1069] {strides = array<i32>} : memref<1024xf32, #tpu.memory_space<vmem>>, vector<16xf32>,
        %mul3A_1071 = arith.mulf %mul3A_1068, %get3A_1070 : vector<16xf32>
        %get3A_1072 = arith.constant 304 : index
        %get3A_1073 = tpu.vector_load %arg10[%get3A_1072] {strides = array<i32>} : memref<1024xf32, #tpu.memory_space<vmem>>, vector<16xf32>,
        %add3A_1074 = arith.addf %mul3A_1071, %get3A_1073 : vector<16xf32>
        %swap3A_1075 = arith.index_cast %scan3A_32 : i32 to index
        %swap3A_1076 = arith.constant 304 : index
        %swap3A_1077 = tpu.vector_load %arg7[%swap3A_1075, %swap3A_1076] {strides = array<i32>} : memref<32x1024xf32, #tpu.memory_space<vmem>>, vector<16xf32>,
        tpu.vector_store %arg7[%swap3A_1075, %swap3A_1076], %add3A_1074 {strides = array<i32>} : memref<32x1024xf32, #tpu.memory_space<vmem>>, vector<16xf32>,
        %get3A_1078 = arith.index_cast %scan3A_32 : i32 to index
        %get3A_1079 = arith.constant 320 : index
        %get3A_1080 = tpu.vector_load %arg7[%get3A_1078, %get3A_1079] {strides = array<i32>} : memref<32x1024xf32, #tpu.memory_space<vmem>>, vector<16xf32>,
        %get3A_1081 = arith.index_cast %scan3A_32 : i32 to index
        %get3A_1082 = arith.constant 320 : index
        %get3A_1083 = tpu.vector_load %arg8[%get3A_1081, %get3A_1082] {strides = array<i32>} : memref<32x1024xf32, #tpu.memory_space<vmem>>, vector<16xf32>,
        %add3A_1084 = arith.addf %get3A_1080, %get3A_1083 : vector<16xf32>
        %sub3A_1085 = arith.subf %add3A_1084, %broadcast_in_dim3A_684 : vector<16xf32>
        %mul3A_1086 = arith.mulf %sub3A_1085, %mul3A_718 : vector<16xf32>
        %get3A_1087 = arith.constant 320 : index
        %get3A_1088 = tpu.vector_load %arg9[%get3A_1087] {strides = array<i32>} : memref<1024xf32, #tpu.memory_space<vmem>>, vector<16xf32>,
        %mul3A_1089 = arith.mulf %mul3A_1086, %get3A_1088 : vector<16xf32>
        %get3A_1090 = arith.constant 320 : index
        %get3A_1091 = tpu.vector_load %arg10[%get3A_1090] {strides = array<i32>} : memref<1024xf32, #tpu.memory_space<vmem>>, vector<16xf32>,
        %add3A_1092 = arith.addf %mul3A_1089, %get3A_1091 : vector<16xf32>
        %swap3A_1093 = arith.index_cast %scan3A_32 : i32 to index
        %swap3A_1094 = arith.constant 320 : index
        %swap3A_1095 = tpu.vector_load %arg7[%swap3A_1093, %swap3A_1094] {strides = array<i32>} : memref<32x1024xf32, #tpu.memory_space<vmem>>, vector<16xf32>,
        tpu.vector_store %arg7[%swap3A_1093, %swap3A_1094], %add3A_1092 {strides = array<i32>} : memref<32x1024xf32, #tpu.memory_space<vmem>>, vector<16xf32>,
        %get3A_1096 = arith.index_cast %scan3A_32 : i32 to index
        %get3A_1097 = arith.constant 336 : index
        %get3A_1098 = tpu.vector_load %arg7[%get3A_1096, %get3A_1097] {strides = array<i32>} : memref<32x1024xf32, #tpu.memory_space<vmem>>, vector<16xf32>,
        %get3A_1099 = arith.index_cast %scan3A_32 : i32 to index
        %get3A_1100 = arith.constant 336 : index
        %get3A_1101 = tpu.vector_load %arg8[%get3A_1099, %get3A_1100] {strides = array<i32>} : memref<32x1024xf32, #tpu.memory_space<vmem>>, vector<16xf32>,
        %add3A_1102 = arith.addf %get3A_1098, %get3A_1101 : vector<16xf32>
        %sub3A_1103 = arith.subf %add3A_1102, %broadcast_in_dim3A_684 : vector<16xf32>
        %mul3A_1104 = arith.mulf %sub3A_1103, %mul3A_718 : vector<16xf32>
        %get3A_1105 = arith.constant 336 : index
        %get3A_1106 = tpu.vector_load %arg9[%get3A_1105] {strides = array<i32>} : memref<1024xf32, #tpu.memory_space<vmem>>, vector<16xf32>,
        %mul3A_1107 = arith.mulf %mul3A_1104, %get3A_1106 : vector<16xf32>
        %get3A_1108 = arith.constant 336 : index
        %get3A_1109 = tpu.vector_load %arg10[%get3A_1108] {strides = array<i32>} : memref<1024xf32, #tpu.memory_space<vmem>>, vector<16xf32>,
        %add3A_1110 = arith.addf %mul3A_1107, %get3A_1109 : vector<16xf32>
        %swap3A_1111 = arith.index_cast %scan3A_32 : i32 to index
        %swap3A_1112 = arith.constant 336 : index
        %swap3A_1113 = tpu.vector_load %arg7[%swap3A_1111, %swap3A_1112] {strides = array<i32>} : memref<32x1024xf32, #tpu.memory_space<vmem>>, vector<16xf32>,
        tpu.vector_store %arg7[%swap3A_1111, %swap3A_1112], %add3A_1110 {strides = array<i32>} : memref<32x1024xf32, #tpu.memory_space<vmem>>, vector<16xf32>,
        %get3A_1114 = arith.index_cast %scan3A_32 : i32 to index
        %get3A_1115 = arith.constant 352 : index
        %get3A_1116 = tpu.vector_load %arg7[%get3A_1114, %get3A_1115] {strides = array<i32>} : memref<32x1024xf32, #tpu.memory_space<vmem>>, vector<16xf32>,
        %get3A_1117 = arith.index_cast %scan3A_32 : i32 to index
        %get3A_1118 = arith.constant 352 : index
        %get3A_1119 = tpu.vector_load %arg8[%get3A_1117, %get3A_1118] {strides = array<i32>} : memref<32x1024xf32, #tpu.memory_space<vmem>>, vector<16xf32>,
        %add3A_1120 = arith.addf %get3A_1116, %get3A_1119 : vector<16xf32>
        %sub3A_1121 = arith.subf %add3A_1120, %broadcast_in_dim3A_684 : vector<16xf32>
        %mul3A_1122 = arith.mulf %sub3A_1121, %mul3A_718 : vector<16xf32>
        %get3A_1123 = arith.constant 352 : index
        %get3A_1124 = tpu.vector_load %arg9[%get3A_1123] {strides = array<i32>} : memref<1024xf32, #tpu.memory_space<vmem>>, vector<16xf32>,
        %mul3A_1125 = arith.mulf %mul3A_1122, %get3A_1124 : vector<16xf32>
        %get3A_1126 = arith.constant 352 : index
        %get3A_1127 = tpu.vector_load %arg10[%get3A_1126] {strides = array<i32>} : memref<1024xf32, #tpu.memory_space<vmem>>, vector<16xf32>,
        %add3A_1128 = arith.addf %mul3A_1125, %get3A_1127 : vector<16xf32>
        %swap3A_1129 = arith.index_cast %scan3A_32 : i32 to index
        %swap3A_1130 = arith.constant 352 : index
        %swap3A_1131 = tpu.vector_load %arg7[%swap3A_1129, %swap3A_1130] {strides = array<i32>} : memref<32x1024xf32, #tpu.memory_space<vmem>>, vector<16xf32>,
        tpu.vector_store %arg7[%swap3A_1129, %swap3A_1130], %add3A_1128 {strides = array<i32>} : memref<32x1024xf32, #tpu.memory_space<vmem>>, vector<16xf32>,
        %get3A_1132 = arith.index_cast %scan3A_32 : i32 to index
        %get3A_1133 = arith.constant 368 : index
        %get3A_1134 = tpu.vector_load %arg7[%get3A_1132, %get3A_1133] {strides = array<i32>} : memref<32x1024xf32, #tpu.memory_space<vmem>>, vector<16xf32>,
        %get3A_1135 = arith.index_cast %scan3A_32 : i32 to index
        %get3A_1136 = arith.constant 368 : index
        %get3A_1137 = tpu.vector_load %arg8[%get3A_1135, %get3A_1136] {strides = array<i32>} : memref<32x1024xf32, #tpu.memory_space<vmem>>, vector<16xf32>,
        %add3A_1138 = arith.addf %get3A_1134, %get3A_1137 : vector<16xf32>
        %sub3A_1139 = arith.subf %add3A_1138, %broadcast_in_dim3A_684 : vector<16xf32>
        %mul3A_1140 = arith.mulf %sub3A_1139, %mul3A_718 : vector<16xf32>
        %get3A_1141 = arith.constant 368 : index
        %get3A_1142 = tpu.vector_load %arg9[%get3A_1141] {strides = array<i32>} : memref<1024xf32, #tpu.memory_space<vmem>>, vector<16xf32>,
        %mul3A_1143 = arith.mulf %mul3A_1140, %get3A_1142 : vector<16xf32>
        %get3A_1144 = arith.constant 368 : index
        %get3A_1145 = tpu.vector_load %arg10[%get3A_1144] {strides = array<i32>} : memref<1024xf32, #tpu.memory_space<vmem>>, vector<16xf32>,
        %add3A_1146 = arith.addf %mul3A_1143, %get3A_1145 : vector<16xf32>
        %swap3A_1147 = arith.index_cast %scan3A_32 : i32 to index
        %swap3A_1148 = arith.constant 368 : index
        %swap3A_1149 = tpu.vector_load %arg7[%swap3A_1147, %swap3A_1148] {strides = array<i32>} : memref<32x1024xf32, #tpu.memory_space<vmem>>, vector<16xf32>,
        tpu.vector_store %arg7[%swap3A_1147, %swap3A_1148], %add3A_1146 {strides = array<i32>} : memref<32x1024xf32, #tpu.memory_space<vmem>>, vector<16xf32>,
        %get3A_1150 = arith.index_cast %scan3A_32 : i32 to index
        %get3A_1151 = arith.constant 384 : index
        %get3A_1152 = tpu.vector_load %arg7[%get3A_1150, %get3A_1151] {strides = array<i32>} : memref<32x1024xf32, #tpu.memory_space<vmem>>, vector<16xf32>,
        %get3A_1153 = arith.index_cast %scan3A_32 : i32 to index
        %get3A_1154 = arith.constant 384 : index
        %get3A_1155 = tpu.vector_load %arg8[%get3A_1153, %get3A_1154] {strides = array<i32>} : memref<32x1024xf32, #tpu.memory_space<vmem>>, vector<16xf32>,
        %add3A_1156 = arith.addf %get3A_1152, %get3A_1155 : vector<16xf32>
        %sub3A_1157 = arith.subf %add3A_1156, %broadcast_in_dim3A_684 : vector<16xf32>
        %mul3A_1158 = arith.mulf %sub3A_1157, %mul3A_718 : vector<16xf32>
        %get3A_1159 = arith.constant 384 : index
        %get3A_1160 = tpu.vector_load %arg9[%get3A_1159] {strides = array<i32>} : memref<1024xf32, #tpu.memory_space<vmem>>, vector<16xf32>,
        %mul3A_1161 = arith.mulf %mul3A_1158, %get3A_1160 : vector<16xf32>
        %get3A_1162 = arith.constant 384 : index
        %get3A_1163 = tpu.vector_load %arg10[%get3A_1162] {strides = array<i32>} : memref<1024xf32, #tpu.memory_space<vmem>>, vector<16xf32>,
        %add3A_1164 = arith.addf %mul3A_1161, %get3A_1163 : vector<16xf32>
        %swap3A_1165 = arith.index_cast %scan3A_32 : i32 to index
        %swap3A_1166 = arith.constant 384 : index
        %swap3A_1167 = tpu.vector_load %arg7[%swap3A_1165, %swap3A_1166] {strides = array<i32>} : memref<32x1024xf32, #tpu.memory_space<vmem>>, vector<16xf32>,
        tpu.vector_store %arg7[%swap3A_1165, %swap3A_1166], %add3A_1164 {strides = array<i32>} : memref<32x1024xf32, #tpu.memory_space<vmem>>, vector<16xf32>,
        %get3A_1168 = arith.index_cast %scan3A_32 : i32 to index
        %get3A_1169 = arith.constant 400 : index
        %get3A_1170 = tpu.vector_load %arg7[%get3A_1168, %get3A_1169] {strides = array<i32>} : memref<32x1024xf32, #tpu.memory_space<vmem>>, vector<16xf32>,
        %get3A_1171 = arith.index_cast %scan3A_32 : i32 to index
        %get3A_1172 = arith.constant 400 : index
        %get3A_1173 = tpu.vector_load %arg8[%get3A_1171, %get3A_1172] {strides = array<i32>} : memref<32x1024xf32, #tpu.memory_space<vmem>>, vector<16xf32>,
        %add3A_1174 = arith.addf %get3A_1170, %get3A_1173 : vector<16xf32>
        %sub3A_1175 = arith.subf %add3A_1174, %broadcast_in_dim3A_684 : vector<16xf32>
        %mul3A_1176 = arith.mulf %sub3A_1175, %mul3A_718 : vector<16xf32>
        %get3A_1177 = arith.constant 400 : index
        %get3A_1178 = tpu.vector_load %arg9[%get3A_1177] {strides = array<i32>} : memref<1024xf32, #tpu.memory_space<vmem>>, vector<16xf32>,
        %mul3A_1179 = arith.mulf %mul3A_1176, %get3A_1178 : vector<16xf32>
        %get3A_1180 = arith.constant 400 : index
        %get3A_1181 = tpu.vector_load %arg10[%get3A_1180] {strides = array<i32>} : memref<1024xf32, #tpu.memory_space<vmem>>, vector<16xf32>,
        %add3A_1182 = arith.addf %mul3A_1179, %get3A_1181 : vector<16xf32>
        %swap3A_1183 = arith.index_cast %scan3A_32 : i32 to index
        %swap3A_1184 = arith.constant 400 : index
        %swap3A_1185 = tpu.vector_load %arg7[%swap3A_1183, %swap3A_1184] {strides = array<i32>} : memref<32x1024xf32, #tpu.memory_space<vmem>>, vector<16xf32>,
        tpu.vector_store %arg7[%swap3A_1183, %swap3A_1184], %add3A_1182 {strides = array<i32>} : memref<32x1024xf32, #tpu.memory_space<vmem>>, vector<16xf32>,
        %get3A_1186 = arith.index_cast %scan3A_32 : i32 to index
        %get3A_1187 = arith.constant 416 : index
        %get3A_1188 = tpu.vector_load %arg7[%get3A_1186, %get3A_1187] {strides = array<i32>} : memref<32x1024xf32, #tpu.memory_space<vmem>>, vector<16xf32>,
        %get3A_1189 = arith.index_cast %scan3A_32 : i32 to index
        %get3A_1190 = arith.constant 416 : index
        %get3A_1191 = tpu.vector_load %arg8[%get3A_1189, %get3A_1190] {strides = array<i32>} : memref<32x1024xf32, #tpu.memory_space<vmem>>, vector<16xf32>,
        %add3A_1192 = arith.addf %get3A_1188, %get3A_1191 : vector<16xf32>
        %sub3A_1193 = arith.subf %add3A_1192, %broadcast_in_dim3A_684 : vector<16xf32>
        %mul3A_1194 = arith.mulf %sub3A_1193, %mul3A_718 : vector<16xf32>
        %get3A_1195 = arith.constant 416 : index
        %get3A_1196 = tpu.vector_load %arg9[%get3A_1195] {strides = array<i32>} : memref<1024xf32, #tpu.memory_space<vmem>>, vector<16xf32>,
        %mul3A_1197 = arith.mulf %mul3A_1194, %get3A_1196 : vector<16xf32>
        %get3A_1198 = arith.constant 416 : index
        %get3A_1199 = tpu.vector_load %arg10[%get3A_1198] {strides = array<i32>} : memref<1024xf32, #tpu.memory_space<vmem>>, vector<16xf32>,
        %add3A_1200 = arith.addf %mul3A_1197, %get3A_1199 : vector<16xf32>
        %swap3A_1201 = arith.index_cast %scan3A_32 : i32 to index
        %swap3A_1202 = arith.constant 416 : index
        %swap3A_1203 = tpu.vector_load %arg7[%swap3A_1201, %swap3A_1202] {strides = array<i32>} : memref<32x1024xf32, #tpu.memory_space<vmem>>, vector<16xf32>,
        tpu.vector_store %arg7[%swap3A_1201, %swap3A_1202], %add3A_1200 {strides = array<i32>} : memref<32x1024xf32, #tpu.memory_space<vmem>>, vector<16xf32>,
        %get3A_1204 = arith.index_cast %scan3A_32 : i32 to index
        %get3A_1205 = arith.constant 432 : index
        %get3A_1206 = tpu.vector_load %arg7[%get3A_1204, %get3A_1205] {strides = array<i32>} : memref<32x1024xf32, #tpu.memory_space<vmem>>, vector<16xf32>,
        %get3A_1207 = arith.index_cast %scan3A_32 : i32 to index
        %get3A_1208 = arith.constant 432 : index
        %get3A_1209 = tpu.vector_load %arg8[%get3A_1207, %get3A_1208] {strides = array<i32>} : memref<32x1024xf32, #tpu.memory_space<vmem>>, vector<16xf32>,
        %add3A_1210 = arith.addf %get3A_1206, %get3A_1209 : vector<16xf32>
        %sub3A_1211 = arith.subf %add3A_1210, %broadcast_in_dim3A_684 : vector<16xf32>
        %mul3A_1212 = arith.mulf %sub3A_1211, %mul3A_718 : vector<16xf32>
        %get3A_1213 = arith.constant 432 : index
        %get3A_1214 = tpu.vector_load %arg9[%get3A_1213] {strides = array<i32>} : memref<1024xf32, #tpu.memory_space<vmem>>, vector<16xf32>,
        %mul3A_1215 = arith.mulf %mul3A_1212, %get3A_1214 : vector<16xf32>
        %get3A_1216 = arith.constant 432 : index
        %get3A_1217 = tpu.vector_load %arg10[%get3A_1216] {strides = array<i32>} : memref<1024xf32, #tpu.memory_space<vmem>>, vector<16xf32>,
        %add3A_1218 = arith.addf %mul3A_1215, %get3A_1217 : vector<16xf32>
        %swap3A_1219 = arith.index_cast %scan3A_32 : i32 to index
        %swap3A_1220 = arith.constant 432 : index
        %swap3A_1221 = tpu.vector_load %arg7[%swap3A_1219, %swap3A_1220] {strides = array<i32>} : memref<32x1024xf32, #tpu.memory_space<vmem>>, vector<16xf32>,
        tpu.vector_store %arg7[%swap3A_1219, %swap3A_1220], %add3A_1218 {strides = array<i32>} : memref<32x1024xf32, #tpu.memory_space<vmem>>, vector<16xf32>,
        %get3A_1222 = arith.index_cast %scan3A_32 : i32 to index
        %get3A_1223 = arith.constant 448 : index
        %get3A_1224 = tpu.vector_load %arg7[%get3A_1222, %get3A_1223] {strides = array<i32>} : memref<32x1024xf32, #tpu.memory_space<vmem>>, vector<16xf32>,
        %get3A_1225 = arith.index_cast %scan3A_32 : i32 to index
        %get3A_1226 = arith.constant 448 : index
        %get3A_1227 = tpu.vector_load %arg8[%get3A_1225, %get3A_1226] {strides = array<i32>} : memref<32x1024xf32, #tpu.memory_space<vmem>>, vector<16xf32>,
        %add3A_1228 = arith.addf %get3A_1224, %get3A_1227 : vector<16xf32>
        %sub3A_1229 = arith.subf %add3A_1228, %broadcast_in_dim3A_684 : vector<16xf32>
        %mul3A_1230 = arith.mulf %sub3A_1229, %mul3A_718 : vector<16xf32>
        %get3A_1231 = arith.constant 448 : index
        %get3A_1232 = tpu.vector_load %arg9[%get3A_1231] {strides = array<i32>} : memref<1024xf32, #tpu.memory_space<vmem>>, vector<16xf32>,
        %mul3A_1233 = arith.mulf %mul3A_1230, %get3A_1232 : vector<16xf32>
        %get3A_1234 = arith.constant 448 : index
        %get3A_1235 = tpu.vector_load %arg10[%get3A_1234] {strides = array<i32>} : memref<1024xf32, #tpu.memory_space<vmem>>, vector<16xf32>,
        %add3A_1236 = arith.addf %mul3A_1233, %get3A_1235 : vector<16xf32>
        %swap3A_1237 = arith.index_cast %scan3A_32 : i32 to index
        %swap3A_1238 = arith.constant 448 : index
        %swap3A_1239 = tpu.vector_load %arg7[%swap3A_1237, %swap3A_1238] {strides = array<i32>} : memref<32x1024xf32, #tpu.memory_space<vmem>>, vector<16xf32>,
        tpu.vector_store %arg7[%swap3A_1237, %swap3A_1238], %add3A_1236 {strides = array<i32>} : memref<32x1024xf32, #tpu.memory_space<vmem>>, vector<16xf32>,
        %get3A_1240 = arith.index_cast %scan3A_32 : i32 to index
        %get3A_1241 = arith.constant 464 : index
        %get3A_1242 = tpu.vector_load %arg7[%get3A_1240, %get3A_1241] {strides = array<i32>} : memref<32x1024xf32, #tpu.memory_space<vmem>>, vector<16xf32>,
        %get3A_1243 = arith.index_cast %scan3A_32 : i32 to index
        %get3A_1244 = arith.constant 464 : index
        %get3A_1245 = tpu.vector_load %arg8[%get3A_1243, %get3A_1244] {strides = array<i32>} : memref<32x1024xf32, #tpu.memory_space<vmem>>, vector<16xf32>,
        %add3A_1246 = arith.addf %get3A_1242, %get3A_1245 : vector<16xf32>
        %sub3A_1247 = arith.subf %add3A_1246, %broadcast_in_dim3A_684 : vector<16xf32>
        %mul3A_1248 = arith.mulf %sub3A_1247, %mul3A_718 : vector<16xf32>
        %get3A_1249 = arith.constant 464 : index
        %get3A_1250 = tpu.vector_load %arg9[%get3A_1249] {strides = array<i32>} : memref<1024xf32, #tpu.memory_space<vmem>>, vector<16xf32>,
        %mul3A_1251 = arith.mulf %mul3A_1248, %get3A_1250 : vector<16xf32>
        %get3A_1252 = arith.constant 464 : index
        %get3A_1253 = tpu.vector_load %arg10[%get3A_1252] {strides = array<i32>} : memref<1024xf32, #tpu.memory_space<vmem>>, vector<16xf32>,
        %add3A_1254 = arith.addf %mul3A_1251, %get3A_1253 : vector<16xf32>
        %swap3A_1255 = arith.index_cast %scan3A_32 : i32 to index
        %swap3A_1256 = arith.constant 464 : index
        %swap3A_1257 = tpu.vector_load %arg7[%swap3A_1255, %swap3A_1256] {strides = array<i32>} : memref<32x1024xf32, #tpu.memory_space<vmem>>, vector<16xf32>,
        tpu.vector_store %arg7[%swap3A_1255, %swap3A_1256], %add3A_1254 {strides = array<i32>} : memref<32x1024xf32, #tpu.memory_space<vmem>>, vector<16xf32>,
        %get3A_1258 = arith.index_cast %scan3A_32 : i32 to index
        %get3A_1259 = arith.constant 480 : index
        %get3A_1260 = tpu.vector_load %arg7[%get3A_1258, %get3A_1259] {strides = array<i32>} : memref<32x1024xf32, #tpu.memory_space<vmem>>, vector<16xf32>,
        %get3A_1261 = arith.index_cast %scan3A_32 : i32 to index
        %get3A_1262 = arith.constant 480 : index
        %get3A_1263 = tpu.vector_load %arg8[%get3A_1261, %get3A_1262] {strides = array<i32>} : memref<32x1024xf32, #tpu.memory_space<vmem>>, vector<16xf32>,
        %add3A_1264 = arith.addf %get3A_1260, %get3A_1263 : vector<16xf32>
        %sub3A_1265 = arith.subf %add3A_1264, %broadcast_in_dim3A_684 : vector<16xf32>
        %mul3A_1266 = arith.mulf %sub3A_1265, %mul3A_718 : vector<16xf32>
        %get3A_1267 = arith.constant 480 : index
        %get3A_1268 = tpu.vector_load %arg9[%get3A_1267] {strides = array<i32>} : memref<1024xf32, #tpu.memory_space<vmem>>, vector<16xf32>,
        %mul3A_1269 = arith.mulf %mul3A_1266, %get3A_1268 : vector<16xf32>
        %get3A_1270 = arith.constant 480 : index
        %get3A_1271 = tpu.vector_load %arg10[%get3A_1270] {strides = array<i32>} : memref<1024xf32, #tpu.memory_space<vmem>>, vector<16xf32>,
        %add3A_1272 = arith.addf %mul3A_1269, %get3A_1271 : vector<16xf32>
        %swap3A_1273 = arith.index_cast %scan3A_32 : i32 to index
        %swap3A_1274 = arith.constant 480 : index
        %swap3A_1275 = tpu.vector_load %arg7[%swap3A_1273, %swap3A_1274] {strides = array<i32>} : memref<32x1024xf32, #tpu.memory_space<vmem>>, vector<16xf32>,
        tpu.vector_store %arg7[%swap3A_1273, %swap3A_1274], %add3A_1272 {strides = array<i32>} : memref<32x1024xf32, #tpu.memory_space<vmem>>, vector<16xf32>,
        %get3A_1276 = arith.index_cast %scan3A_32 : i32 to index
        %get3A_1277 = arith.constant 496 : index
        %get3A_1278 = tpu.vector_load %arg7[%get3A_1276, %get3A_1277] {strides = array<i32>} : memref<32x1024xf32, #tpu.memory_space<vmem>>, vector<16xf32>,
        %get3A_1279 = arith.index_cast %scan3A_32 : i32 to index
        %get3A_1280 = arith.constant 496 : index
        %get3A_1281 = tpu.vector_load %arg8[%get3A_1279, %get3A_1280] {strides = array<i32>} : memref<32x1024xf32, #tpu.memory_space<vmem>>, vector<16xf32>,
        %add3A_1282 = arith.addf %get3A_1278, %get3A_1281 : vector<16xf32>
        %sub3A_1283 = arith.subf %add3A_1282, %broadcast_in_dim3A_684 : vector<16xf32>
        %mul3A_1284 = arith.mulf %sub3A_1283, %mul3A_718 : vector<16xf32>
        %get3A_1285 = arith.constant 496 : index
        %get3A_1286 = tpu.vector_load %arg9[%get3A_1285] {strides = array<i32>} : memref<1024xf32, #tpu.memory_space<vmem>>, vector<16xf32>,
        %mul3A_1287 = arith.mulf %mul3A_1284, %get3A_1286 : vector<16xf32>
        %get3A_1288 = arith.constant 496 : index
        %get3A_1289 = tpu.vector_load %arg10[%get3A_1288] {strides = array<i32>} : memref<1024xf32, #tpu.memory_space<vmem>>, vector<16xf32>,
        %add3A_1290 = arith.addf %mul3A_1287, %get3A_1289 : vector<16xf32>
        %swap3A_1291 = arith.index_cast %scan3A_32 : i32 to index
        %swap3A_1292 = arith.constant 496 : index
        %swap3A_1293 = tpu.vector_load %arg7[%swap3A_1291, %swap3A_1292] {strides = array<i32>} : memref<32x1024xf32, #tpu.memory_space<vmem>>, vector<16xf32>,
        tpu.vector_store %arg7[%swap3A_1291, %swap3A_1292], %add3A_1290 {strides = array<i32>} : memref<32x1024xf32, #tpu.memory_space<vmem>>, vector<16xf32>,
        %get3A_1294 = arith.index_cast %scan3A_32 : i32 to index
        %get3A_1295 = arith.constant 512 : index
        %get3A_1296 = tpu.vector_load %arg7[%get3A_1294, %get3A_1295] {strides = array<i32>} : memref<32x1024xf32, #tpu.memory_space<vmem>>, vector<16xf32>,
        %get3A_1297 = arith.index_cast %scan3A_32 : i32 to index
        %get3A_1298 = arith.constant 512 : index
        %get3A_1299 = tpu.vector_load %arg8[%get3A_1297, %get3A_1298] {strides = array<i32>} : memref<32x1024xf32, #tpu.memory_space<vmem>>, vector<16xf32>,
        %add3A_1300 = arith.addf %get3A_1296, %get3A_1299 : vector<16xf32>
        %sub3A_1301 = arith.subf %add3A_1300, %broadcast_in_dim3A_684 : vector<16xf32>
        %mul3A_1302 = arith.mulf %sub3A_1301, %mul3A_718 : vector<16xf32>
        %get3A_1303 = arith.constant 512 : index
        %get3A_1304 = tpu.vector_load %arg9[%get3A_1303] {strides = array<i32>} : memref<1024xf32, #tpu.memory_space<vmem>>, vector<16xf32>,
        %mul3A_1305 = arith.mulf %mul3A_1302, %get3A_1304 : vector<16xf32>
        %get3A_1306 = arith.constant 512 : index
        %get3A_1307 = tpu.vector_load %arg10[%get3A_1306] {strides = array<i32>} : memref<1024xf32, #tpu.memory_space<vmem>>, vector<16xf32>,
        %add3A_1308 = arith.addf %mul3A_1305, %get3A_1307 : vector<16xf32>
        %swap3A_1309 = arith.index_cast %scan3A_32 : i32 to index
        %swap3A_1310 = arith.constant 512 : index
        %swap3A_1311 = tpu.vector_load %arg7[%swap3A_1309, %swap3A_1310] {strides = array<i32>} : memref<32x1024xf32, #tpu.memory_space<vmem>>, vector<16xf32>,
        tpu.vector_store %arg7[%swap3A_1309, %swap3A_1310], %add3A_1308 {strides = array<i32>} : memref<32x1024xf32, #tpu.memory_space<vmem>>, vector<16xf32>,
        %get3A_1312 = arith.index_cast %scan3A_32 : i32 to index
        %get3A_1313 = arith.constant 528 : index
        %get3A_1314 = tpu.vector_load %arg7[%get3A_1312, %get3A_1313] {strides = array<i32>} : memref<32x1024xf32, #tpu.memory_space<vmem>>, vector<16xf32>,
        %get3A_1315 = arith.index_cast %scan3A_32 : i32 to index
        %get3A_1316 = arith.constant 528 : index
        %get3A_1317 = tpu.vector_load %arg8[%get3A_1315, %get3A_1316] {strides = array<i32>} : memref<32x1024xf32, #tpu.memory_space<vmem>>, vector<16xf32>,
        %add3A_1318 = arith.addf %get3A_1314, %get3A_1317 : vector<16xf32>
        %sub3A_1319 = arith.subf %add3A_1318, %broadcast_in_dim3A_684 : vector<16xf32>
        %mul3A_1320 = arith.mulf %sub3A_1319, %mul3A_718 : vector<16xf32>
        %get3A_1321 = arith.constant 528 : index
        %get3A_1322 = tpu.vector_load %arg9[%get3A_1321] {strides = array<i32>} : memref<1024xf32, #tpu.memory_space<vmem>>, vector<16xf32>,
        %mul3A_1323 = arith.mulf %mul3A_1320, %get3A_1322 : vector<16xf32>
        %get3A_1324 = arith.constant 528 : index
        %get3A_1325 = tpu.vector_load %arg10[%get3A_1324] {strides = array<i32>} : memref<1024xf32, #tpu.memory_space<vmem>>, vector<16xf32>,
        %add3A_1326 = arith.addf %mul3A_1323, %get3A_1325 : vector<16xf32>
        %swap3A_1327 = arith.index_cast %scan3A_32 : i32 to index
        %swap3A_1328 = arith.constant 528 : index
        %swap3A_1329 = tpu.vector_load %arg7[%swap3A_1327, %swap3A_1328] {strides = array<i32>} : memref<32x1024xf32, #tpu.memory_space<vmem>>, vector<16xf32>,
        tpu.vector_store %arg7[%swap3A_1327, %swap3A_1328], %add3A_1326 {strides = array<i32>} : memref<32x1024xf32, #tpu.memory_space<vmem>>, vector<16xf32>,
        %get3A_1330 = arith.index_cast %scan3A_32 : i32 to index
        %get3A_1331 = arith.constant 544 : index
        %get3A_1332 = tpu.vector_load %arg7[%get3A_1330, %get3A_1331] {strides = array<i32>} : memref<32x1024xf32, #tpu.memory_space<vmem>>, vector<16xf32>,
        %get3A_1333 = arith.index_cast %scan3A_32 : i32 to index
        %get3A_1334 = arith.constant 544 : index
        %get3A_1335 = tpu.vector_load %arg8[%get3A_1333, %get3A_1334] {strides = array<i32>} : memref<32x1024xf32, #tpu.memory_space<vmem>>, vector<16xf32>,
        %add3A_1336 = arith.addf %get3A_1332, %get3A_1335 : vector<16xf32>
        %sub3A_1337 = arith.subf %add3A_1336, %broadcast_in_dim3A_684 : vector<16xf32>
        %mul3A_1338 = arith.mulf %sub3A_1337, %mul3A_718 : vector<16xf32>
        %get3A_1339 = arith.constant 544 : index
        %get3A_1340 = tpu.vector_load %arg9[%get3A_1339] {strides = array<i32>} : memref<1024xf32, #tpu.memory_space<vmem>>, vector<16xf32>,
        %mul3A_1341 = arith.mulf %mul3A_1338, %get3A_1340 : vector<16xf32>
        %get3A_1342 = arith.constant 544 : index
        %get3A_1343 = tpu.vector_load %arg10[%get3A_1342] {strides = array<i32>} : memref<1024xf32, #tpu.memory_space<vmem>>, vector<16xf32>,
        %add3A_1344 = arith.addf %mul3A_1341, %get3A_1343 : vector<16xf32>
        %swap3A_1345 = arith.index_cast %scan3A_32 : i32 to index
        %swap3A_1346 = arith.constant 544 : index
        %swap3A_1347 = tpu.vector_load %arg7[%swap3A_1345, %swap3A_1346] {strides = array<i32>} : memref<32x1024xf32, #tpu.memory_space<vmem>>, vector<16xf32>,
        tpu.vector_store %arg7[%swap3A_1345, %swap3A_1346], %add3A_1344 {strides = array<i32>} : memref<32x1024xf32, #tpu.memory_space<vmem>>, vector<16xf32>,
        %get3A_1348 = arith.index_cast %scan3A_32 : i32 to index
        %get3A_1349 = arith.constant 560 : index
        %get3A_1350 = tpu.vector_load %arg7[%get3A_1348, %get3A_1349] {strides = array<i32>} : memref<32x1024xf32, #tpu.memory_space<vmem>>, vector<16xf32>,
        %get3A_1351 = arith.index_cast %scan3A_32 : i32 to index
        %get3A_1352 = arith.constant 560 : index
        %get3A_1353 = tpu.vector_load %arg8[%get3A_1351, %get3A_1352] {strides = array<i32>} : memref<32x1024xf32, #tpu.memory_space<vmem>>, vector<16xf32>,
        %add3A_1354 = arith.addf %get3A_1350, %get3A_1353 : vector<16xf32>
        %sub3A_1355 = arith.subf %add3A_1354, %broadcast_in_dim3A_684 : vector<16xf32>
        %mul3A_1356 = arith.mulf %sub3A_1355, %mul3A_718 : vector<16xf32>
        %get3A_1357 = arith.constant 560 : index
        %get3A_1358 = tpu.vector_load %arg9[%get3A_1357] {strides = array<i32>} : memref<1024xf32, #tpu.memory_space<vmem>>, vector<16xf32>,
        %mul3A_1359 = arith.mulf %mul3A_1356, %get3A_1358 : vector<16xf32>
        %get3A_1360 = arith.constant 560 : index
        %get3A_1361 = tpu.vector_load %arg10[%get3A_1360] {strides = array<i32>} : memref<1024xf32, #tpu.memory_space<vmem>>, vector<16xf32>,
        %add3A_1362 = arith.addf %mul3A_1359, %get3A_1361 : vector<16xf32>
        %swap3A_1363 = arith.index_cast %scan3A_32 : i32 to index
        %swap3A_1364 = arith.constant 560 : index
        %swap3A_1365 = tpu.vector_load %arg7[%swap3A_1363, %swap3A_1364] {strides = array<i32>} : memref<32x1024xf32, #tpu.memory_space<vmem>>, vector<16xf32>,
        tpu.vector_store %arg7[%swap3A_1363, %swap3A_1364], %add3A_1362 {strides = array<i32>} : memref<32x1024xf32, #tpu.memory_space<vmem>>, vector<16xf32>,
        %get3A_1366 = arith.index_cast %scan3A_32 : i32 to index
        %get3A_1367 = arith.constant 576 : index
        %get3A_1368 = tpu.vector_load %arg7[%get3A_1366, %get3A_1367] {strides = array<i32>} : memref<32x1024xf32, #tpu.memory_space<vmem>>, vector<16xf32>,
        %get3A_1369 = arith.index_cast %scan3A_32 : i32 to index
        %get3A_1370 = arith.constant 576 : index
        %get3A_1371 = tpu.vector_load %arg8[%get3A_1369, %get3A_1370] {strides = array<i32>} : memref<32x1024xf32, #tpu.memory_space<vmem>>, vector<16xf32>,
        %add3A_1372 = arith.addf %get3A_1368, %get3A_1371 : vector<16xf32>
        %sub3A_1373 = arith.subf %add3A_1372, %broadcast_in_dim3A_684 : vector<16xf32>
        %mul3A_1374 = arith.mulf %sub3A_1373, %mul3A_718 : vector<16xf32>
        %get3A_1375 = arith.constant 576 : index
        %get3A_1376 = tpu.vector_load %arg9[%get3A_1375] {strides = array<i32>} : memref<1024xf32, #tpu.memory_space<vmem>>, vector<16xf32>,
        %mul3A_1377 = arith.mulf %mul3A_1374, %get3A_1376 : vector<16xf32>
        %get3A_1378 = arith.constant 576 : index
        %get3A_1379 = tpu.vector_load %arg10[%get3A_1378] {strides = array<i32>} : memref<1024xf32, #tpu.memory_space<vmem>>, vector<16xf32>,
        %add3A_1380 = arith.addf %mul3A_1377, %get3A_1379 : vector<16xf32>
        %swap3A_1381 = arith.index_cast %scan3A_32 : i32 to index
        %swap3A_1382 = arith.constant 576 : index
        %swap3A_1383 = tpu.vector_load %arg7[%swap3A_1381, %swap3A_1382] {strides = array<i32>} : memref<32x1024xf32, #tpu.memory_space<vmem>>, vector<16xf32>,
        tpu.vector_store %arg7[%swap3A_1381, %swap3A_1382], %add3A_1380 {strides = array<i32>} : memref<32x1024xf32, #tpu.memory_space<vmem>>, vector<16xf32>,
        %get3A_1384 = arith.index_cast %scan3A_32 : i32 to index
        %get3A_1385 = arith.constant 592 : index
        %get3A_1386 = tpu.vector_load %arg7[%get3A_1384, %get3A_1385] {strides = array<i32>} : memref<32x1024xf32, #tpu.memory_space<vmem>>, vector<16xf32>,
        %get3A_1387 = arith.index_cast %scan3A_32 : i32 to index
        %get3A_1388 = arith.constant 592 : index
        %get3A_1389 = tpu.vector_load %arg8[%get3A_1387, %get3A_1388] {strides = array<i32>} : memref<32x1024xf32, #tpu.memory_space<vmem>>, vector<16xf32>,
        %add3A_1390 = arith.addf %get3A_1386, %get3A_1389 : vector<16xf32>
        %sub3A_1391 = arith.subf %add3A_1390, %broadcast_in_dim3A_684 : vector<16xf32>
        %mul3A_1392 = arith.mulf %sub3A_1391, %mul3A_718 : vector<16xf32>
        %get3A_1393 = arith.constant 592 : index
        %get3A_1394 = tpu.vector_load %arg9[%get3A_1393] {strides = array<i32>} : memref<1024xf32, #tpu.memory_space<vmem>>, vector<16xf32>,
        %mul3A_1395 = arith.mulf %mul3A_1392, %get3A_1394 : vector<16xf32>
        %get3A_1396 = arith.constant 592 : index
        %get3A_1397 = tpu.vector_load %arg10[%get3A_1396] {strides = array<i32>} : memref<1024xf32, #tpu.memory_space<vmem>>, vector<16xf32>,
        %add3A_1398 = arith.addf %mul3A_1395, %get3A_1397 : vector<16xf32>
        %swap3A_1399 = arith.index_cast %scan3A_32 : i32 to index
        %swap3A_1400 = arith.constant 592 : index
        %swap3A_1401 = tpu.vector_load %arg7[%swap3A_1399, %swap3A_1400] {strides = array<i32>} : memref<32x1024xf32, #tpu.memory_space<vmem>>, vector<16xf32>,
        tpu.vector_store %arg7[%swap3A_1399, %swap3A_1400], %add3A_1398 {strides = array<i32>} : memref<32x1024xf32, #tpu.memory_space<vmem>>, vector<16xf32>,
        %get3A_1402 = arith.index_cast %scan3A_32 : i32 to index
        %get3A_1403 = arith.constant 608 : index
        %get3A_1404 = tpu.vector_load %arg7[%get3A_1402, %get3A_1403] {strides = array<i32>} : memref<32x1024xf32, #tpu.memory_space<vmem>>, vector<16xf32>,
        %get3A_1405 = arith.index_cast %scan3A_32 : i32 to index
        %get3A_1406 = arith.constant 608 : index
        %get3A_1407 = tpu.vector_load %arg8[%get3A_1405, %get3A_1406] {strides = array<i32>} : memref<32x1024xf32, #tpu.memory_space<vmem>>, vector<16xf32>,
        %add3A_1408 = arith.addf %get3A_1404, %get3A_1407 : vector<16xf32>
        %sub3A_1409 = arith.subf %add3A_1408, %broadcast_in_dim3A_684 : vector<16xf32>
        %mul3A_1410 = arith.mulf %sub3A_1409, %mul3A_718 : vector<16xf32>
        %get3A_1411 = arith.constant 608 : index
        %get3A_1412 = tpu.vector_load %arg9[%get3A_1411] {strides = array<i32>} : memref<1024xf32, #tpu.memory_space<vmem>>, vector<16xf32>,
        %mul3A_1413 = arith.mulf %mul3A_1410, %get3A_1412 : vector<16xf32>
        %get3A_1414 = arith.constant 608 : index
        %get3A_1415 = tpu.vector_load %arg10[%get3A_1414] {strides = array<i32>} : memref<1024xf32, #tpu.memory_space<vmem>>, vector<16xf32>,
        %add3A_1416 = arith.addf %mul3A_1413, %get3A_1415 : vector<16xf32>
        %swap3A_1417 = arith.index_cast %scan3A_32 : i32 to index
        %swap3A_1418 = arith.constant 608 : index
        %swap3A_1419 = tpu.vector_load %arg7[%swap3A_1417, %swap3A_1418] {strides = array<i32>} : memref<32x1024xf32, #tpu.memory_space<vmem>>, vector<16xf32>,
        tpu.vector_store %arg7[%swap3A_1417, %swap3A_1418], %add3A_1416 {strides = array<i32>} : memref<32x1024xf32, #tpu.memory_space<vmem>>, vector<16xf32>,
        %get3A_1420 = arith.index_cast %scan3A_32 : i32 to index
        %get3A_1421 = arith.constant 624 : index
        %get3A_1422 = tpu.vector_load %arg7[%get3A_1420, %get3A_1421] {strides = array<i32>} : memref<32x1024xf32, #tpu.memory_space<vmem>>, vector<16xf32>,
        %get3A_1423 = arith.index_cast %scan3A_32 : i32 to index
        %get3A_1424 = arith.constant 624 : index
        %get3A_1425 = tpu.vector_load %arg8[%get3A_1423, %get3A_1424] {strides = array<i32>} : memref<32x1024xf32, #tpu.memory_space<vmem>>, vector<16xf32>,
        %add3A_1426 = arith.addf %get3A_1422, %get3A_1425 : vector<16xf32>
        %sub3A_1427 = arith.subf %add3A_1426, %broadcast_in_dim3A_684 : vector<16xf32>
        %mul3A_1428 = arith.mulf %sub3A_1427, %mul3A_718 : vector<16xf32>
        %get3A_1429 = arith.constant 624 : index
        %get3A_1430 = tpu.vector_load %arg9[%get3A_1429] {strides = array<i32>} : memref<1024xf32, #tpu.memory_space<vmem>>, vector<16xf32>,
        %mul3A_1431 = arith.mulf %mul3A_1428, %get3A_1430 : vector<16xf32>
        %get3A_1432 = arith.constant 624 : index
        %get3A_1433 = tpu.vector_load %arg10[%get3A_1432] {strides = array<i32>} : memref<1024xf32, #tpu.memory_space<vmem>>, vector<16xf32>,
        %add3A_1434 = arith.addf %mul3A_1431, %get3A_1433 : vector<16xf32>
        %swap3A_1435 = arith.index_cast %scan3A_32 : i32 to index
        %swap3A_1436 = arith.constant 624 : index
        %swap3A_1437 = tpu.vector_load %arg7[%swap3A_1435, %swap3A_1436] {strides = array<i32>} : memref<32x1024xf32, #tpu.memory_space<vmem>>, vector<16xf32>,
        tpu.vector_store %arg7[%swap3A_1435, %swap3A_1436], %add3A_1434 {strides = array<i32>} : memref<32x1024xf32, #tpu.memory_space<vmem>>, vector<16xf32>,
        %get3A_1438 = arith.index_cast %scan3A_32 : i32 to index
        %get3A_1439 = arith.constant 640 : index
        %get3A_1440 = tpu.vector_load %arg7[%get3A_1438, %get3A_1439] {strides = array<i32>} : memref<32x1024xf32, #tpu.memory_space<vmem>>, vector<16xf32>,
        %get3A_1441 = arith.index_cast %scan3A_32 : i32 to index
        %get3A_1442 = arith.constant 640 : index
        %get3A_1443 = tpu.vector_load %arg8[%get3A_1441, %get3A_1442] {strides = array<i32>} : memref<32x1024xf32, #tpu.memory_space<vmem>>, vector<16xf32>,
        %add3A_1444 = arith.addf %get3A_1440, %get3A_1443 : vector<16xf32>
        %sub3A_1445 = arith.subf %add3A_1444, %broadcast_in_dim3A_684 : vector<16xf32>
        %mul3A_1446 = arith.mulf %sub3A_1445, %mul3A_718 : vector<16xf32>
        %get3A_1447 = arith.constant 640 : index
        %get3A_1448 = tpu.vector_load %arg9[%get3A_1447] {strides = array<i32>} : memref<1024xf32, #tpu.memory_space<vmem>>, vector<16xf32>,
        %mul3A_1449 = arith.mulf %mul3A_1446, %get3A_1448 : vector<16xf32>
        %get3A_1450 = arith.constant 640 : index
        %get3A_1451 = tpu.vector_load %arg10[%get3A_1450] {strides = array<i32>} : memref<1024xf32, #tpu.memory_space<vmem>>, vector<16xf32>,
        %add3A_1452 = arith.addf %mul3A_1449, %get3A_1451 : vector<16xf32>
        %swap3A_1453 = arith.index_cast %scan3A_32 : i32 to index
        %swap3A_1454 = arith.constant 640 : index
        %swap3A_1455 = tpu.vector_load %arg7[%swap3A_1453, %swap3A_1454] {strides = array<i32>} : memref<32x1024xf32, #tpu.memory_space<vmem>>, vector<16xf32>,
        tpu.vector_store %arg7[%swap3A_1453, %swap3A_1454], %add3A_1452 {strides = array<i32>} : memref<32x1024xf32, #tpu.memory_space<vmem>>, vector<16xf32>,
        %get3A_1456 = arith.index_cast %scan3A_32 : i32 to index
        %get3A_1457 = arith.constant 656 : index
        %get3A_1458 = tpu.vector_load %arg7[%get3A_1456, %get3A_1457] {strides = array<i32>} : memref<32x1024xf32, #tpu.memory_space<vmem>>, vector<16xf32>,
        %get3A_1459 = arith.index_cast %scan3A_32 : i32 to index
        %get3A_1460 = arith.constant 656 : index
        %get3A_1461 = tpu.vector_load %arg8[%get3A_1459, %get3A_1460] {strides = array<i32>} : memref<32x1024xf32, #tpu.memory_space<vmem>>, vector<16xf32>,
        %add3A_1462 = arith.addf %get3A_1458, %get3A_1461 : vector<16xf32>
        %sub3A_1463 = arith.subf %add3A_1462, %broadcast_in_dim3A_684 : vector<16xf32>
        %mul3A_1464 = arith.mulf %sub3A_1463, %mul3A_718 : vector<16xf32>
        %get3A_1465 = arith.constant 656 : index
        %get3A_1466 = tpu.vector_load %arg9[%get3A_1465] {strides = array<i32>} : memref<1024xf32, #tpu.memory_space<vmem>>, vector<16xf32>,
        %mul3A_1467 = arith.mulf %mul3A_1464, %get3A_1466 : vector<16xf32>
        %get3A_1468 = arith.constant 656 : index
        %get3A_1469 = tpu.vector_load %arg10[%get3A_1468] {strides = array<i32>} : memref<1024xf32, #tpu.memory_space<vmem>>, vector<16xf32>,
        %add3A_1470 = arith.addf %mul3A_1467, %get3A_1469 : vector<16xf32>
        %swap3A_1471 = arith.index_cast %scan3A_32 : i32 to index
        %swap3A_1472 = arith.constant 656 : index
        %swap3A_1473 = tpu.vector_load %arg7[%swap3A_1471, %swap3A_1472] {strides = array<i32>} : memref<32x1024xf32, #tpu.memory_space<vmem>>, vector<16xf32>,
        tpu.vector_store %arg7[%swap3A_1471, %swap3A_1472], %add3A_1470 {strides = array<i32>} : memref<32x1024xf32, #tpu.memory_space<vmem>>, vector<16xf32>,
        %get3A_1474 = arith.index_cast %scan3A_32 : i32 to index
        %get3A_1475 = arith.constant 672 : index
        %get3A_1476 = tpu.vector_load %arg7[%get3A_1474, %get3A_1475] {strides = array<i32>} : memref<32x1024xf32, #tpu.memory_space<vmem>>, vector<16xf32>,
        %get3A_1477 = arith.index_cast %scan3A_32 : i32 to index
        %get3A_1478 = arith.constant 672 : index
        %get3A_1479 = tpu.vector_load %arg8[%get3A_1477, %get3A_1478] {strides = array<i32>} : memref<32x1024xf32, #tpu.memory_space<vmem>>, vector<16xf32>,
        %add3A_1480 = arith.addf %get3A_1476, %get3A_1479 : vector<16xf32>
        %sub3A_1481 = arith.subf %add3A_1480, %broadcast_in_dim3A_684 : vector<16xf32>
        %mul3A_1482 = arith.mulf %sub3A_1481, %mul3A_718 : vector<16xf32>
        %get3A_1483 = arith.constant 672 : index
        %get3A_1484 = tpu.vector_load %arg9[%get3A_1483] {strides = array<i32>} : memref<1024xf32, #tpu.memory_space<vmem>>, vector<16xf32>,
        %mul3A_1485 = arith.mulf %mul3A_1482, %get3A_1484 : vector<16xf32>
        %get3A_1486 = arith.constant 672 : index
        %get3A_1487 = tpu.vector_load %arg10[%get3A_1486] {strides = array<i32>} : memref<1024xf32, #tpu.memory_space<vmem>>, vector<16xf32>,
        %add3A_1488 = arith.addf %mul3A_1485, %get3A_1487 : vector<16xf32>
        %swap3A_1489 = arith.index_cast %scan3A_32 : i32 to index
        %swap3A_1490 = arith.constant 672 : index
        %swap3A_1491 = tpu.vector_load %arg7[%swap3A_1489, %swap3A_1490] {strides = array<i32>} : memref<32x1024xf32, #tpu.memory_space<vmem>>, vector<16xf32>,
        tpu.vector_store %arg7[%swap3A_1489, %swap3A_1490], %add3A_1488 {strides = array<i32>} : memref<32x1024xf32, #tpu.memory_space<vmem>>, vector<16xf32>,
        %get3A_1492 = arith.index_cast %scan3A_32 : i32 to index
        %get3A_1493 = arith.constant 688 : index
        %get3A_1494 = tpu.vector_load %arg7[%get3A_1492, %get3A_1493] {strides = array<i32>} : memref<32x1024xf32, #tpu.memory_space<vmem>>, vector<16xf32>,
        %get3A_1495 = arith.index_cast %scan3A_32 : i32 to index
        %get3A_1496 = arith.constant 688 : index
        %get3A_1497 = tpu.vector_load %arg8[%get3A_1495, %get3A_1496] {strides = array<i32>} : memref<32x1024xf32, #tpu.memory_space<vmem>>, vector<16xf32>,
        %add3A_1498 = arith.addf %get3A_1494, %get3A_1497 : vector<16xf32>
        %sub3A_1499 = arith.subf %add3A_1498, %broadcast_in_dim3A_684 : vector<16xf32>
        %mul3A_1500 = arith.mulf %sub3A_1499, %mul3A_718 : vector<16xf32>
        %get3A_1501 = arith.constant 688 : index
        %get3A_1502 = tpu.vector_load %arg9[%get3A_1501] {strides = array<i32>} : memref<1024xf32, #tpu.memory_space<vmem>>, vector<16xf32>,
        %mul3A_1503 = arith.mulf %mul3A_1500, %get3A_1502 : vector<16xf32>
        %get3A_1504 = arith.constant 688 : index
        %get3A_1505 = tpu.vector_load %arg10[%get3A_1504] {strides = array<i32>} : memref<1024xf32, #tpu.memory_space<vmem>>, vector<16xf32>,
        %add3A_1506 = arith.addf %mul3A_1503, %get3A_1505 : vector<16xf32>
        %swap3A_1507 = arith.index_cast %scan3A_32 : i32 to index
        %swap3A_1508 = arith.constant 688 : index
        %swap3A_1509 = tpu.vector_load %arg7[%swap3A_1507, %swap3A_1508] {strides = array<i32>} : memref<32x1024xf32, #tpu.memory_space<vmem>>, vector<16xf32>,
        tpu.vector_store %arg7[%swap3A_1507, %swap3A_1508], %add3A_1506 {strides = array<i32>} : memref<32x1024xf32, #tpu.memory_space<vmem>>, vector<16xf32>,
        %get3A_1510 = arith.index_cast %scan3A_32 : i32 to index
        %get3A_1511 = arith.constant 704 : index
        %get3A_1512 = tpu.vector_load %arg7[%get3A_1510, %get3A_1511] {strides = array<i32>} : memref<32x1024xf32, #tpu.memory_space<vmem>>, vector<16xf32>,
        %get3A_1513 = arith.index_cast %scan3A_32 : i32 to index
        %get3A_1514 = arith.constant 704 : index
        %get3A_1515 = tpu.vector_load %arg8[%get3A_1513, %get3A_1514] {strides = array<i32>} : memref<32x1024xf32, #tpu.memory_space<vmem>>, vector<16xf32>,
        %add3A_1516 = arith.addf %get3A_1512, %get3A_1515 : vector<16xf32>
        %sub3A_1517 = arith.subf %add3A_1516, %broadcast_in_dim3A_684 : vector<16xf32>
        %mul3A_1518 = arith.mulf %sub3A_1517, %mul3A_718 : vector<16xf32>
        %get3A_1519 = arith.constant 704 : index
        %get3A_1520 = tpu.vector_load %arg9[%get3A_1519] {strides = array<i32>} : memref<1024xf32, #tpu.memory_space<vmem>>, vector<16xf32>,
        %mul3A_1521 = arith.mulf %mul3A_1518, %get3A_1520 : vector<16xf32>
        %get3A_1522 = arith.constant 704 : index
        %get3A_1523 = tpu.vector_load %arg10[%get3A_1522] {strides = array<i32>} : memref<1024xf32, #tpu.memory_space<vmem>>, vector<16xf32>,
        %add3A_1524 = arith.addf %mul3A_1521, %get3A_1523 : vector<16xf32>
        %swap3A_1525 = arith.index_cast %scan3A_32 : i32 to index
        %swap3A_1526 = arith.constant 704 : index
        %swap3A_1527 = tpu.vector_load %arg7[%swap3A_1525, %swap3A_1526] {strides = array<i32>} : memref<32x1024xf32, #tpu.memory_space<vmem>>, vector<16xf32>,
        tpu.vector_store %arg7[%swap3A_1525, %swap3A_1526], %add3A_1524 {strides = array<i32>} : memref<32x1024xf32, #tpu.memory_space<vmem>>, vector<16xf32>,
        %get3A_1528 = arith.index_cast %scan3A_32 : i32 to index
        %get3A_1529 = arith.constant 720 : index
        %get3A_1530 = tpu.vector_load %arg7[%get3A_1528, %get3A_1529] {strides = array<i32>} : memref<32x1024xf32, #tpu.memory_space<vmem>>, vector<16xf32>,
        %get3A_1531 = arith.index_cast %scan3A_32 : i32 to index
        %get3A_1532 = arith.constant 720 : index
        %get3A_1533 = tpu.vector_load %arg8[%get3A_1531, %get3A_1532] {strides = array<i32>} : memref<32x1024xf32, #tpu.memory_space<vmem>>, vector<16xf32>,
        %add3A_1534 = arith.addf %get3A_1530, %get3A_1533 : vector<16xf32>
        %sub3A_1535 = arith.subf %add3A_1534, %broadcast_in_dim3A_684 : vector<16xf32>
        %mul3A_1536 = arith.mulf %sub3A_1535, %mul3A_718 : vector<16xf32>
        %get3A_1537 = arith.constant 720 : index
        %get3A_1538 = tpu.vector_load %arg9[%get3A_1537] {strides = array<i32>} : memref<1024xf32, #tpu.memory_space<vmem>>, vector<16xf32>,
        %mul3A_1539 = arith.mulf %mul3A_1536, %get3A_1538 : vector<16xf32>
        %get3A_1540 = arith.constant 720 : index
        %get3A_1541 = tpu.vector_load %arg10[%get3A_1540] {strides = array<i32>} : memref<1024xf32, #tpu.memory_space<vmem>>, vector<16xf32>,
        %add3A_1542 = arith.addf %mul3A_1539, %get3A_1541 : vector<16xf32>
        %swap3A_1543 = arith.index_cast %scan3A_32 : i32 to index
        %swap3A_1544 = arith.constant 720 : index
        %swap3A_1545 = tpu.vector_load %arg7[%swap3A_1543, %swap3A_1544] {strides = array<i32>} : memref<32x1024xf32, #tpu.memory_space<vmem>>, vector<16xf32>,
        tpu.vector_store %arg7[%swap3A_1543, %swap3A_1544], %add3A_1542 {strides = array<i32>} : memref<32x1024xf32, #tpu.memory_space<vmem>>, vector<16xf32>,
        %get3A_1546 = arith.index_cast %scan3A_32 : i32 to index
        %get3A_1547 = arith.constant 736 : index
        %get3A_1548 = tpu.vector_load %arg7[%get3A_1546, %get3A_1547] {strides = array<i32>} : memref<32x1024xf32, #tpu.memory_space<vmem>>, vector<16xf32>,
        %get3A_1549 = arith.index_cast %scan3A_32 : i32 to index
        %get3A_1550 = arith.constant 736 : index
        %get3A_1551 = tpu.vector_load %arg8[%get3A_1549, %get3A_1550] {strides = array<i32>} : memref<32x1024xf32, #tpu.memory_space<vmem>>, vector<16xf32>,
        %add3A_1552 = arith.addf %get3A_1548, %get3A_1551 : vector<16xf32>
        %sub3A_1553 = arith.subf %add3A_1552, %broadcast_in_dim3A_684 : vector<16xf32>
        %mul3A_1554 = arith.mulf %sub3A_1553, %mul3A_718 : vector<16xf32>
        %get3A_1555 = arith.constant 736 : index
        %get3A_1556 = tpu.vector_load %arg9[%get3A_1555] {strides = array<i32>} : memref<1024xf32, #tpu.memory_space<vmem>>, vector<16xf32>,
        %mul3A_1557 = arith.mulf %mul3A_1554, %get3A_1556 : vector<16xf32>
        %get3A_1558 = arith.constant 736 : index
        %get3A_1559 = tpu.vector_load %arg10[%get3A_1558] {strides = array<i32>} : memref<1024xf32, #tpu.memory_space<vmem>>, vector<16xf32>,
        %add3A_1560 = arith.addf %mul3A_1557, %get3A_1559 : vector<16xf32>
        %swap3A_1561 = arith.index_cast %scan3A_32 : i32 to index
        %swap3A_1562 = arith.constant 736 : index
        %swap3A_1563 = tpu.vector_load %arg7[%swap3A_1561, %swap3A_1562] {strides = array<i32>} : memref<32x1024xf32, #tpu.memory_space<vmem>>, vector<16xf32>,
        tpu.vector_store %arg7[%swap3A_1561, %swap3A_1562], %add3A_1560 {strides = array<i32>} : memref<32x1024xf32, #tpu.memory_space<vmem>>, vector<16xf32>,
        %get3A_1564 = arith.index_cast %scan3A_32 : i32 to index
        %get3A_1565 = arith.constant 752 : index
        %get3A_1566 = tpu.vector_load %arg7[%get3A_1564, %get3A_1565] {strides = array<i32>} : memref<32x1024xf32, #tpu.memory_space<vmem>>, vector<16xf32>,
        %get3A_1567 = arith.index_cast %scan3A_32 : i32 to index
        %get3A_1568 = arith.constant 752 : index
        %get3A_1569 = tpu.vector_load %arg8[%get3A_1567, %get3A_1568] {strides = array<i32>} : memref<32x1024xf32, #tpu.memory_space<vmem>>, vector<16xf32>,
        %add3A_1570 = arith.addf %get3A_1566, %get3A_1569 : vector<16xf32>
        %sub3A_1571 = arith.subf %add3A_1570, %broadcast_in_dim3A_684 : vector<16xf32>
        %mul3A_1572 = arith.mulf %sub3A_1571, %mul3A_718 : vector<16xf32>
        %get3A_1573 = arith.constant 752 : index
        %get3A_1574 = tpu.vector_load %arg9[%get3A_1573] {strides = array<i32>} : memref<1024xf32, #tpu.memory_space<vmem>>, vector<16xf32>,
        %mul3A_1575 = arith.mulf %mul3A_1572, %get3A_1574 : vector<16xf32>
        %get3A_1576 = arith.constant 752 : index
        %get3A_1577 = tpu.vector_load %arg10[%get3A_1576] {strides = array<i32>} : memref<1024xf32, #tpu.memory_space<vmem>>, vector<16xf32>,
        %add3A_1578 = arith.addf %mul3A_1575, %get3A_1577 : vector<16xf32>
        %swap3A_1579 = arith.index_cast %scan3A_32 : i32 to index
        %swap3A_1580 = arith.constant 752 : index
        %swap3A_1581 = tpu.vector_load %arg7[%swap3A_1579, %swap3A_1580] {strides = array<i32>} : memref<32x1024xf32, #tpu.memory_space<vmem>>, vector<16xf32>,
        tpu.vector_store %arg7[%swap3A_1579, %swap3A_1580], %add3A_1578 {strides = array<i32>} : memref<32x1024xf32, #tpu.memory_space<vmem>>, vector<16xf32>,
        %get3A_1582 = arith.index_cast %scan3A_32 : i32 to index
        %get3A_1583 = arith.constant 768 : index
        %get3A_1584 = tpu.vector_load %arg7[%get3A_1582, %get3A_1583] {strides = array<i32>} : memref<32x1024xf32, #tpu.memory_space<vmem>>, vector<16xf32>,
        %get3A_1585 = arith.index_cast %scan3A_32 : i32 to index
        %get3A_1586 = arith.constant 768 : index
        %get3A_1587 = tpu.vector_load %arg8[%get3A_1585, %get3A_1586] {strides = array<i32>} : memref<32x1024xf32, #tpu.memory_space<vmem>>, vector<16xf32>,
        %add3A_1588 = arith.addf %get3A_1584, %get3A_1587 : vector<16xf32>
        %sub3A_1589 = arith.subf %add3A_1588, %broadcast_in_dim3A_684 : vector<16xf32>
        %mul3A_1590 = arith.mulf %sub3A_1589, %mul3A_718 : vector<16xf32>
        %get3A_1591 = arith.constant 768 : index
        %get3A_1592 = tpu.vector_load %arg9[%get3A_1591] {strides = array<i32>} : memref<1024xf32, #tpu.memory_space<vmem>>, vector<16xf32>,
        %mul3A_1593 = arith.mulf %mul3A_1590, %get3A_1592 : vector<16xf32>
        %get3A_1594 = arith.constant 768 : index
        %get3A_1595 = tpu.vector_load %arg10[%get3A_1594] {strides = array<i32>} : memref<1024xf32, #tpu.memory_space<vmem>>, vector<16xf32>,
        %add3A_1596 = arith.addf %mul3A_1593, %get3A_1595 : vector<16xf32>
        %swap3A_1597 = arith.index_cast %scan3A_32 : i32 to index
        %swap3A_1598 = arith.constant 768 : index
        %swap3A_1599 = tpu.vector_load %arg7[%swap3A_1597, %swap3A_1598] {strides = array<i32>} : memref<32x1024xf32, #tpu.memory_space<vmem>>, vector<16xf32>,
        tpu.vector_store %arg7[%swap3A_1597, %swap3A_1598], %add3A_1596 {strides = array<i32>} : memref<32x1024xf32, #tpu.memory_space<vmem>>, vector<16xf32>,
        %get3A_1600 = arith.index_cast %scan3A_32 : i32 to index
        %get3A_1601 = arith.constant 784 : index
        %get3A_1602 = tpu.vector_load %arg7[%get3A_1600, %get3A_1601] {strides = array<i32>} : memref<32x1024xf32, #tpu.memory_space<vmem>>, vector<16xf32>,
        %get3A_1603 = arith.index_cast %scan3A_32 : i32 to index
        %get3A_1604 = arith.constant 784 : index
        %get3A_1605 = tpu.vector_load %arg8[%get3A_1603, %get3A_1604] {strides = array<i32>} : memref<32x1024xf32, #tpu.memory_space<vmem>>, vector<16xf32>,
        %add3A_1606 = arith.addf %get3A_1602, %get3A_1605 : vector<16xf32>
        %sub3A_1607 = arith.subf %add3A_1606, %broadcast_in_dim3A_684 : vector<16xf32>
        %mul3A_1608 = arith.mulf %sub3A_1607, %mul3A_718 : vector<16xf32>
        %get3A_1609 = arith.constant 784 : index
        %get3A_1610 = tpu.vector_load %arg9[%get3A_1609] {strides = array<i32>} : memref<1024xf32, #tpu.memory_space<vmem>>, vector<16xf32>,
        %mul3A_1611 = arith.mulf %mul3A_1608, %get3A_1610 : vector<16xf32>
        %get3A_1612 = arith.constant 784 : index
        %get3A_1613 = tpu.vector_load %arg10[%get3A_1612] {strides = array<i32>} : memref<1024xf32, #tpu.memory_space<vmem>>, vector<16xf32>,
        %add3A_1614 = arith.addf %mul3A_1611, %get3A_1613 : vector<16xf32>
        %swap3A_1615 = arith.index_cast %scan3A_32 : i32 to index
        %swap3A_1616 = arith.constant 784 : index
        %swap3A_1617 = tpu.vector_load %arg7[%swap3A_1615, %swap3A_1616] {strides = array<i32>} : memref<32x1024xf32, #tpu.memory_space<vmem>>, vector<16xf32>,
        tpu.vector_store %arg7[%swap3A_1615, %swap3A_1616], %add3A_1614 {strides = array<i32>} : memref<32x1024xf32, #tpu.memory_space<vmem>>, vector<16xf32>,
        %get3A_1618 = arith.index_cast %scan3A_32 : i32 to index
        %get3A_1619 = arith.constant 800 : index
        %get3A_1620 = tpu.vector_load %arg7[%get3A_1618, %get3A_1619] {strides = array<i32>} : memref<32x1024xf32, #tpu.memory_space<vmem>>, vector<16xf32>,
        %get3A_1621 = arith.index_cast %scan3A_32 : i32 to index
        %get3A_1622 = arith.constant 800 : index
        %get3A_1623 = tpu.vector_load %arg8[%get3A_1621, %get3A_1622] {strides = array<i32>} : memref<32x1024xf32, #tpu.memory_space<vmem>>, vector<16xf32>,
        %add3A_1624 = arith.addf %get3A_1620, %get3A_1623 : vector<16xf32>
        %sub3A_1625 = arith.subf %add3A_1624, %broadcast_in_dim3A_684 : vector<16xf32>
        %mul3A_1626 = arith.mulf %sub3A_1625, %mul3A_718 : vector<16xf32>
        %get3A_1627 = arith.constant 800 : index
        %get3A_1628 = tpu.vector_load %arg9[%get3A_1627] {strides = array<i32>} : memref<1024xf32, #tpu.memory_space<vmem>>, vector<16xf32>,
        %mul3A_1629 = arith.mulf %mul3A_1626, %get3A_1628 : vector<16xf32>
        %get3A_1630 = arith.constant 800 : index
        %get3A_1631 = tpu.vector_load %arg10[%get3A_1630] {strides = array<i32>} : memref<1024xf32, #tpu.memory_space<vmem>>, vector<16xf32>,
        %add3A_1632 = arith.addf %mul3A_1629, %get3A_1631 : vector<16xf32>
        %swap3A_1633 = arith.index_cast %scan3A_32 : i32 to index
        %swap3A_1634 = arith.constant 800 : index
        %swap3A_1635 = tpu.vector_load %arg7[%swap3A_1633, %swap3A_1634] {strides = array<i32>} : memref<32x1024xf32, #tpu.memory_space<vmem>>, vector<16xf32>,
        tpu.vector_store %arg7[%swap3A_1633, %swap3A_1634], %add3A_1632 {strides = array<i32>} : memref<32x1024xf32, #tpu.memory_space<vmem>>, vector<16xf32>,
        %get3A_1636 = arith.index_cast %scan3A_32 : i32 to index
        %get3A_1637 = arith.constant 816 : index
        %get3A_1638 = tpu.vector_load %arg7[%get3A_1636, %get3A_1637] {strides = array<i32>} : memref<32x1024xf32, #tpu.memory_space<vmem>>, vector<16xf32>,
        %get3A_1639 = arith.index_cast %scan3A_32 : i32 to index
        %get3A_1640 = arith.constant 816 : index
        %get3A_1641 = tpu.vector_load %arg8[%get3A_1639, %get3A_1640] {strides = array<i32>} : memref<32x1024xf32, #tpu.memory_space<vmem>>, vector<16xf32>,
        %add3A_1642 = arith.addf %get3A_1638, %get3A_1641 : vector<16xf32>
        %sub3A_1643 = arith.subf %add3A_1642, %broadcast_in_dim3A_684 : vector<16xf32>
        %mul3A_1644 = arith.mulf %sub3A_1643, %mul3A_718 : vector<16xf32>
        %get3A_1645 = arith.constant 816 : index
        %get3A_1646 = tpu.vector_load %arg9[%get3A_1645] {strides = array<i32>} : memref<1024xf32, #tpu.memory_space<vmem>>, vector<16xf32>,
        %mul3A_1647 = arith.mulf %mul3A_1644, %get3A_1646 : vector<16xf32>
        %get3A_1648 = arith.constant 816 : index
        %get3A_1649 = tpu.vector_load %arg10[%get3A_1648] {strides = array<i32>} : memref<1024xf32, #tpu.memory_space<vmem>>, vector<16xf32>,
        %add3A_1650 = arith.addf %mul3A_1647, %get3A_1649 : vector<16xf32>
        %swap3A_1651 = arith.index_cast %scan3A_32 : i32 to index
        %swap3A_1652 = arith.constant 816 : index
        %swap3A_1653 = tpu.vector_load %arg7[%swap3A_1651, %swap3A_1652] {strides = array<i32>} : memref<32x1024xf32, #tpu.memory_space<vmem>>, vector<16xf32>,
        tpu.vector_store %arg7[%swap3A_1651, %swap3A_1652], %add3A_1650 {strides = array<i32>} : memref<32x1024xf32, #tpu.memory_space<vmem>>, vector<16xf32>,
        %get3A_1654 = arith.index_cast %scan3A_32 : i32 to index
        %get3A_1655 = arith.constant 832 : index
        %get3A_1656 = tpu.vector_load %arg7[%get3A_1654, %get3A_1655] {strides = array<i32>} : memref<32x1024xf32, #tpu.memory_space<vmem>>, vector<16xf32>,
        %get3A_1657 = arith.index_cast %scan3A_32 : i32 to index
        %get3A_1658 = arith.constant 832 : index
        %get3A_1659 = tpu.vector_load %arg8[%get3A_1657, %get3A_1658] {strides = array<i32>} : memref<32x1024xf32, #tpu.memory_space<vmem>>, vector<16xf32>,
        %add3A_1660 = arith.addf %get3A_1656, %get3A_1659 : vector<16xf32>
        %sub3A_1661 = arith.subf %add3A_1660, %broadcast_in_dim3A_684 : vector<16xf32>
        %mul3A_1662 = arith.mulf %sub3A_1661, %mul3A_718 : vector<16xf32>
        %get3A_1663 = arith.constant 832 : index
        %get3A_1664 = tpu.vector_load %arg9[%get3A_1663] {strides = array<i32>} : memref<1024xf32, #tpu.memory_space<vmem>>, vector<16xf32>,
        %mul3A_1665 = arith.mulf %mul3A_1662, %get3A_1664 : vector<16xf32>
        %get3A_1666 = arith.constant 832 : index
        %get3A_1667 = tpu.vector_load %arg10[%get3A_1666] {strides = array<i32>} : memref<1024xf32, #tpu.memory_space<vmem>>, vector<16xf32>,
        %add3A_1668 = arith.addf %mul3A_1665, %get3A_1667 : vector<16xf32>
        %swap3A_1669 = arith.index_cast %scan3A_32 : i32 to index
        %swap3A_1670 = arith.constant 832 : index
        %swap3A_1671 = tpu.vector_load %arg7[%swap3A_1669, %swap3A_1670] {strides = array<i32>} : memref<32x1024xf32, #tpu.memory_space<vmem>>, vector<16xf32>,
        tpu.vector_store %arg7[%swap3A_1669, %swap3A_1670], %add3A_1668 {strides = array<i32>} : memref<32x1024xf32, #tpu.memory_space<vmem>>, vector<16xf32>,
        %get3A_1672 = arith.index_cast %scan3A_32 : i32 to index
        %get3A_1673 = arith.constant 848 : index
        %get3A_1674 = tpu.vector_load %arg7[%get3A_1672, %get3A_1673] {strides = array<i32>} : memref<32x1024xf32, #tpu.memory_space<vmem>>, vector<16xf32>,
        %get3A_1675 = arith.index_cast %scan3A_32 : i32 to index
        %get3A_1676 = arith.constant 848 : index
        %get3A_1677 = tpu.vector_load %arg8[%get3A_1675, %get3A_1676] {strides = array<i32>} : memref<32x1024xf32, #tpu.memory_space<vmem>>, vector<16xf32>,
        %add3A_1678 = arith.addf %get3A_1674, %get3A_1677 : vector<16xf32>
        %sub3A_1679 = arith.subf %add3A_1678, %broadcast_in_dim3A_684 : vector<16xf32>
        %mul3A_1680 = arith.mulf %sub3A_1679, %mul3A_718 : vector<16xf32>
        %get3A_1681 = arith.constant 848 : index
        %get3A_1682 = tpu.vector_load %arg9[%get3A_1681] {strides = array<i32>} : memref<1024xf32, #tpu.memory_space<vmem>>, vector<16xf32>,
        %mul3A_1683 = arith.mulf %mul3A_1680, %get3A_1682 : vector<16xf32>
        %get3A_1684 = arith.constant 848 : index
        %get3A_1685 = tpu.vector_load %arg10[%get3A_1684] {strides = array<i32>} : memref<1024xf32, #tpu.memory_space<vmem>>, vector<16xf32>,
        %add3A_1686 = arith.addf %mul3A_1683, %get3A_1685 : vector<16xf32>
        %swap3A_1687 = arith.index_cast %scan3A_32 : i32 to index
        %swap3A_1688 = arith.constant 848 : index
        %swap3A_1689 = tpu.vector_load %arg7[%swap3A_1687, %swap3A_1688] {strides = array<i32>} : memref<32x1024xf32, #tpu.memory_space<vmem>>, vector<16xf32>,
        tpu.vector_store %arg7[%swap3A_1687, %swap3A_1688], %add3A_1686 {strides = array<i32>} : memref<32x1024xf32, #tpu.memory_space<vmem>>, vector<16xf32>,
        %get3A_1690 = arith.index_cast %scan3A_32 : i32 to index
        %get3A_1691 = arith.constant 864 : index
        %get3A_1692 = tpu.vector_load %arg7[%get3A_1690, %get3A_1691] {strides = array<i32>} : memref<32x1024xf32, #tpu.memory_space<vmem>>, vector<16xf32>,
        %get3A_1693 = arith.index_cast %scan3A_32 : i32 to index
        %get3A_1694 = arith.constant 864 : index
        %get3A_1695 = tpu.vector_load %arg8[%get3A_1693, %get3A_1694] {strides = array<i32>} : memref<32x1024xf32, #tpu.memory_space<vmem>>, vector<16xf32>,
        %add3A_1696 = arith.addf %get3A_1692, %get3A_1695 : vector<16xf32>
        %sub3A_1697 = arith.subf %add3A_1696, %broadcast_in_dim3A_684 : vector<16xf32>
        %mul3A_1698 = arith.mulf %sub3A_1697, %mul3A_718 : vector<16xf32>
        %get3A_1699 = arith.constant 864 : index
        %get3A_1700 = tpu.vector_load %arg9[%get3A_1699] {strides = array<i32>} : memref<1024xf32, #tpu.memory_space<vmem>>, vector<16xf32>,
        %mul3A_1701 = arith.mulf %mul3A_1698, %get3A_1700 : vector<16xf32>
        %get3A_1702 = arith.constant 864 : index
        %get3A_1703 = tpu.vector_load %arg10[%get3A_1702] {strides = array<i32>} : memref<1024xf32, #tpu.memory_space<vmem>>, vector<16xf32>,
        %add3A_1704 = arith.addf %mul3A_1701, %get3A_1703 : vector<16xf32>
        %swap3A_1705 = arith.index_cast %scan3A_32 : i32 to index
        %swap3A_1706 = arith.constant 864 : index
        %swap3A_1707 = tpu.vector_load %arg7[%swap3A_1705, %swap3A_1706] {strides = array<i32>} : memref<32x1024xf32, #tpu.memory_space<vmem>>, vector<16xf32>,
        tpu.vector_store %arg7[%swap3A_1705, %swap3A_1706], %add3A_1704 {strides = array<i32>} : memref<32x1024xf32, #tpu.memory_space<vmem>>, vector<16xf32>,
        %get3A_1708 = arith.index_cast %scan3A_32 : i32 to index
        %get3A_1709 = arith.constant 880 : index
        %get3A_1710 = tpu.vector_load %arg7[%get3A_1708, %get3A_1709] {strides = array<i32>} : memref<32x1024xf32, #tpu.memory_space<vmem>>, vector<16xf32>,
        %get3A_1711 = arith.index_cast %scan3A_32 : i32 to index
        %get3A_1712 = arith.constant 880 : index
        %get3A_1713 = tpu.vector_load %arg8[%get3A_1711, %get3A_1712] {strides = array<i32>} : memref<32x1024xf32, #tpu.memory_space<vmem>>, vector<16xf32>,
        %add3A_1714 = arith.addf %get3A_1710, %get3A_1713 : vector<16xf32>
        %sub3A_1715 = arith.subf %add3A_1714, %broadcast_in_dim3A_684 : vector<16xf32>
        %mul3A_1716 = arith.mulf %sub3A_1715, %mul3A_718 : vector<16xf32>
        %get3A_1717 = arith.constant 880 : index
        %get3A_1718 = tpu.vector_load %arg9[%get3A_1717] {strides = array<i32>} : memref<1024xf32, #tpu.memory_space<vmem>>, vector<16xf32>,
        %mul3A_1719 = arith.mulf %mul3A_1716, %get3A_1718 : vector<16xf32>
        %get3A_1720 = arith.constant 880 : index
        %get3A_1721 = tpu.vector_load %arg10[%get3A_1720] {strides = array<i32>} : memref<1024xf32, #tpu.memory_space<vmem>>, vector<16xf32>,
        %add3A_1722 = arith.addf %mul3A_1719, %get3A_1721 : vector<16xf32>
        %swap3A_1723 = arith.index_cast %scan3A_32 : i32 to index
        %swap3A_1724 = arith.constant 880 : index
        %swap3A_1725 = tpu.vector_load %arg7[%swap3A_1723, %swap3A_1724] {strides = array<i32>} : memref<32x1024xf32, #tpu.memory_space<vmem>>, vector<16xf32>,
        tpu.vector_store %arg7[%swap3A_1723, %swap3A_1724], %add3A_1722 {strides = array<i32>} : memref<32x1024xf32, #tpu.memory_space<vmem>>, vector<16xf32>,
        %get3A_1726 = arith.index_cast %scan3A_32 : i32 to index
        %get3A_1727 = arith.constant 896 : index
        %get3A_1728 = tpu.vector_load %arg7[%get3A_1726, %get3A_1727] {strides = array<i32>} : memref<32x1024xf32, #tpu.memory_space<vmem>>, vector<16xf32>,
        %get3A_1729 = arith.index_cast %scan3A_32 : i32 to index
        %get3A_1730 = arith.constant 896 : index
        %get3A_1731 = tpu.vector_load %arg8[%get3A_1729, %get3A_1730] {strides = array<i32>} : memref<32x1024xf32, #tpu.memory_space<vmem>>, vector<16xf32>,
        %add3A_1732 = arith.addf %get3A_1728, %get3A_1731 : vector<16xf32>
        %sub3A_1733 = arith.subf %add3A_1732, %broadcast_in_dim3A_684 : vector<16xf32>
        %mul3A_1734 = arith.mulf %sub3A_1733, %mul3A_718 : vector<16xf32>
        %get3A_1735 = arith.constant 896 : index
        %get3A_1736 = tpu.vector_load %arg9[%get3A_1735] {strides = array<i32>} : memref<1024xf32, #tpu.memory_space<vmem>>, vector<16xf32>,
        %mul3A_1737 = arith.mulf %mul3A_1734, %get3A_1736 : vector<16xf32>
        %get3A_1738 = arith.constant 896 : index
        %get3A_1739 = tpu.vector_load %arg10[%get3A_1738] {strides = array<i32>} : memref<1024xf32, #tpu.memory_space<vmem>>, vector<16xf32>,
        %add3A_1740 = arith.addf %mul3A_1737, %get3A_1739 : vector<16xf32>
        %swap3A_1741 = arith.index_cast %scan3A_32 : i32 to index
        %swap3A_1742 = arith.constant 896 : index
        %swap3A_1743 = tpu.vector_load %arg7[%swap3A_1741, %swap3A_1742] {strides = array<i32>} : memref<32x1024xf32, #tpu.memory_space<vmem>>, vector<16xf32>,
        tpu.vector_store %arg7[%swap3A_1741, %swap3A_1742], %add3A_1740 {strides = array<i32>} : memref<32x1024xf32, #tpu.memory_space<vmem>>, vector<16xf32>,
        %get3A_1744 = arith.index_cast %scan3A_32 : i32 to index
        %get3A_1745 = arith.constant 912 : index
        %get3A_1746 = tpu.vector_load %arg7[%get3A_1744, %get3A_1745] {strides = array<i32>} : memref<32x1024xf32, #tpu.memory_space<vmem>>, vector<16xf32>,
        %get3A_1747 = arith.index_cast %scan3A_32 : i32 to index
        %get3A_1748 = arith.constant 912 : index
        %get3A_1749 = tpu.vector_load %arg8[%get3A_1747, %get3A_1748] {strides = array<i32>} : memref<32x1024xf32, #tpu.memory_space<vmem>>, vector<16xf32>,
        %add3A_1750 = arith.addf %get3A_1746, %get3A_1749 : vector<16xf32>
        %sub3A_1751 = arith.subf %add3A_1750, %broadcast_in_dim3A_684 : vector<16xf32>
        %mul3A_1752 = arith.mulf %sub3A_1751, %mul3A_718 : vector<16xf32>
        %get3A_1753 = arith.constant 912 : index
        %get3A_1754 = tpu.vector_load %arg9[%get3A_1753] {strides = array<i32>} : memref<1024xf32, #tpu.memory_space<vmem>>, vector<16xf32>,
        %mul3A_1755 = arith.mulf %mul3A_1752, %get3A_1754 : vector<16xf32>
        %get3A_1756 = arith.constant 912 : index
        %get3A_1757 = tpu.vector_load %arg10[%get3A_1756] {strides = array<i32>} : memref<1024xf32, #tpu.memory_space<vmem>>, vector<16xf32>,
        %add3A_1758 = arith.addf %mul3A_1755, %get3A_1757 : vector<16xf32>
        %swap3A_1759 = arith.index_cast %scan3A_32 : i32 to index
        %swap3A_1760 = arith.constant 912 : index
        %swap3A_1761 = tpu.vector_load %arg7[%swap3A_1759, %swap3A_1760] {strides = array<i32>} : memref<32x1024xf32, #tpu.memory_space<vmem>>, vector<16xf32>,
        tpu.vector_store %arg7[%swap3A_1759, %swap3A_1760], %add3A_1758 {strides = array<i32>} : memref<32x1024xf32, #tpu.memory_space<vmem>>, vector<16xf32>,
        %get3A_1762 = arith.index_cast %scan3A_32 : i32 to index
        %get3A_1763 = arith.constant 928 : index
        %get3A_1764 = tpu.vector_load %arg7[%get3A_1762, %get3A_1763] {strides = array<i32>} : memref<32x1024xf32, #tpu.memory_space<vmem>>, vector<16xf32>,
        %get3A_1765 = arith.index_cast %scan3A_32 : i32 to index
        %get3A_1766 = arith.constant 928 : index
        %get3A_1767 = tpu.vector_load %arg8[%get3A_1765, %get3A_1766] {strides = array<i32>} : memref<32x1024xf32, #tpu.memory_space<vmem>>, vector<16xf32>,
        %add3A_1768 = arith.addf %get3A_1764, %get3A_1767 : vector<16xf32>
        %sub3A_1769 = arith.subf %add3A_1768, %broadcast_in_dim3A_684 : vector<16xf32>
        %mul3A_1770 = arith.mulf %sub3A_1769, %mul3A_718 : vector<16xf32>
        %get3A_1771 = arith.constant 928 : index
        %get3A_1772 = tpu.vector_load %arg9[%get3A_1771] {strides = array<i32>} : memref<1024xf32, #tpu.memory_space<vmem>>, vector<16xf32>,
        %mul3A_1773 = arith.mulf %mul3A_1770, %get3A_1772 : vector<16xf32>
        %get3A_1774 = arith.constant 928 : index
        %get3A_1775 = tpu.vector_load %arg10[%get3A_1774] {strides = array<i32>} : memref<1024xf32, #tpu.memory_space<vmem>>, vector<16xf32>,
        %add3A_1776 = arith.addf %mul3A_1773, %get3A_1775 : vector<16xf32>
        %swap3A_1777 = arith.index_cast %scan3A_32 : i32 to index
        %swap3A_1778 = arith.constant 928 : index
        %swap3A_1779 = tpu.vector_load %arg7[%swap3A_1777, %swap3A_1778] {strides = array<i32>} : memref<32x1024xf32, #tpu.memory_space<vmem>>, vector<16xf32>,
        tpu.vector_store %arg7[%swap3A_1777, %swap3A_1778], %add3A_1776 {strides = array<i32>} : memref<32x1024xf32, #tpu.memory_space<vmem>>, vector<16xf32>,
        %get3A_1780 = arith.index_cast %scan3A_32 : i32 to index
        %get3A_1781 = arith.constant 944 : index
        %get3A_1782 = tpu.vector_load %arg7[%get3A_1780, %get3A_1781] {strides = array<i32>} : memref<32x1024xf32, #tpu.memory_space<vmem>>, vector<16xf32>,
        %get3A_1783 = arith.index_cast %scan3A_32 : i32 to index
        %get3A_1784 = arith.constant 944 : index
        %get3A_1785 = tpu.vector_load %arg8[%get3A_1783, %get3A_1784] {strides = array<i32>} : memref<32x1024xf32, #tpu.memory_space<vmem>>, vector<16xf32>,
        %add3A_1786 = arith.addf %get3A_1782, %get3A_1785 : vector<16xf32>
        %sub3A_1787 = arith.subf %add3A_1786, %broadcast_in_dim3A_684 : vector<16xf32>
        %mul3A_1788 = arith.mulf %sub3A_1787, %mul3A_718 : vector<16xf32>
        %get3A_1789 = arith.constant 944 : index
        %get3A_1790 = tpu.vector_load %arg9[%get3A_1789] {strides = array<i32>} : memref<1024xf32, #tpu.memory_space<vmem>>, vector<16xf32>,
        %mul3A_1791 = arith.mulf %mul3A_1788, %get3A_1790 : vector<16xf32>
        %get3A_1792 = arith.constant 944 : index
        %get3A_1793 = tpu.vector_load %arg10[%get3A_1792] {strides = array<i32>} : memref<1024xf32, #tpu.memory_space<vmem>>, vector<16xf32>,
        %add3A_1794 = arith.addf %mul3A_1791, %get3A_1793 : vector<16xf32>
        %swap3A_1795 = arith.index_cast %scan3A_32 : i32 to index
        %swap3A_1796 = arith.constant 944 : index
        %swap3A_1797 = tpu.vector_load %arg7[%swap3A_1795, %swap3A_1796] {strides = array<i32>} : memref<32x1024xf32, #tpu.memory_space<vmem>>, vector<16xf32>,
        tpu.vector_store %arg7[%swap3A_1795, %swap3A_1796], %add3A_1794 {strides = array<i32>} : memref<32x1024xf32, #tpu.memory_space<vmem>>, vector<16xf32>,
        %get3A_1798 = arith.index_cast %scan3A_32 : i32 to index
        %get3A_1799 = arith.constant 960 : index
        %get3A_1800 = tpu.vector_load %arg7[%get3A_1798, %get3A_1799] {strides = array<i32>} : memref<32x1024xf32, #tpu.memory_space<vmem>>, vector<16xf32>,
        %get3A_1801 = arith.index_cast %scan3A_32 : i32 to index
        %get3A_1802 = arith.constant 960 : index
        %get3A_1803 = tpu.vector_load %arg8[%get3A_1801, %get3A_1802] {strides = array<i32>} : memref<32x1024xf32, #tpu.memory_space<vmem>>, vector<16xf32>,
        %add3A_1804 = arith.addf %get3A_1800, %get3A_1803 : vector<16xf32>
        %sub3A_1805 = arith.subf %add3A_1804, %broadcast_in_dim3A_684 : vector<16xf32>
        %mul3A_1806 = arith.mulf %sub3A_1805, %mul3A_718 : vector<16xf32>
        %get3A_1807 = arith.constant 960 : index
        %get3A_1808 = tpu.vector_load %arg9[%get3A_1807] {strides = array<i32>} : memref<1024xf32, #tpu.memory_space<vmem>>, vector<16xf32>,
        %mul3A_1809 = arith.mulf %mul3A_1806, %get3A_1808 : vector<16xf32>
        %get3A_1810 = arith.constant 960 : index
        %get3A_1811 = tpu.vector_load %arg10[%get3A_1810] {strides = array<i32>} : memref<1024xf32, #tpu.memory_space<vmem>>, vector<16xf32>,
        %add3A_1812 = arith.addf %mul3A_1809, %get3A_1811 : vector<16xf32>
        %swap3A_1813 = arith.index_cast %scan3A_32 : i32 to index
        %swap3A_1814 = arith.constant 960 : index
        %swap3A_1815 = tpu.vector_load %arg7[%swap3A_1813, %swap3A_1814] {strides = array<i32>} : memref<32x1024xf32, #tpu.memory_space<vmem>>, vector<16xf32>,
        tpu.vector_store %arg7[%swap3A_1813, %swap3A_1814], %add3A_1812 {strides = array<i32>} : memref<32x1024xf32, #tpu.memory_space<vmem>>, vector<16xf32>,
        %get3A_1816 = arith.index_cast %scan3A_32 : i32 to index
        %get3A_1817 = arith.constant 976 : index
        %get3A_1818 = tpu.vector_load %arg7[%get3A_1816, %get3A_1817] {strides = array<i32>} : memref<32x1024xf32, #tpu.memory_space<vmem>>, vector<16xf32>,
        %get3A_1819 = arith.index_cast %scan3A_32 : i32 to index
        %get3A_1820 = arith.constant 976 : index
        %get3A_1821 = tpu.vector_load %arg8[%get3A_1819, %get3A_1820] {strides = array<i32>} : memref<32x1024xf32, #tpu.memory_space<vmem>>, vector<16xf32>,
        %add3A_1822 = arith.addf %get3A_1818, %get3A_1821 : vector<16xf32>
        %sub3A_1823 = arith.subf %add3A_1822, %broadcast_in_dim3A_684 : vector<16xf32>
        %mul3A_1824 = arith.mulf %sub3A_1823, %mul3A_718 : vector<16xf32>
        %get3A_1825 = arith.constant 976 : index
        %get3A_1826 = tpu.vector_load %arg9[%get3A_1825] {strides = array<i32>} : memref<1024xf32, #tpu.memory_space<vmem>>, vector<16xf32>,
        %mul3A_1827 = arith.mulf %mul3A_1824, %get3A_1826 : vector<16xf32>
        %get3A_1828 = arith.constant 976 : index
        %get3A_1829 = tpu.vector_load %arg10[%get3A_1828] {strides = array<i32>} : memref<1024xf32, #tpu.memory_space<vmem>>, vector<16xf32>,
        %add3A_1830 = arith.addf %mul3A_1827, %get3A_1829 : vector<16xf32>
        %swap3A_1831 = arith.index_cast %scan3A_32 : i32 to index
        %swap3A_1832 = arith.constant 976 : index
        %swap3A_1833 = tpu.vector_load %arg7[%swap3A_1831, %swap3A_1832] {strides = array<i32>} : memref<32x1024xf32, #tpu.memory_space<vmem>>, vector<16xf32>,
        tpu.vector_store %arg7[%swap3A_1831, %swap3A_1832], %add3A_1830 {strides = array<i32>} : memref<32x1024xf32, #tpu.memory_space<vmem>>, vector<16xf32>,
        %get3A_1834 = arith.index_cast %scan3A_32 : i32 to index
        %get3A_1835 = arith.constant 992 : index
        %get3A_1836 = tpu.vector_load %arg7[%get3A_1834, %get3A_1835] {strides = array<i32>} : memref<32x1024xf32, #tpu.memory_space<vmem>>, vector<16xf32>,
        %get3A_1837 = arith.index_cast %scan3A_32 : i32 to index
        %get3A_1838 = arith.constant 992 : index
        %get3A_1839 = tpu.vector_load %arg8[%get3A_1837, %get3A_1838] {strides = array<i32>} : memref<32x1024xf32, #tpu.memory_space<vmem>>, vector<16xf32>,
        %add3A_1840 = arith.addf %get3A_1836, %get3A_1839 : vector<16xf32>
        %sub3A_1841 = arith.subf %add3A_1840, %broadcast_in_dim3A_684 : vector<16xf32>
        %mul3A_1842 = arith.mulf %sub3A_1841, %mul3A_718 : vector<16xf32>
        %get3A_1843 = arith.constant 992 : index
        %get3A_1844 = tpu.vector_load %arg9[%get3A_1843] {strides = array<i32>} : memref<1024xf32, #tpu.memory_space<vmem>>, vector<16xf32>,
        %mul3A_1845 = arith.mulf %mul3A_1842, %get3A_1844 : vector<16xf32>
        %get3A_1846 = arith.constant 992 : index
        %get3A_1847 = tpu.vector_load %arg10[%get3A_1846] {strides = array<i32>} : memref<1024xf32, #tpu.memory_space<vmem>>, vector<16xf32>,
        %add3A_1848 = arith.addf %mul3A_1845, %get3A_1847 : vector<16xf32>
        %swap3A_1849 = arith.index_cast %scan3A_32 : i32 to index
        %swap3A_1850 = arith.constant 992 : index
        %swap3A_1851 = tpu.vector_load %arg7[%swap3A_1849, %swap3A_1850] {strides = array<i32>} : memref<32x1024xf32, #tpu.memory_space<vmem>>, vector<16xf32>,
        tpu.vector_store %arg7[%swap3A_1849, %swap3A_1850], %add3A_1848 {strides = array<i32>} : memref<32x1024xf32, #tpu.memory_space<vmem>>, vector<16xf32>,
        %get3A_1852 = arith.index_cast %scan3A_32 : i32 to index
        %get3A_1853 = arith.constant 1008 : index
        %get3A_1854 = tpu.vector_load %arg7[%get3A_1852, %get3A_1853] {strides = array<i32>} : memref<32x1024xf32, #tpu.memory_space<vmem>>, vector<16xf32>,
        %get3A_1855 = arith.index_cast %scan3A_32 : i32 to index
        %get3A_1856 = arith.constant 1008 : index
        %get3A_1857 = tpu.vector_load %arg8[%get3A_1855, %get3A_1856] {strides = array<i32>} : memref<32x1024xf32, #tpu.memory_space<vmem>>, vector<16xf32>,
        %add3A_1858 = arith.addf %get3A_1854, %get3A_1857 : vector<16xf32>
        %sub3A_1859 = arith.subf %add3A_1858, %broadcast_in_dim3A_684 : vector<16xf32>
        %mul3A_1860 = arith.mulf %sub3A_1859, %mul3A_718 : vector<16xf32>
        %get3A_1861 = arith.constant 1008 : index
        %get3A_1862 = tpu.vector_load %arg9[%get3A_1861] {strides = array<i32>} : memref<1024xf32, #tpu.memory_space<vmem>>, vector<16xf32>,
        %mul3A_1863 = arith.mulf %mul3A_1860, %get3A_1862 : vector<16xf32>
        %get3A_1864 = arith.constant 1008 : index
        %get3A_1865 = tpu.vector_load %arg10[%get3A_1864] {strides = array<i32>} : memref<1024xf32, #tpu.memory_space<vmem>>, vector<16xf32>,
        %add3A_1866 = arith.addf %mul3A_1863, %get3A_1865 : vector<16xf32>
        %swap3A_1867 = arith.index_cast %scan3A_32 : i32 to index
        %swap3A_1868 = arith.constant 1008 : index
        %swap3A_1869 = tpu.vector_load %arg7[%swap3A_1867, %swap3A_1868] {strides = array<i32>} : memref<32x1024xf32, #tpu.memory_space<vmem>>, vector<16xf32>,
        tpu.vector_store %arg7[%swap3A_1867, %swap3A_1868], %add3A_1866 {strides = array<i32>} : memref<32x1024xf32, #tpu.memory_space<vmem>>, vector<16xf32>,
      }
      %scan3A_31 = arith.constant 32 : i32
      "tpu.region"() ({
        %run_scoped3A = tpu.sem_alloc : memref<!tpu.dma_semaphore, #tpu.memory_space<semaphore_mem>>
        %dma_start3A = arith.constant 0 : i32
        %dma_start3A_32 = tpu.memref_slice %arg6[%add3A_22, %dma_start3A] : memref<32768x1024xf32, #tpu.memory_space<hbm>> -> memref<32x1024xf32, #tpu.memory_space<hbm>>
        %dma_start3A_33 = arith.constant 0 : i32
        %dma_start3A_34 = tpu.memref_slice %arg6[%add3A_22, %dma_start3A_33] : memref<32768x1024xf32, #tpu.memory_space<hbm>> -> memref<32x1024xf32, #tpu.memory_space<hbm>>
        tpu.enqueue_dma source(%arg7 : memref<32x1024xf32, #tpu.memory_space<vmem>>) target(%dma_start3A_34 : memref<32x1024xf32, #tpu.memory_space<hbm>>) target_semaphore(%run_scoped3A : memref<!tpu.dma_semaphore, #tpu.memory_space<semaphore_mem>>)
        %dma_wait3A = arith.constant 0 : i32
        %dma_wait3A_35 = tpu.memref_slice %arg6[%add3A_22, %dma_wait3A] : memref<32768x1024xf32, #tpu.memory_space<hbm>> -> memref<32x1024xf32, #tpu.memory_space<hbm>>
        %dma_wait3A_36 = arith.constant 0 : i32
        %dma_wait3A_37 = tpu.memref_slice %arg6[%add3A_22, %dma_wait3A_36] : memref<32768x1024xf32, #tpu.memory_space<hbm>> -> memref<32x1024xf32, #tpu.memory_space<hbm>>
        tpu.wait_dma2 semaphore(%run_scoped3A : memref<!tpu.dma_semaphore, #tpu.memory_space<semaphore_mem>>) src(%arg7 : memref<32x1024xf32, #tpu.memory_space<vmem>>) dst(%dma_wait3A_37 : memref<32x1024xf32, #tpu.memory_space<hbm>>)
        tpu.yield
      }) : () -> ()
    }
    %scan3A_18 = arith.constant 32 : i32
    return
  }
}

</mosaic_0001>

<sc_bundles>
// kernel: _run_sc.3.cloned.1.call-start
scs
__scs_entry_jumppad:
0x0: {  	(pc) =	sbr.rel $0x88, $3  }
0x1: {  	(tag) =	ssettag $0x0;
	lr =	simm.s32 $0x1  }
0x2: {  	[smem:$0x3F9D] =	sst lr;
	_ =	strace $0xD0000000  }
0x3: {  	_ = 	snop  }
0x4: {  	_ = 	snop  }
0x5: {  	_ = 	snop  }
0x6: {  	_ = 	snop  }
0x7: {  	_ = 	snop  }
__scs_overlays_trampoline_lowered:
0x8: {  	[smem:$0x3FAC] =	sst s0  }
0x9: {  	[smem:$0x3FAD] =	sst s1  }
0xa: {  	[smem:$0x3FAE] =	sst s2  }
0xb: {  	[smem:$0x3FAF] =	sst s3  }
0xc: {  	[smem:$0x3FB0] =	sst s4  }
0xd: {  	[smem:$0x3FB1] =	sst s5  }
0xe: {  	[smem:$0x3FB2] =	sst s6  }
0xf: {  	[smem:$0x3FB3] =	sst s7  }
0x10: {  	[smem:$0x3FB4] =	sst s8  }
0x11: {  	[smem:$0x3FB5] =	sst s9;
	s0 =	simm.s32 @!p0 $0x0  }
0x12: {  	s1 =	sld [smem:$0x3F9B];
	s0 =	simm.s32 @p0 $0x1  }
0x13: {  	[smem:$0x3FB6] =	sst s0;
	s0 =	simm.s32 @!p1 $0x0  }
0x14: {  	s2 =	sld [smem:$0x3F9A];
	s0 =	simm.s32 @p1 $0x1  }
0x15: {  	[smem:$0x3FB7] =	sst s0;
	s0 =	simm.s32 @!p2 $0x0  }
0x16: {  	s3 =	sld [smem:$0x3FDB];
	s0 =	simm.s32 @p2 $0x1  }
0x17: {  	s4 =	simm.s32 $0x1BF5;
	[smem:$0x3FB9] =	sst s0  }
0x18: {  	s0 =	sld [smem:$0x3F9C];
	_ =	swait.ge [sflag:s4], $0x0  }
0x19: {  	s7 =	sld [smem:$0x3F9D]  }
0x1a: {  	s8 =	sadd.s32 $0xFFFFE003, lr  }
0x1b: {  	s9 =	sadd.s32 $0xFFFFFEF7, lr;
	s5 =	simm.s32 $0xFFFFFFFF;
	p2 =	slt.u32 s8, $0xFFFFF086  }
0x1c: {  	p1 =	slt.u32 s9, $0xF7A;
	s5 =	simm.s32 @!p2 $0x0  }
0x1d: {  	s5 =	simm.s32 @p1 $0x1;
	p0 =	seq.s32 s7, s2  }
0x1e: {  	s7 =	smul.u32 @!p0 $0xF7A, s2;
	p2 =	seq.s32 @!p0 s5, $0x0  }
0x1f: {  	s9 =	smul.u32 $0xF7A, s1;
	s8 =	simm.s32 @!p0 $0x1BF5;
	p2 =	por !p2, p0  }
0x20: {  	[sflag:s8] =	ssyncset.s32 @!p0 $0xFFFFF086;
	s6 =	sadd.s32 @!p0 s3, s7;
	s7 =	simm.s32 @!p0 $0x108  }
0x21: {  	s3 =	sadd.s32 s3, s9;
	s6 =	sadd.s32 @!p0 $0x88, s6;
	s7 =	simm.s32 @p2 $0x1082  }
0x22: {  	[simem:s7], [sflag:s8] =	dma.local @!p0 [hbm:s6], $0xF7A  }
0x23: {  	s9 =	sor.u32 $0xD0000000, s2;
	s6 =	simm.s32 $0x108;
	_ =	swait.ge @!p0 [sflag:s8], $0x0  }
0x24: {  	s3 =	sadd.s32 $0x88, s3;
	s6 =	simm.s32 @!p1 $0x1082;
	[sflag:s4] =	ssyncset.s32 $0xFFFFF086  }
0x25: {  	[simem:s6], [sflag:s4] =	dma.local [hbm:s3], $0xF7A  }
0x26: {  	[smem:$0x3F9D] =	sst s1;
	(tag) =	ssettag s2;
	_ =	strace s9  }
0x27: {  	s1 =	sld [smem:$0x3FAD]  }
0x28: {  	s2 =	sld [smem:$0x3FAE]  }
0x29: {  	s4 =	sld [smem:$0x3FB0]  }
0x2a: {  	p0 =	seq.s32 s5, $0x0;
	s5 =	sld [smem:$0x3FB1]  }
0x2b: {  	s6 =	sld [smem:$0x3FB2]  }
0x2c: {  	s7 =	sld [smem:$0x3FB3]  }
0x2d: {  	s3 =	simm.s32 $0x108;
	s8 =	sld [smem:$0x3FB4]  }
0x2e: {  	s3 =	simm.s32 @!p0 $0x1082;
	s9 =	sld [smem:$0x3FB5]  }
0x2f: {  	lr =	sadd.s32 s0, s3;
	s0 =	sld [smem:$0x3FAC]  }
0x30: {  	s3 =	sld [smem:$0x3FAF]  }
0x31: {  	[smem:$0x3FB8] =	sst s10  }
0x32: {  	s10 =	sld [smem:$0x3FB6];
	_ =	sdelay $0x3  }
0x33: {  	p0 =	seq.s32 s10, $0x1;
	s10 =	sld [smem:$0x3FB8];
	_ =	sdelay $0x3  }
0x34: {  	[smem:$0x3FB8] =	sst s10  }
0x35: {  	s10 =	sld [smem:$0x3FB7];
	_ =	sdelay $0x3  }
0x36: {  	p1 =	seq.s32 s10, $0x1;
	s10 =	sld [smem:$0x3FB8];
	_ =	sdelay $0x3  }
0x37: {  	[smem:$0x3FB8] =	sst s10  }
0x38: {  	s10 =	sld [smem:$0x3FB9]  }
0x39: {  	_ = 	snop;
	(pc) =	sbr.ind lr, $3  }
0x3a: {  	_ = 	snop  }
0x3b: {  	_ = 	snop  }
0x3c: {  	p2 =	seq.s32 s10, $0x1;
	s10 =	sld [smem:$0x3FB8]  }
0x3d: {  	_ =	shalt  }
0x3e: {  	_ =	shalt  }
0x3f: {  	_ =	shalt  }
0x40: {  	_ =	shalt  }
0x41: {  	_ =	shalt  }
0x42: {  	_ =	shalt  }
0x43: {  	_ =	shalt  }
0x44: {  	_ =	shalt  }
0x45: {  	_ =	shalt  }
0x46: {  	_ =	shalt  }
0x47: {  	_ =	shalt  }
0x48: {  	_ =	shalt  }
0x49: {  	_ =	shalt  }
0x4a: {  	_ =	shalt  }
0x4b: {  	_ =	shalt  }
0x4c: {  	_ =	shalt  }
0x4d: {  	_ =	shalt  }
0x4e: {  	_ =	shalt  }
0x4f: {  	_ =	shalt  }
0x50: {  	_ =	shalt  }
0x51: {  	_ =	shalt  }
0x52: {  	_ =	shalt  }
0x53: {  	_ =	shalt  }
0x54: {  	_ =	shalt  }
0x55: {  	_ =	shalt  }
0x56: {  	_ =	shalt  }
0x57: {  	_ =	shalt  }
0x58: {  	_ =	shalt  }
0x59: {  	_ =	shalt  }
0x5a: {  	_ =	shalt  }
0x5b: {  	_ =	shalt  }
0x5c: {  	_ =	shalt  }
0x5d: {  	_ =	shalt  }
0x5e: {  	_ =	shalt  }
0x5f: {  	_ =	shalt  }
0x60: {  	_ =	shalt  }
0x61: {  	_ =	shalt  }
0x62: {  	_ =	shalt  }
0x63: {  	_ =	shalt  }
0x64: {  	_ =	shalt  }
0x65: {  	_ =	shalt  }
0x66: {  	_ =	shalt  }
0x67: {  	_ =	shalt  }
0x68: {  	_ =	shalt  }
0x69: {  	_ =	shalt  }
0x6a: {  	_ =	shalt  }
0x6b: {  	_ =	shalt  }
0x6c: {  	_ =	shalt  }
0x6d: {  	_ =	shalt  }
0x6e: {  	_ =	shalt  }
0x6f: {  	_ =	shalt  }
0x70: {  	_ =	shalt  }
0x71: {  	_ =	shalt  }
0x72: {  	_ =	shalt  }
0x73: {  	_ =	shalt  }
0x74: {  	_ =	shalt  }
0x75: {  	_ =	shalt  }
0x76: {  	_ =	shalt  }
0x77: {  	_ =	shalt  }
0x78: {  	_ =	shalt  }
0x79: {  	_ =	shalt  }
0x7a: {  	_ =	shalt  }
0x7b: {  	_ =	shalt  }
0x7c: {  	_ =	shalt  }
0x7d: {  	_ =	shalt  }
0x7e: {  	_ =	shalt  }
0x7f: {  	_ =	shalt  }
0x80: {  	_ =	shalt  }
0x81: {  	_ =	shalt  }
0x82: {  	_ =	shalt  }
0x83: {  	_ =	shalt  }
0x84: {  	_ =	shalt  }
0x85: {  	_ =	shalt  }
0x86: {  	_ =	shalt  }
0x87: {  	_ =	shalt  }
.Lfunc_end0:
.L_simem_size_0:
called_computation_lowered:
.L_overlay_start_0:
0x88: {  	s2 =	sld [smem:$0x3FD9]  }
0x89: {  	s3 =	sld [smem:$0x3FFE];
	_ =	sdelay $0x1  }
0x8a: {  	s1 =	srdreg.scid  }
0x8b: {  	s0 =	sand.u32 $0x1, s1  }
0x8c: {  	s18 =	sshll.u32 s0, $0xA;
	s2 =	sadd.s32 s3, s2  }
0x8d: {  	s2 =	sadd.s32 s2, s18  }
0x8e: {  	[smem:$0x3FC4] =	sst s2  }
0x8f: {  	_ = 	snop  }
0x90: {  	s2 =	sld [smem:$0x3FC9]  }
0x91: {  	s19 =	sld [smem:$0x3FC8]  }
0x92: {  	s4 =	sld [smem:$0x3FC7]  }
0x93: {  	s5 =	sld [smem:$0x3FC6]  }
0x94: {  	s6 =	sld [smem:$0x3FD0];
	(tm) =	ssettm $0x1  }
0x95: {  	s7 =	sld [smem:$0x3FFB];
	_ =	sdelay $0x3  }
0x96: {  	_ =	strace s7  }
0x97: {  	s7 =	sld [smem:$0x3FFC];
	_ =	sdelay $0x3  }
0x98: {  	_ =	strace s7  }
0x99: {  	s7 =	sld [smem:$0x3FFD];
	_ =	sdelay $0x3  }
0x9a: {  	_ =	strace s7  }
0x9b: {  	_ =	strace $0x8FFFFFFF  }
0x9c: {  	s20 =	sld [smem:$0x3FDB];
	_ =	sdelay $0x1  }
0x9d: {  	s8 =	simm.s32 $_scs_section_size  }
0x9e: {  	s9 =	simm.s32 $_size__tile_overlayer_lowered;
	s10 =	simm.s32 $_tile_overlayer_lowered  }
0x9f: {  	s23 =	simm.s32 $0x1BFF;
	s22 =	sshll.u32 s10, $0x1;
	s7 =	sadd.s32 s8, s20  }
0xa0: {  	s11 =	simm.s32 $0x0;
	s21 =	sshll.u32 s9, $0x1;
	s9 =	sadd.s32 s22, s7  }
0xa1: {  	[timem:s11], [sflag:s23] =	dma.local [hbm:s9], s21  }
0xa2: {  	_ =	swait.ge [sflag:s23], s21  }
0xa3: {  	s8 =	ssub.s32 $0x0, s21;
	[sflag:s23] =	ssyncset.done $0x0  }
0xa4: {  	[sflag:s23] =	ssyncadd.s32 s8;
	_ =	sdelay $0x1  }
0xa5: {  	s24 =	simm.s32 $0x1B8B  }
0xa6: {  	_ =	swait.ge [sflag:s24], $0x1  }
0xa7: {  	[sflag:s24] =	ssyncset.done $0x0  }
0xa8: {  	s25 =	simm.s32 $0x1B8E;
	[sflag:s24] =	ssyncadd.s32 $0xFFFFFFFF  }
0xa9: {  	s26 =	simm.s32 $execute0_lowered;
	[smem:$0x3FD2] =	sst s25  }
0xaa: {  	s8 =	sshll.u32 s26, $0x1;
	_ =	strace $0x80000046;
	[dreg:$0x1] =	wrdreg $0xFFFFFFFF  }
0xab: {  	s28 =	simm.s32 $_size_execute0_lowered;
	s7 =	sadd.s32 s7, s8;
	[dreg:$0x0] =	wrdreg $0x0  }
0xac: {  	s8 =	sshll.u32 s28, $0x1;
	[dreg:$0x2] =	wrdreg s7  }
0xad: {  	[dreg:$0x3] =	wrdreg s8  }
0xae: {  	[dreg:$0x4] =	wrdreg $0xC0  }
0xaf: {  	_ =	task [dreg:s11], $0x5FFFF  }
0xb0: {  	[dreg:$0x1] =	wrdreg $0xFFFFFFFF  }
0xb1: {  	[dreg:$0x0] =	wrdreg $0x60  }
0xb2: {  	[dreg:$0x2] =	wrdreg s2  }
0xb3: {  	[dreg:$0x3] =	wrdreg s19  }
0xb4: {  	[dreg:$0x4] =	wrdreg s4  }
0xb5: {  	[dreg:$0x5] =	wrdreg s5  }
0xb6: {  	[dreg:$0x6] =	wrdreg s6  }
0xb7: {  	[dreg:$0x7] =	wrdreg $0x9  }
0xb8: {  	_ =	task.clear_ibuf [dreg:s11], $0x8FFFF;
	_ =	strace $0x90000046  }
0xb9: {  	s29 =	simm.s32 $0x9;
	_ =	strace $0x80000048  }
0xba: {  	_ =	swait.ge [sflag:s29], $0x1  }
0xbb: {  	[sflag:s29] =	ssyncadd.s32 $0xFFFFFFFF  }
0xbc: {  	_ =	strace $0x90000048  }
0xbd: {  	_ =	sfence  }
0xbe: {  	s30 =	sld [smem:$0x0];
	_ =	sdelay $0x2  }
0xbf: {  	s31 =	sshll.u32 s1, $0xD;
	s1 =	sshrl.u32 s1, $0x2  }
0xc0: {  	s3 =	sand.u32 $0x4000, s31;
	s1 =	sadd.s32 s1, s30  }
0xc1: {  	s0 =	sor.u32 s3, s0;
	s1 =	sshll.u32 s1, $0x11  }
0xc2: {  	s0 =	sor.u32 s1, s0  }
0xc3: {  	s0 =	sadd.s32 $0x8F2B, s0  }
0xc4: {  	[sflag:s0] =	ssyncadd.remote.s32 $0x1  }
0xc5: {  	_ =	sfence.sel $0xFFFF  }
0xc6: {  	[dreg:$0x0] =	wrdreg $0xFFFFFFFF;
	(pc) =	sbr.abs _section_cstart, $3  }
0xc7: {  	[dreg:$0x1] =	wrdreg $0xFFFFFFFF  }
0xc8: {  	_ =	task.clear_ibuf [dreg:s11], $0x2FFFF;
	_ =	strace $0x9FFFFFFF  }
0xc9: {  	(tm) =	ssettm $0x7FFFFFFF  }
tec
execute0_lowered:
.L_overlay_start_1:
0x0: {  	(tag) =	ssettag $0x1  }
0x1: {  	s0 =	rddreg [dreg:$0x0]  }
0x2: {  	s8 =	rddreg [dreg:$0x1]  }
0x3: {  	s3 =	rddreg [dreg:$0x2]  }
0x4: {  	s4 =	rddreg [dreg:$0x3];
	s1 =	srdreg.scid  }
0x5: {  	s5 =	rddreg [dreg:$0x4];
	s2 =	stileid.u32  }
0x6: {  	s6 =	simm.s32 $0x0;
	s12 =	simm.s32 $0x10400;
	s13 =	simm.s32 $0x8000  }
0x7: {  	s14 =	simm.s32 $0x0;
	s7 =	sand.u32 $0x1, s1;
	s9 =	sshll.u32 s2, $0x12  }
0x8: {  	[smem:$0x7FF] =	sst s6;
	s10 =	sshll.u32 s7, $0x11;
	s11 =	ssub.s32 $0x2, s7  }
0x9: {  	_ =	strace $0x80000047;
	s7 =	sor.u32 s10, s9;
	s31 =	sshrl.u32 s11, $0x1  }
0xa: {  	s10 =	sand.u32 $0xE0000, s7;
	s9 =	ssub.s32 s11, s31;
	s11 =	simm.s32 $0x1  }
0xb: {  	s8 =	sadd.s32 s8, s10;
	s9 =	smax.u32 s9, $0x1;
	s10 =	simm.s32 $0x10000  }
.LBB2_1:
0xc: {  	[tilespmem:s10], [sflag:$0x1] =	stream.linear.gather [hbm4b:s3+s6], $0x400, $0x38;
	[tilespmem:$0x10800] =	vst v63  }
0xd: {  	_ =	swait.ge [sflag:s11], $0x400  }
0xe: {  	[sflag:s11] =	ssyncset.done $0x0  }
0xf: {  	[sflag:s11] =	ssyncadd.s32 $0xFFFFFC00  }
0x10: {  	[tilespmem:s12], [sflag:$0x1] =	stream.linear.gather [hbm4b:s4+s6], $0x400, $0x38;
	[tilespmem:$0x10800] =	vst v63  }
0x11: {  	_ =	swait.ge [sflag:s11], $0x400  }
0x12: {  	[sflag:s11] =	ssyncset.done $0x0  }
0x13: {  	s15 =	simm.s32 $0x0;
	[sflag:s11] =	ssyncadd.s32 $0xFFFFFC00  }
.LBB2_2:
0x14: {  	s18 =	sshll.u32 s15, $0xC  }
0x15: {  	s16 =	sor.u32 s7, s18  }
0x16: {  	s17 =	simm.s32 $0x0;
	s19 =	sadd.s32 s0, s16  }
0x17: {  	[tilespmem:s17], [sflag:$0x1] =	stream.linear.gather [hbm4b:s19+s17], $0x8000, $0x38;
	[tilespmem:$0x10800] =	vst v63  }
0x18: {  	_ =	swait.ge [sflag:s11], $0x8000  }
0x19: {  	[sflag:s11] =	ssyncset.done $0x0  }
0x1a: {  	s18 =	sadd.s32 s18, s8;
	[sflag:s11] =	ssyncadd.s32 $0xFFFF8000  }
0x1b: {  	[tilespmem:s13], [sflag:$0x1] =	stream.linear.gather [hbm4b:s18+s17], $0x8000, $0x38;
	[tilespmem:$0x10800] =	vst v63  }
0x1c: {  	_ =	swait.ge [sflag:s11], $0x8000  }
0x1d: {  	s20 =	simm.s32 $0x0;
	[sflag:s11] =	ssyncset.done $0x0  }
0x1e: {  	s19 =	simm.s32 $0x0;
	s18 =	simm.s32 $0xFFFF8000;
	[sflag:s11] =	ssyncadd.s32 $0xFFFF8000  }
.LBB2_3:
0x1f: {  	s21 =	sadd.s32 $0x8000, s18  }
0x20: {  	s22 =	sand.u32 $0x380, s20;
	s21 =	sand.u32 $0x6000, s21  }
0x21: {  	s21 =	sor.u32 s22, s21  }
0x22: {  	v0 =	vld [tilespmem:s21+$0x0]  }
0x23: {  	v1 =	vld [tilespmem:s21+$0x8000]  }
0x24: {  	v56 =	vld [tilespmem:s21+$0x10]  }
0x25: {  	v2 =	vld [tilespmem:s21+$0x8010]  }
0x26: {  	v55 =	vld [tilespmem:s21+$0x20]  }
0x27: {  	v3 =	vld [tilespmem:s21+$0x8020]  }
0x28: {  	v54 =	vld [tilespmem:s21+$0x30]  }
0x29: {  	v43 =	vld [tilespmem:s21+$0x8030];
	v57 =	vadd.f32 v1, v0  }
0x2a: {  	v53 =	vld [tilespmem:s21+$0x40];
	v44 =	vadd.f32 v2, v56  }
0x2b: {  	v4 =	vld [tilespmem:s21+$0x8040];
	v45 =	vadd.f32 $0.0e+00, v57  }
0x2c: {  	v52 =	vld [tilespmem:s21+$0x50];
	v3 =	vadd.f32 v3, v55;
	v5 =	vmul.f32 v57, v57;
	v6 =	vmul.f32 v44, v44  }
0x2d: {  	v46 =	vld [tilespmem:s21+$0x8050];
	v1 =	vadd.f32 v44, v45  }
0x2e: {  	v51 =	vld [tilespmem:s21+$0x60];
	v0 =	vadd.f32 v43, v54;
	v47 =	vmul.f32 v3, v3;
	v5 =	vadd.f32 v6, v5  }
0x2f: {  	v58 =	vld [tilespmem:s21+$0x8060];
	v1 =	vadd.f32 v3, v1  }
0x30: {  	v50 =	vld [tilespmem:s21+$0x70];
	v4 =	vadd.f32 v4, v53;
	v59 =	vmul.f32 v0, v0;
	v5 =	vadd.f32 v47, v5  }
0x31: {  	v60 =	vld [tilespmem:s21+$0x8070];
	v0 =	vadd.f32 v0, v1  }
0x32: {  	v49 =	vld [tilespmem:s21+$0x400];
	v2 =	vadd.f32 v46, v52;
	v61 =	vmul.f32 v4, v4;
	v5 =	vadd.f32 v59, v5  }
0x33: {  	v62 =	vld [tilespmem:s21+$0x8400];
	v0 =	vadd.f32 v4, v0  }
0x34: {  	v48 =	vld [tilespmem:s21+$0x410];
	v63 =	vmul.f32 v2, v2;
	v3 =	vadd.f32 v58, v51;
	v5 =	vadd.f32 v61, v5  }
0x35: {  	v9 =	vld [tilespmem:s21+$0x8410];
	v0 =	vadd.f32 v2, v0  }
0x36: {  	v11 =	vld [tilespmem:s21+$0x8420];
	v10 =	vmul.f32 v3, v3;
	v1 =	vadd.f32 v60, v50;
	v5 =	vadd.f32 v63, v5  }
0x37: {  	v47 =	vld [tilespmem:s21+$0x420];
	v0 =	vadd.f32 v3, v0  }
0x38: {  	v13 =	vld [tilespmem:s21+$0x8430];
	v12 =	vmul.f32 v1, v1;
	v4 =	vadd.f32 v62, v49;
	v5 =	vadd.f32 v10, v5  }
0x39: {  	v46 =	vld [tilespmem:s21+$0x430];
	v0 =	vadd.f32 v1, v0  }
0x3a: {  	v15 =	vld [tilespmem:s21+$0x8440];
	v14 =	vmul.f32 v4, v4;
	v2 =	vadd.f32 v9, v48;
	v5 =	vadd.f32 v12, v5  }
0x3b: {  	v45 =	vld [tilespmem:s21+$0x440];
	v0 =	vadd.f32 v4, v0  }
0x3c: {  	v17 =	vld [tilespmem:s21+$0x8450];
	v16 =	vmul.f32 v2, v2;
	v3 =	vadd.f32 v11, v47;
	v5 =	vadd.f32 v14, v5  }
0x3d: {  	v44 =	vld [tilespmem:s21+$0x450];
	v0 =	vadd.f32 v2, v0  }
0x3e: {  	v19 =	vld [tilespmem:s21+$0x8460];
	v18 =	vmul.f32 v3, v3;
	v1 =	vadd.f32 v13, v46;
	v5 =	vadd.f32 v16, v5  }
0x3f: {  	v43 =	vld [tilespmem:s21+$0x460];
	v0 =	vadd.f32 v3, v0  }
0x40: {  	v42 =	vld [tilespmem:s21+$0x470];
	v20 =	vmul.f32 v1, v1;
	v4 =	vadd.f32 v15, v45;
	v5 =	vadd.f32 v18, v5  }
0x41: {  	v21 =	vld [tilespmem:s21+$0x8470];
	v0 =	vadd.f32 v1, v0  }
0x42: {  	v41 =	vld [tilespmem:s21+$0x800];
	v22 =	vmul.f32 v4, v4;
	v2 =	vadd.f32 v17, v44;
	v5 =	vadd.f32 v20, v5  }
0x43: {  	v23 =	vld [tilespmem:s21+$0x8800];
	v0 =	vadd.f32 v4, v0  }
0x44: {  	v40 =	vld [tilespmem:s21+$0x810];
	v24 =	vmul.f32 v2, v2;
	v3 =	vadd.f32 v19, v43;
	v5 =	vadd.f32 v22, v5  }
0x45: {  	v25 =	vld [tilespmem:s21+$0x8810];
	v0 =	vadd.f32 v2, v0  }
0x46: {  	v39 =	vld [tilespmem:s21+$0x820];
	v26 =	vmul.f32 v3, v3;
	v1 =	vadd.f32 v21, v42;
	v5 =	vadd.f32 v24, v5  }
0x47: {  	v27 =	vld [tilespmem:s21+$0x8820];
	v0 =	vadd.f32 v3, v0  }
0x48: {  	v38 =	vld [tilespmem:s21+$0x830];
	v28 =	vmul.f32 v1, v1;
	v4 =	vadd.f32 v23, v41;
	v5 =	vadd.f32 v26, v5  }
0x49: {  	v29 =	vld [tilespmem:s21+$0x8830];
	v0 =	vadd.f32 v1, v0  }
0x4a: {  	v37 =	vld [tilespmem:s21+$0x840];
	v30 =	vmul.f32 v4, v4;
	v2 =	vadd.f32 v25, v40;
	v5 =	vadd.f32 v28, v5  }
0x4b: {  	v31 =	vld [tilespmem:s21+$0x8840];
	v0 =	vadd.f32 v4, v0  }
0x4c: {  	v36 =	vld [tilespmem:s21+$0x850];
	v35 =	vmul.f32 v2, v2;
	v3 =	vadd.f32 v27, v39;
	v5 =	vadd.f32 v30, v5  }
0x4d: {  	v58 =	vld [tilespmem:s21+$0x8850];
	v0 =	vadd.f32 v2, v0  }
0x4e: {  	v60 =	vld [tilespmem:s21+$0x8860];
	v59 =	vmul.f32 v3, v3;
	v1 =	vadd.f32 v29, v38;
	v5 =	vadd.f32 v35, v5  }
0x4f: {  	v35 =	vld [tilespmem:s21+$0x860];
	v0 =	vadd.f32 v3, v0  }
0x50: {  	v34 =	vld [tilespmem:s21+$0x870];
	v61 =	vmul.f32 v1, v1;
	v4 =	vadd.f32 v31, v37;
	v5 =	vadd.f32 v59, v5  }
0x51: {  	v62 =	vld [tilespmem:s21+$0x8870];
	v0 =	vadd.f32 v1, v0  }
0x52: {  	v33 =	vld [tilespmem:s21+$0xC00];
	v63 =	vmul.f32 v4, v4;
	v2 =	vadd.f32 v58, v36;
	v5 =	vadd.f32 v61, v5  }
0x53: {  	v9 =	vld [tilespmem:s21+$0x8C00];
	v0 =	vadd.f32 v4, v0  }
0x54: {  	v32 =	vld [tilespmem:s21+$0xC10];
	v10 =	vmul.f32 v2, v2;
	v3 =	vadd.f32 v60, v35;
	v5 =	vadd.f32 v63, v5  }
0x55: {  	v11 =	vld [tilespmem:s21+$0x8C10];
	v0 =	vadd.f32 v2, v0  }
0x56: {  	v13 =	vld [tilespmem:s21+$0x8C20];
	v1 =	vadd.f32 v62, v34;
	v12 =	vmul.f32 v3, v3;
	v5 =	vadd.f32 v10, v5  }
0x57: {  	v31 =	vld [tilespmem:s21+$0xC20];
	v0 =	vadd.f32 v3, v0  }
0x58: {  	v15 =	vld [tilespmem:s21+$0x8C30];
	v14 =	vmul.f32 v1, v1;
	v4 =	vadd.f32 v9, v33;
	v5 =	vadd.f32 v12, v5  }
0x59: {  	v30 =	vld [tilespmem:s21+$0xC30];
	v0 =	vadd.f32 v1, v0  }
0x5a: {  	v17 =	vld [tilespmem:s21+$0x8C40];
	v16 =	vmul.f32 v4, v4;
	v2 =	vadd.f32 v11, v32;
	v5 =	vadd.f32 v14, v5  }
0x5b: {  	v29 =	vld [tilespmem:s21+$0xC40];
	v0 =	vadd.f32 v4, v0  }
0x5c: {  	v19 =	vld [tilespmem:s21+$0x8C50];
	v18 =	vmul.f32 v2, v2;
	v3 =	vadd.f32 v13, v31;
	v5 =	vadd.f32 v16, v5  }
0x5d: {  	v28 =	vld [tilespmem:s21+$0xC50];
	v0 =	vadd.f32 v2, v0  }
0x5e: {  	v21 =	vld [tilespmem:s21+$0x8C60];
	v20 =	vmul.f32 v3, v3;
	v1 =	vadd.f32 v15, v30;
	v5 =	vadd.f32 v18, v5  }
0x5f: {  	v27 =	vld [tilespmem:s21+$0xC60];
	v0 =	vadd.f32 v3, v0  }
0x60: {  	v23 =	vld [tilespmem:s21+$0x8C70];
	v22 =	vmul.f32 v1, v1;
	v4 =	vadd.f32 v17, v29;
	v5 =	vadd.f32 v20, v5  }
0x61: {  	v26 =	vld [tilespmem:s21+$0xC70];
	v0 =	vadd.f32 v1, v0  }
0x62: {  	v25 =	vld [tilespmem:s21+$0x1000];
	v58 =	vmul.f32 v4, v4;
	v2 =	vadd.f32 v19, v28;
	v5 =	vadd.f32 v22, v5  }
0x63: {  	v59 =	vld [tilespmem:s21+$0x9000];
	v0 =	vadd.f32 v4, v0  }
0x64: {  	v24 =	vld [tilespmem:s21+$0x1010];
	v60 =	vmul.f32 v2, v2;
	v3 =	vadd.f32 v21, v27;
	v5 =	vadd.f32 v58, v5  }
0x65: {  	v61 =	vld [tilespmem:s21+$0x9010];
	v0 =	vadd.f32 v2, v0  }
0x66: {  	v63 =	vld [tilespmem:s21+$0x9020];
	v62 =	vmul.f32 v3, v3;
	v1 =	vadd.f32 v23, v26;
	v5 =	vadd.f32 v60, v5  }
0x67: {  	v23 =	vld [tilespmem:s21+$0x1020];
	v0 =	vadd.f32 v3, v0  }
0x68: {  	v10 =	vld [tilespmem:s21+$0x9030];
	v9 =	vmul.f32 v1, v1;
	v4 =	vadd.f32 v59, v25;
	v5 =	vadd.f32 v62, v5  }
0x69: {  	v22 =	vld [tilespmem:s21+$0x1030];
	v0 =	vadd.f32 v1, v0  }
0x6a: {  	v12 =	vld [tilespmem:s21+$0x9040];
	v11 =	vmul.f32 v4, v4;
	v2 =	vadd.f32 v61, v24;
	v5 =	vadd.f32 v9, v5  }
0x6b: {  	v21 =	vld [tilespmem:s21+$0x1040];
	v0 =	vadd.f32 v4, v0  }
0x6c: {  	v14 =	vld [tilespmem:s21+$0x9050];
	v13 =	vmul.f32 v2, v2;
	v3 =	vadd.f32 v63, v23;
	v5 =	vadd.f32 v11, v5  }
0x6d: {  	v20 =	vld [tilespmem:s21+$0x1050];
	v0 =	vadd.f32 v2, v0  }
0x6e: {  	v19 =	vld [tilespmem:s21+$0x1060];
	v15 =	vmul.f32 v3, v3;
	v1 =	vadd.f32 v10, v22;
	v5 =	vadd.f32 v13, v5  }
0x6f: {  	v58 =	vld [tilespmem:s21+$0x9060];
	v0 =	vadd.f32 v3, v0  }
0x70: {  	v18 =	vld [tilespmem:s21+$0x1070];
	v59 =	vmul.f32 v1, v1;
	v4 =	vadd.f32 v12, v21;
	v5 =	vadd.f32 v15, v5  }
0x71: {  	v60 =	vld [tilespmem:s21+$0x9070];
	v0 =	vadd.f32 v1, v0  }
0x72: {  	v17 =	vld [tilespmem:s21+$0x1400];
	v61 =	vmul.f32 v4, v4;
	v2 =	vadd.f32 v14, v20;
	v5 =	vadd.f32 v59, v5  }
0x73: {  	v62 =	vld [tilespmem:s21+$0x9400];
	v0 =	vadd.f32 v4, v0  }
0x74: {  	v16 =	vld [tilespmem:s21+$0x1410];
	v63 =	vmul.f32 v2, v2;
	v3 =	vadd.f32 v58, v19;
	v5 =	vadd.f32 v61, v5  }
0x75: {  	v9 =	vld [tilespmem:s21+$0x9410];
	v0 =	vadd.f32 v2, v0  }
0x76: {  	v11 =	vld [tilespmem:s21+$0x9420];
	v10 =	vmul.f32 v3, v3;
	v1 =	vadd.f32 v60, v18;
	v5 =	vadd.f32 v63, v5  }
0x77: {  	v15 =	vld [tilespmem:s21+$0x1420];
	v0 =	vadd.f32 v3, v0  }
0x78: {  	v14 =	vld [tilespmem:s21+$0x1430];
	v58 =	vmul.f32 v1, v1;
	v4 =	vadd.f32 v62, v17;
	v5 =	vadd.f32 v10, v5  }
0x79: {  	v59 =	vld [tilespmem:s21+$0x9430];
	v0 =	vadd.f32 v1, v0  }
0x7a: {  	v13 =	vld [tilespmem:s21+$0x1440];
	v60 =	vmul.f32 v4, v4;
	v2 =	vadd.f32 v9, v16;
	v5 =	vadd.f32 v58, v5  }
0x7b: {  	v61 =	vld [tilespmem:s21+$0x9440];
	v0 =	vadd.f32 v4, v0  }
0x7c: {  	v12 =	vld [tilespmem:s21+$0x1450];
	v62 =	vmul.f32 v2, v2;
	v3 =	vadd.f32 v11, v15;
	v5 =	vadd.f32 v60, v5  }
0x7d: {  	v63 =	vld [tilespmem:s21+$0x9450];
	v0 =	vadd.f32 v2, v0  }
0x7e: {  	v11 =	vld [tilespmem:s21+$0x1460];
	v58 =	vmul.f32 v3, v3;
	v1 =	vadd.f32 v59, v14;
	v5 =	vadd.f32 v62, v5  }
0x7f: {  	v59 =	vld [tilespmem:s21+$0x9460];
	v0 =	vadd.f32 v3, v0  }
0x80: {  	v8 =	vld [tilespmem:s21+$0x1470];
	v60 =	vmul.f32 v1, v1;
	v4 =	vadd.f32 v61, v13;
	v5 =	vadd.f32 v58, v5  }
0x81: {  	v61 =	vld [tilespmem:s21+$0x9470];
	v0 =	vadd.f32 v1, v0  }
0x82: {  	v7 =	vld [tilespmem:s21+$0x1800];
	v62 =	vmul.f32 v4, v4;
	v2 =	vadd.f32 v63, v12;
	v5 =	vadd.f32 v60, v5  }
0x83: {  	v63 =	vld [tilespmem:s21+$0x9800];
	v0 =	vadd.f32 v4, v0  }
0x84: {  	v6 =	vld [tilespmem:s21+$0x1810];
	v9 =	vmul.f32 v2, v2;
	v3 =	vadd.f32 v59, v11;
	v5 =	vadd.f32 v62, v5  }
0x85: {  	v60 =	vld [tilespmem:s21+$0x9810];
	v0 =	vadd.f32 v2, v0  }
0x86: {  	v58 =	vld [tilespmem:s21+$0x9820];
	v10 =	vmul.f32 v3, v3;
	v1 =	vadd.f32 v61, v8;
	v9 =	vadd.f32 v9, v5  }
0x87: {  	v5 =	vld [tilespmem:s21+$0x1820];
	v0 =	vadd.f32 v3, v0  }
0x88: {  	v62 =	vmul.f32 v1, v1;
	v4 =	vld [tilespmem:s21+$0x1830];
	v61 =	vadd.f32 v10, v9;
	v10 =	vadd.f32 v63, v7  }
0x89: {  	v0 =	vadd.f32 v1, v0;
	v1 =	vld [tilespmem:s21+$0x9830]  }
0x8a: {  	v60 =	vadd.f32 v60, v6;
	v3 =	vld [tilespmem:s21+$0x1840];
	v9 =	vadd.f32 v62, v61;
	v59 =	vmul.f32 v10, v10  }
0x8b: {  	v0 =	vadd.f32 v10, v0;
	v10 =	vld [tilespmem:s21+$0x9840]  }
0x8c: {  	v2 =	vld [tilespmem:s21+$0x1850];
	v58 =	vadd.f32 v58, v5;
	v9 =	vadd.f32 v59, v9;
	v59 =	vmul.f32 v60, v60  }
0x8d: {  	v62 =	vadd.f32 v60, v0;
	v60 =	vld [tilespmem:s21+$0x9850]  }
0x8e: {  	s31 =	sand.u32 $0x7, s17;
	v9 =	vadd.f32 v59, v9;
	v59 =	vmul.f32 v58, v58;
	v0 =	vld [tilespmem:s21+$0x1860];
	v61 =	vadd.f32 v1, v4  }
0x8f: {  	s22 =	sshll.u32 s31, $0x7;
	v58 =	vadd.f32 v58, v62;
	v62 =	vld [tilespmem:s21+$0x9860]  }
0x90: {  	s22 =	sadd.s32 s22, s19;
	v1 =	vld [tilespmem:s21+$0x1870];
	v9 =	vadd.f32 v59, v9;
	v59 =	vmul.f32 v61, v61;
	v10 =	vadd.f32 v10, v3  }
0x91: {  	s30 =	sor.u32 $0x1C00, s22;
	v58 =	vadd.f32 v61, v58;
	v61 =	vld [tilespmem:s21+$0x9870]  }
0x92: {  	v63 =	vld [tilespmem:s30+$0x0];
	v9 =	vadd.f32 v59, v9;
	v59 =	vmul.f32 v10, v10;
	v60 =	vadd.f32 v60, v2  }
0x93: {  	s29 =	sor.u32 $0x1C10, s22;
	v10 =	vadd.f32 v10, v58;
	v58 =	vld [tilespmem:s30+$0x8000]  }
0x94: {  	[tilespmem:$0x1FFE0] =	vst v0;
	v9 =	vadd.f32 v59, v9;
	v59 =	vmul.f32 v60, v60;
	v62 =	vadd.f32 v62, v0;
	v0 =	vld [tilespmem:s29+$0x0]  }
0x95: {  	s28 =	sor.u32 $0x1C20, s22;
	v10 =	vadd.f32 v60, v10;
	v60 =	vld [tilespmem:s29+$0x8000]  }
0x96: {  	[tilespmem:$0x1FFF0] =	vst v1;
	v9 =	vadd.f32 v59, v9;
	v59 =	vadd.f32 v61, v1;
	v61 =	vmul.f32 v62, v62;
	v1 =	vld [tilespmem:s28+$0x0]  }
0x97: {  	s26 =	sor.u32 $0x1C30, s22;
	v10 =	vadd.f32 v62, v10;
	v62 =	vld [tilespmem:s28+$0x8000]  }
0x98: {  	v9 =	vadd.f32 v61, v9;
	v58 =	vadd.f32 v58, v63;
	v61 =	vmul.f32 v59, v59;
	v63 =	vld [tilespmem:s26+$0x0]  }
0x99: {  	s25 =	sor.u32 $0x1C40, s22;
	v10 =	vadd.f32 v59, v10;
	v59 =	vld [tilespmem:s26+$0x8000]  }
0x9a: {  	v9 =	vadd.f32 v61, v9;
	v0 =	vadd.f32 v60, v0;
	v60 =	vmul.f32 v58, v58;
	v61 =	vld [tilespmem:s25+$0x0]  }
0x9b: {  	s24 =	sor.u32 $0x1C50, s22;
	v10 =	vadd.f32 v58, v10;
	v58 =	vld [tilespmem:s25+$0x8000]  }
0x9c: {  	v9 =	vadd.f32 v60, v9;
	v1 =	vadd.f32 v62, v1;
	v60 =	vmul.f32 v0, v0;
	v62 =	vld [tilespmem:s24+$0x0]  }
0x9d: {  	s23 =	sor.u32 $0x1C60, s22;
	v0 =	vadd.f32 v0, v10;
	v10 =	vld [tilespmem:s24+$0x8000]  }
0x9e: {  	v9 =	vadd.f32 v60, v9;
	v59 =	vadd.f32 v59, v63;
	v60 =	vmul.f32 v1, v1;
	v63 =	vld [tilespmem:s23+$0x0]  }
0x9f: {  	s22 =	sor.u32 $0x1C70, s22;
	v0 =	vadd.f32 v1, v0;
	v1 =	vld [tilespmem:s23+$0x8000]  }
0xa0: {  	v9 =	vadd.f32 v60, v9;
	v58 =	vadd.f32 v58, v61;
	v60 =	vmul.f32 v59, v59;
	v61 =	vld [tilespmem:s22+$0x0]  }
0xa1: {  	v0 =	vadd.f32 v59, v0;
	v59 =	vld [tilespmem:s22+$0x8000]  }
0xa2: {  	v9 =	vadd.f32 v60, v9;
	v10 =	vadd.f32 v10, v62;
	v60 =	vmul.f32 v58, v58  }
0xa3: {  	v0 =	vadd.f32 v58, v0  }
0xa4: {  	v9 =	vadd.f32 v60, v9;
	v1 =	vadd.f32 v1, v63;
	v63 =	vmul.f32 v10, v10  }
0xa5: {  	v0 =	vadd.f32 v10, v0  }
0xa6: {  	v9 =	vadd.f32 v63, v9;
	v60 =	vadd.f32 v59, v61;
	v61 =	vmul.f32 v1, v1  }
0xa7: {  	v0 =	vadd.f32 v1, v0  }
0xa8: {  	v62 =	vadd.f32 v61, v9;
	v63 =	vmul.f32 v60, v60  }
0xa9: {  	v0 =	vadd.f32 v60, v0  }
0xaa: {  	v1 =	vadd.f32 v63, v62  }
0xab: {  	(xrf2) =	vadd.scan.msk.f32 $0xffff, v0  }
0xac: {  	(xrf2) =	vadd.scan.msk.f32 $0xffff, v1;
	_ =	sdelay $0x8  }
0xad: {  	v0, _, _ =	vpop (xrf2)  }
0xae: {  	(v2sf) =	vpush v0, $0xF;
	v9, _, _ =	vpop (xrf2)  }
0xaf: {  	(v2sf) =	vpush v9, $0xF;
	_ =	sdelay $0xd  }
0xb0: {  	s31 =	spop (v2sf)  }
0xb1: {  	s1 =	spop (v2sf);
	s31 =	smul.f32 $9.765625000e-04, s31  }
0xb2: {  	s1 =	smul.f32 $9.765625000e-04, s1  }
0xb3: {  	s2 =	smul.f32 s31, s31;
	_ =	sdelay $0x1  }
0xb4: {  	s1 =	ssub.f32 s1, s2;
	_ =	sdelay $0x1  }
0xb5: {  	v10 =	vmov s1  }
0xb6: {  	v0 =	vadd.f32 $9.999999960e-13, v10;
	_ =	sdelay $0x1  }
0xb7: {  	v0 =	vbroadcast v0, $0x0;
	_ =	sdelay $0x1  }
0xb8: {  	v58 =	vshrl.u32 v0, $0x1;
	v0 =	vmul.f32 $5.000000000e-01, v0  }
0xb9: {  	v1 =	vsub.s32 $0x5F3759DF, v58  }
0xba: {  	v59 =	vmul.f32 v1, v0;
	_ =	sdelay $0x1  }
0xbb: {  	v9 =	vmul.f32 v1, v59;
	_ =	sdelay $0x1  }
0xbc: {  	v9 =	vsub.f32 $1.500000000e+00, v9;
	_ =	sdelay $0x1  }
0xbd: {  	v1 =	vmul.f32 v1, v9;
	_ =	sdelay $0x1  }
0xbe: {  	v9 =	vmul.f32 v1, v0;
	_ =	sdelay $0x1  }
0xbf: {  	v9 =	vmul.f32 v9, v1;
	_ =	sdelay $0x1  }
0xc0: {  	v9 =	vsub.f32 $1.500000000e+00, v9;
	_ =	sdelay $0x1  }
0xc1: {  	v1 =	vmul.f32 v9, v1;
	_ =	sdelay $0x1  }
0xc2: {  	v0 =	vmul.f32 v1, v0;
	_ =	sdelay $0x1  }
0xc3: {  	v0 =	vmul.f32 v0, v1;
	_ =	sdelay $0x1  }
0xc4: {  	v0 =	vsub.f32 $1.500000000e+00, v0  }
0xc5: {  	v60 =	vld [tilespmem:$0x10000];
	v9 =	vmov s31  }
0xc6: {  	v61 =	vsub.f32 v57, v9;
	v10 =	vmul.f32 v0, v1  }
0xc7: {  	v62 =	vld [tilespmem:$0x10400]  }
0xc8: {  	v0 =	vmul.f32 v10, v61  }
0xc9: {  	v63 =	vld [tilespmem:s21+$0x8010]  }
0xca: {  	v0 =	vmul.f32 v0, v60;
	_ =	sdelay $0x1  }
0xcb: {  	v0 =	vadd.f32 v0, v62;
	_ =	sdelay $0x1  }
0xcc: {  	v60 =	vadd.f32 v63, v56;
	[tilespmem:s21+$0x0] =	vst v0  }
0xcd: {  	v61 =	vld [tilespmem:$0x10010]  }
0xce: {  	v0 =	vsub.f32 v60, v9  }
0xcf: {  	v62 =	vld [tilespmem:$0x10410]  }
0xd0: {  	v0 =	vmul.f32 v10, v0  }
0xd1: {  	v63 =	vld [tilespmem:s21+$0x8020]  }
0xd2: {  	v0 =	vmul.f32 v0, v61;
	_ =	sdelay $0x1  }
0xd3: {  	v0 =	vadd.f32 v0, v62;
	_ =	sdelay $0x1  }
0xd4: {  	v60 =	vadd.f32 v63, v55;
	[tilespmem:s21+$0x10] =	vst v0  }
0xd5: {  	v61 =	vld [tilespmem:$0x10020]  }
0xd6: {  	v0 =	vsub.f32 v60, v9  }
0xd7: {  	v62 =	vld [tilespmem:$0x10420]  }
0xd8: {  	v0 =	vmul.f32 v10, v0  }
0xd9: {  	v63 =	vld [tilespmem:s21+$0x8030]  }
0xda: {  	v0 =	vmul.f32 v0, v61;
	_ =	sdelay $0x1  }
0xdb: {  	v0 =	vadd.f32 v0, v62;
	_ =	sdelay $0x1  }
0xdc: {  	v60 =	vadd.f32 v63, v54;
	[tilespmem:s21+$0x20] =	vst v0  }
0xdd: {  	v61 =	vld [tilespmem:$0x10030]  }
0xde: {  	v0 =	vsub.f32 v60, v9  }
0xdf: {  	v62 =	vld [tilespmem:$0x10430]  }
0xe0: {  	v0 =	vmul.f32 v10, v0  }
0xe1: {  	v63 =	vld [tilespmem:s21+$0x8040]  }
0xe2: {  	v0 =	vmul.f32 v0, v61;
	_ =	sdelay $0x1  }
0xe3: {  	v0 =	vadd.f32 v0, v62;
	_ =	sdelay $0x1  }
0xe4: {  	v56 =	vadd.f32 v63, v53;
	[tilespmem:s21+$0x30] =	vst v0  }
0xe5: {  	v57 =	vld [tilespmem:$0x10040]  }
0xe6: {  	v0 =	vsub.f32 v56, v9  }
0xe7: {  	v58 =	vld [tilespmem:$0x10440]  }
0xe8: {  	v0 =	vmul.f32 v10, v0  }
0xe9: {  	v59 =	vld [tilespmem:s21+$0x8050]  }
0xea: {  	v0 =	vmul.f32 v0, v57;
	_ =	sdelay $0x1  }
0xeb: {  	v0 =	vadd.f32 v0, v58;
	_ =	sdelay $0x1  }
0xec: {  	v60 =	vadd.f32 v59, v52;
	[tilespmem:s21+$0x40] =	vst v0  }
0xed: {  	v61 =	vld [tilespmem:$0x10050]  }
0xee: {  	v0 =	vsub.f32 v60, v9  }
0xef: {  	v62 =	vld [tilespmem:$0x10450]  }
0xf0: {  	v0 =	vmul.f32 v10, v0  }
0xf1: {  	v63 =	vld [tilespmem:s21+$0x8060]  }
0xf2: {  	v0 =	vmul.f32 v0, v61;
	_ =	sdelay $0x1  }
0xf3: {  	v0 =	vadd.f32 v0, v62;
	_ =	sdelay $0x1  }
0xf4: {  	v56 =	vadd.f32 v63, v51;
	[tilespmem:s21+$0x50] =	vst v0  }
0xf5: {  	v57 =	vld [tilespmem:$0x10060]  }
0xf6: {  	v0 =	vsub.f32 v56, v9  }
0xf7: {  	v58 =	vld [tilespmem:$0x10460]  }
0xf8: {  	v0 =	vmul.f32 v10, v0  }
0xf9: {  	v59 =	vld [tilespmem:s21+$0x8070]  }
0xfa: {  	v0 =	vmul.f32 v0, v57;
	_ =	sdelay $0x1  }
0xfb: {  	v0 =	vadd.f32 v0, v58;
	_ =	sdelay $0x1  }
0xfc: {  	v60 =	vadd.f32 v59, v50;
	[tilespmem:s21+$0x60] =	vst v0  }
0xfd: {  	v61 =	vld [tilespmem:$0x10070]  }
0xfe: {  	v0 =	vsub.f32 v60, v9  }
0xff: {  	v62 =	vld [tilespmem:$0x10470]  }
0x100: {  	v0 =	vmul.f32 v0, v10  }
0x101: {  	v63 =	vld [tilespmem:s21+$0x8400]  }
0x102: {  	v0 =	vmul.f32 v0, v61;
	_ =	sdelay $0x1  }
0x103: {  	v0 =	vadd.f32 v0, v62;
	_ =	sdelay $0x1  }
0x104: {  	v52 =	vadd.f32 v63, v49;
	[tilespmem:s21+$0x70] =	vst v0  }
0x105: {  	v53 =	vld [tilespmem:$0x10080]  }
0x106: {  	v0 =	vsub.f32 v52, v9  }
0x107: {  	v54 =	vld [tilespmem:$0x10480]  }
0x108: {  	v0 =	vmul.f32 v0, v10  }
0x109: {  	v55 =	vld [tilespmem:s21+$0x8410]  }
0x10a: {  	v0 =	vmul.f32 v0, v53;
	_ =	sdelay $0x1  }
0x10b: {  	v0 =	vadd.f32 v0, v54;
	_ =	sdelay $0x1  }
0x10c: {  	v56 =	vadd.f32 v55, v48;
	[tilespmem:s21+$0x400] =	vst v0  }
0x10d: {  	v57 =	vld [tilespmem:$0x10090]  }
0x10e: {  	v0 =	vsub.f32 v56, v9  }
0x10f: {  	v58 =	vld [tilespmem:$0x10490]  }
0x110: {  	v0 =	vmul.f32 v0, v10  }
0x111: {  	v59 =	vld [tilespmem:s21+$0x8420]  }
0x112: {  	v0 =	vmul.f32 v0, v57;
	_ =	sdelay $0x1  }
0x113: {  	v0 =	vadd.f32 v0, v58;
	_ =	sdelay $0x1  }
0x114: {  	v60 =	vadd.f32 v59, v47;
	[tilespmem:s21+$0x410] =	vst v0  }
0x115: {  	v61 =	vld [tilespmem:$0x100A0]  }
0x116: {  	v0 =	vsub.f32 v60, v9  }
0x117: {  	v62 =	vld [tilespmem:$0x104A0]  }
0x118: {  	v0 =	vmul.f32 v0, v10  }
0x119: {  	v63 =	vld [tilespmem:s21+$0x8430]  }
0x11a: {  	v0 =	vmul.f32 v0, v61;
	_ =	sdelay $0x1  }
0x11b: {  	v0 =	vadd.f32 v0, v62;
	_ =	sdelay $0x1  }
0x11c: {  	v49 =	vadd.f32 v63, v46;
	[tilespmem:s21+$0x420] =	vst v0  }
0x11d: {  	v50 =	vld [tilespmem:$0x100B0]  }
0x11e: {  	v0 =	vsub.f32 v49, v9  }
0x11f: {  	v51 =	vld [tilespmem:$0x104B0]  }
0x120: {  	v0 =	vmul.f32 v0, v10  }
0x121: {  	v52 =	vld [tilespmem:s21+$0x8440]  }
0x122: {  	v0 =	vmul.f32 v0, v50;
	_ =	sdelay $0x1  }
0x123: {  	v0 =	vadd.f32 v0, v51;
	_ =	sdelay $0x1  }
0x124: {  	v53 =	vadd.f32 v52, v45;
	[tilespmem:s21+$0x430] =	vst v0  }
0x125: {  	v54 =	vld [tilespmem:$0x100C0]  }
0x126: {  	v0 =	vsub.f32 v53, v9  }
0x127: {  	v55 =	vld [tilespmem:$0x104C0]  }
0x128: {  	v0 =	vmul.f32 v0, v10  }
0x129: {  	v56 =	vld [tilespmem:s21+$0x8450]  }
0x12a: {  	v0 =	vmul.f32 v0, v54;
	_ =	sdelay $0x1  }
0x12b: {  	v0 =	vadd.f32 v0, v55;
	_ =	sdelay $0x1  }
0x12c: {  	v57 =	vadd.f32 v56, v44;
	[tilespmem:s21+$0x440] =	vst v0  }
0x12d: {  	v58 =	vld [tilespmem:$0x100D0]  }
0x12e: {  	v0 =	vsub.f32 v57, v9  }
0x12f: {  	v59 =	vld [tilespmem:$0x104D0]  }
0x130: {  	v0 =	vmul.f32 v0, v10  }
0x131: {  	v60 =	vld [tilespmem:s21+$0x8460]  }
0x132: {  	v0 =	vmul.f32 v0, v58;
	_ =	sdelay $0x1  }
0x133: {  	v0 =	vadd.f32 v0, v59;
	_ =	sdelay $0x1  }
0x134: {  	v61 =	vadd.f32 v60, v43;
	[tilespmem:s21+$0x450] =	vst v0  }
0x135: {  	v62 =	vld [tilespmem:$0x100E0]  }
0x136: {  	v0 =	vsub.f32 v61, v9  }
0x137: {  	v63 =	vld [tilespmem:$0x104E0]  }
0x138: {  	v0 =	vmul.f32 v0, v10  }
0x139: {  	v48 =	vld [tilespmem:s21+$0x8470]  }
0x13a: {  	v0 =	vmul.f32 v0, v62;
	_ =	sdelay $0x1  }
0x13b: {  	v0 =	vadd.f32 v0, v63;
	_ =	sdelay $0x1  }
0x13c: {  	v49 =	vadd.f32 v48, v42;
	[tilespmem:s21+$0x460] =	vst v0  }
0x13d: {  	v50 =	vld [tilespmem:$0x100F0]  }
0x13e: {  	v0 =	vsub.f32 v49, v9  }
0x13f: {  	v51 =	vld [tilespmem:$0x104F0]  }
0x140: {  	v0 =	vmul.f32 v0, v10  }
0x141: {  	v52 =	vld [tilespmem:s21+$0x8800]  }
0x142: {  	v0 =	vmul.f32 v0, v50;
	_ =	sdelay $0x1  }
0x143: {  	v0 =	vadd.f32 v0, v51;
	_ =	sdelay $0x1  }
0x144: {  	v53 =	vadd.f32 v52, v41;
	[tilespmem:s21+$0x470] =	vst v0  }
0x145: {  	v54 =	vld [tilespmem:$0x10100]  }
0x146: {  	v0 =	vsub.f32 v53, v9  }
0x147: {  	v55 =	vld [tilespmem:$0x10500]  }
0x148: {  	v0 =	vmul.f32 v0, v10  }
0x149: {  	v56 =	vld [tilespmem:s21+$0x8810]  }
0x14a: {  	v0 =	vmul.f32 v0, v54;
	_ =	sdelay $0x1  }
0x14b: {  	v0 =	vadd.f32 v0, v55;
	_ =	sdelay $0x1  }
0x14c: {  	v57 =	vadd.f32 v56, v40;
	[tilespmem:s21+$0x800] =	vst v0  }
0x14d: {  	v58 =	vld [tilespmem:$0x10110]  }
0x14e: {  	v0 =	vsub.f32 v57, v9  }
0x14f: {  	v59 =	vld [tilespmem:$0x10510]  }
0x150: {  	v0 =	vmul.f32 v0, v10  }
0x151: {  	v60 =	vld [tilespmem:s21+$0x8820]  }
0x152: {  	v0 =	vmul.f32 v0, v58;
	_ =	sdelay $0x1  }
0x153: {  	v0 =	vadd.f32 v0, v59;
	_ =	sdelay $0x1  }
0x154: {  	v61 =	vadd.f32 v60, v39;
	[tilespmem:s21+$0x810] =	vst v0  }
0x155: {  	v62 =	vld [tilespmem:$0x10120]  }
0x156: {  	v0 =	vsub.f32 v61, v9  }
0x157: {  	v63 =	vld [tilespmem:$0x10520]  }
0x158: {  	v0 =	vmul.f32 v0, v10  }
0x159: {  	v44 =	vld [tilespmem:s21+$0x8830]  }
0x15a: {  	v0 =	vmul.f32 v0, v62;
	_ =	sdelay $0x1  }
0x15b: {  	v0 =	vadd.f32 v0, v63;
	_ =	sdelay $0x1  }
0x15c: {  	v45 =	vadd.f32 v44, v38;
	[tilespmem:s21+$0x820] =	vst v0  }
0x15d: {  	v46 =	vld [tilespmem:$0x10130]  }
0x15e: {  	v0 =	vsub.f32 v45, v9  }
0x15f: {  	v47 =	vld [tilespmem:$0x10530]  }
0x160: {  	v0 =	vmul.f32 v0, v10  }
0x161: {  	v48 =	vld [tilespmem:s21+$0x8840]  }
0x162: {  	v0 =	vmul.f32 v0, v46;
	_ =	sdelay $0x1  }
0x163: {  	v0 =	vadd.f32 v0, v47;
	_ =	sdelay $0x1  }
0x164: {  	v49 =	vadd.f32 v48, v37;
	[tilespmem:s21+$0x830] =	vst v0  }
0x165: {  	v50 =	vld [tilespmem:$0x10140]  }
0x166: {  	v0 =	vsub.f32 v49, v9  }
0x167: {  	v51 =	vld [tilespmem:$0x10540]  }
0x168: {  	v0 =	vmul.f32 v0, v10  }
0x169: {  	v52 =	vld [tilespmem:s21+$0x8850]  }
0x16a: {  	v0 =	vmul.f32 v0, v50;
	_ =	sdelay $0x1  }
0x16b: {  	v0 =	vadd.f32 v0, v51;
	_ =	sdelay $0x1  }
0x16c: {  	v53 =	vadd.f32 v52, v36;
	[tilespmem:s21+$0x840] =	vst v0  }
0x16d: {  	v54 =	vld [tilespmem:$0x10150]  }
0x16e: {  	v0 =	vsub.f32 v53, v9  }
0x16f: {  	v55 =	vld [tilespmem:$0x10550]  }
0x170: {  	v0 =	vmul.f32 v0, v10  }
0x171: {  	v56 =	vld [tilespmem:s21+$0x8860]  }
0x172: {  	v0 =	vmul.f32 v0, v54;
	_ =	sdelay $0x1  }
0x173: {  	v0 =	vadd.f32 v0, v55;
	_ =	sdelay $0x1  }
0x174: {  	v57 =	vadd.f32 v56, v35;
	[tilespmem:s21+$0x850] =	vst v0  }
0x175: {  	v58 =	vld [tilespmem:$0x10160]  }
0x176: {  	v0 =	vsub.f32 v57, v9  }
0x177: {  	v59 =	vld [tilespmem:$0x10560]  }
0x178: {  	v0 =	vmul.f32 v0, v10  }
0x179: {  	v60 =	vld [tilespmem:s21+$0x8870]  }
0x17a: {  	v0 =	vmul.f32 v0, v58;
	_ =	sdelay $0x1  }
0x17b: {  	v0 =	vadd.f32 v0, v59;
	_ =	sdelay $0x1  }
0x17c: {  	v61 =	vadd.f32 v60, v34;
	[tilespmem:s21+$0x860] =	vst v0  }
0x17d: {  	v62 =	vld [tilespmem:$0x10170]  }
0x17e: {  	v0 =	vsub.f32 v61, v9  }
0x17f: {  	v63 =	vld [tilespmem:$0x10570]  }
0x180: {  	v0 =	vmul.f32 v0, v10  }
0x181: {  	v36 =	vld [tilespmem:s21+$0x8C00]  }
0x182: {  	v0 =	vmul.f32 v0, v62;
	_ =	sdelay $0x1  }
0x183: {  	v0 =	vadd.f32 v0, v63;
	_ =	sdelay $0x1  }
0x184: {  	v37 =	vadd.f32 v36, v33;
	[tilespmem:s21+$0x870] =	vst v0  }
0x185: {  	v38 =	vld [tilespmem:$0x10180]  }
0x186: {  	v0 =	vsub.f32 v37, v9  }
0x187: {  	v39 =	vld [tilespmem:$0x10580]  }
0x188: {  	v0 =	vmul.f32 v0, v10  }
0x189: {  	v40 =	vld [tilespmem:s21+$0x8C10]  }
0x18a: {  	v0 =	vmul.f32 v0, v38;
	_ =	sdelay $0x1  }
0x18b: {  	v0 =	vadd.f32 v0, v39;
	_ =	sdelay $0x1  }
0x18c: {  	v41 =	vadd.f32 v40, v32;
	[tilespmem:s21+$0xC00] =	vst v0  }
0x18d: {  	v42 =	vld [tilespmem:$0x10190]  }
0x18e: {  	v0 =	vsub.f32 v41, v9  }
0x18f: {  	v43 =	vld [tilespmem:$0x10590]  }
0x190: {  	v0 =	vmul.f32 v0, v10  }
0x191: {  	v44 =	vld [tilespmem:s21+$0x8C20]  }
0x192: {  	v0 =	vmul.f32 v0, v42;
	_ =	sdelay $0x1  }
0x193: {  	v0 =	vadd.f32 v0, v43;
	_ =	sdelay $0x1  }
0x194: {  	v45 =	vadd.f32 v44, v31;
	[tilespmem:s21+$0xC10] =	vst v0  }
0x195: {  	v46 =	vld [tilespmem:$0x101A0]  }
0x196: {  	v0 =	vsub.f32 v45, v9  }
0x197: {  	v47 =	vld [tilespmem:$0x105A0]  }
0x198: {  	v0 =	vmul.f32 v0, v10  }
0x199: {  	v48 =	vld [tilespmem:s21+$0x8C30]  }
0x19a: {  	v0 =	vmul.f32 v0, v46;
	_ =	sdelay $0x1  }
0x19b: {  	v0 =	vadd.f32 v0, v47;
	_ =	sdelay $0x1  }
0x19c: {  	v49 =	vadd.f32 v48, v30;
	[tilespmem:s21+$0xC20] =	vst v0  }
0x19d: {  	v50 =	vld [tilespmem:$0x101B0]  }
0x19e: {  	v0 =	vsub.f32 v49, v9  }
0x19f: {  	v51 =	vld [tilespmem:$0x105B0]  }
0x1a0: {  	v0 =	vmul.f32 v0, v10  }
0x1a1: {  	v52 =	vld [tilespmem:s21+$0x8C40]  }
0x1a2: {  	v0 =	vmul.f32 v0, v50;
	_ =	sdelay $0x1  }
0x1a3: {  	v0 =	vadd.f32 v0, v51;
	_ =	sdelay $0x1  }
0x1a4: {  	v53 =	vadd.f32 v52, v29;
	[tilespmem:s21+$0xC30] =	vst v0  }
0x1a5: {  	v54 =	vld [tilespmem:$0x101C0]  }
0x1a6: {  	v0 =	vsub.f32 v53, v9  }
0x1a7: {  	v55 =	vld [tilespmem:$0x105C0]  }
0x1a8: {  	v0 =	vmul.f32 v0, v10  }
0x1a9: {  	v56 =	vld [tilespmem:s21+$0x8C50]  }
0x1aa: {  	v0 =	vmul.f32 v0, v54;
	_ =	sdelay $0x1  }
0x1ab: {  	v0 =	vadd.f32 v0, v55;
	_ =	sdelay $0x1  }
0x1ac: {  	v57 =	vadd.f32 v56, v28;
	[tilespmem:s21+$0xC40] =	vst v0  }
0x1ad: {  	v58 =	vld [tilespmem:$0x101D0]  }
0x1ae: {  	v0 =	vsub.f32 v57, v9  }
0x1af: {  	v59 =	vld [tilespmem:$0x105D0]  }
0x1b0: {  	v0 =	vmul.f32 v0, v10  }
0x1b1: {  	v60 =	vld [tilespmem:s21+$0x8C60]  }
0x1b2: {  	v0 =	vmul.f32 v0, v58;
	_ =	sdelay $0x1  }
0x1b3: {  	v0 =	vadd.f32 v0, v59;
	_ =	sdelay $0x1  }
0x1b4: {  	v61 =	vadd.f32 v60, v27;
	[tilespmem:s21+$0xC50] =	vst v0  }
0x1b5: {  	v62 =	vld [tilespmem:$0x101E0]  }
0x1b6: {  	v0 =	vsub.f32 v61, v9  }
0x1b7: {  	v63 =	vld [tilespmem:$0x105E0]  }
0x1b8: {  	v0 =	vmul.f32 v0, v10  }
0x1b9: {  	v32 =	vld [tilespmem:s21+$0x8C70]  }
0x1ba: {  	v0 =	vmul.f32 v0, v62;
	_ =	sdelay $0x1  }
0x1bb: {  	v0 =	vadd.f32 v0, v63;
	_ =	sdelay $0x1  }
0x1bc: {  	v33 =	vadd.f32 v32, v26;
	[tilespmem:s21+$0xC60] =	vst v0  }
0x1bd: {  	v34 =	vld [tilespmem:$0x101F0]  }
0x1be: {  	v0 =	vsub.f32 v33, v9  }
0x1bf: {  	v35 =	vld [tilespmem:$0x105F0]  }
0x1c0: {  	v0 =	vmul.f32 v0, v10  }
0x1c1: {  	v36 =	vld [tilespmem:s21+$0x9000]  }
0x1c2: {  	v0 =	vmul.f32 v0, v34;
	_ =	sdelay $0x1  }
0x1c3: {  	v0 =	vadd.f32 v0, v35;
	_ =	sdelay $0x1  }
0x1c4: {  	v37 =	vadd.f32 v36, v25;
	[tilespmem:s21+$0xC70] =	vst v0  }
0x1c5: {  	v38 =	vld [tilespmem:$0x10200]  }
0x1c6: {  	v0 =	vsub.f32 v37, v9  }
0x1c7: {  	v39 =	vld [tilespmem:$0x10600]  }
0x1c8: {  	v0 =	vmul.f32 v0, v10  }
0x1c9: {  	v40 =	vld [tilespmem:s21+$0x9010]  }
0x1ca: {  	v0 =	vmul.f32 v0, v38;
	_ =	sdelay $0x1  }
0x1cb: {  	v0 =	vadd.f32 v0, v39;
	_ =	sdelay $0x1  }
0x1cc: {  	v41 =	vadd.f32 v40, v24;
	[tilespmem:s21+$0x1000] =	vst v0  }
0x1cd: {  	v42 =	vld [tilespmem:$0x10210]  }
0x1ce: {  	v0 =	vsub.f32 v41, v9  }
0x1cf: {  	v43 =	vld [tilespmem:$0x10610]  }
0x1d0: {  	v0 =	vmul.f32 v0, v10  }
0x1d1: {  	v44 =	vld [tilespmem:s21+$0x9020]  }
0x1d2: {  	v0 =	vmul.f32 v0, v42;
	_ =	sdelay $0x1  }
0x1d3: {  	v0 =	vadd.f32 v0, v43;
	_ =	sdelay $0x1  }
0x1d4: {  	v45 =	vadd.f32 v44, v23;
	[tilespmem:s21+$0x1010] =	vst v0  }
0x1d5: {  	v46 =	vld [tilespmem:$0x10220]  }
0x1d6: {  	v0 =	vsub.f32 v45, v9  }
0x1d7: {  	v47 =	vld [tilespmem:$0x10620]  }
0x1d8: {  	v0 =	vmul.f32 v0, v10  }
0x1d9: {  	v48 =	vld [tilespmem:s21+$0x9030]  }
0x1da: {  	v0 =	vmul.f32 v0, v46;
	_ =	sdelay $0x1  }
0x1db: {  	v0 =	vadd.f32 v0, v47;
	_ =	sdelay $0x1  }
0x1dc: {  	v49 =	vadd.f32 v48, v22;
	[tilespmem:s21+$0x1020] =	vst v0  }
0x1dd: {  	v50 =	vld [tilespmem:$0x10230]  }
0x1de: {  	v0 =	vsub.f32 v49, v9  }
0x1df: {  	v51 =	vld [tilespmem:$0x10630]  }
0x1e0: {  	v0 =	vmul.f32 v0, v10  }
0x1e1: {  	v52 =	vld [tilespmem:s21+$0x9040]  }
0x1e2: {  	v0 =	vmul.f32 v0, v50;
	_ =	sdelay $0x1  }
0x1e3: {  	v0 =	vadd.f32 v0, v51;
	_ =	sdelay $0x1  }
0x1e4: {  	v53 =	vadd.f32 v52, v21;
	[tilespmem:s21+$0x1030] =	vst v0  }
0x1e5: {  	v54 =	vld [tilespmem:$0x10240]  }
0x1e6: {  	v0 =	vsub.f32 v53, v9  }
0x1e7: {  	v55 =	vld [tilespmem:$0x10640]  }
0x1e8: {  	v0 =	vmul.f32 v0, v10  }
0x1e9: {  	v56 =	vld [tilespmem:s21+$0x9050]  }
0x1ea: {  	v0 =	vmul.f32 v0, v54;
	_ =	sdelay $0x1  }
0x1eb: {  	v0 =	vadd.f32 v0, v55;
	_ =	sdelay $0x1  }
0x1ec: {  	v57 =	vadd.f32 v56, v20;
	[tilespmem:s21+$0x1040] =	vst v0  }
0x1ed: {  	v58 =	vld [tilespmem:$0x10250]  }
0x1ee: {  	v0 =	vsub.f32 v57, v9  }
0x1ef: {  	v59 =	vld [tilespmem:$0x10650]  }
0x1f0: {  	v0 =	vmul.f32 v0, v10  }
0x1f1: {  	v60 =	vld [tilespmem:s21+$0x9060]  }
0x1f2: {  	v0 =	vmul.f32 v0, v58;
	_ =	sdelay $0x1  }
0x1f3: {  	v0 =	vadd.f32 v0, v59;
	_ =	sdelay $0x1  }
0x1f4: {  	v61 =	vadd.f32 v60, v19;
	[tilespmem:s21+$0x1050] =	vst v0  }
0x1f5: {  	v62 =	vld [tilespmem:$0x10260]  }
0x1f6: {  	v0 =	vsub.f32 v61, v9  }
0x1f7: {  	v63 =	vld [tilespmem:$0x10660]  }
0x1f8: {  	v0 =	vmul.f32 v0, v10  }
0x1f9: {  	v24 =	vld [tilespmem:s21+$0x9070]  }
0x1fa: {  	v0 =	vmul.f32 v0, v62;
	_ =	sdelay $0x1  }
0x1fb: {  	v0 =	vadd.f32 v0, v63;
	_ =	sdelay $0x1  }
0x1fc: {  	v25 =	vadd.f32 v24, v18;
	[tilespmem:s21+$0x1060] =	vst v0  }
0x1fd: {  	v26 =	vld [tilespmem:$0x10270]  }
0x1fe: {  	v0 =	vsub.f32 v25, v9  }
0x1ff: {  	v27 =	vld [tilespmem:$0x10670]  }
0x200: {  	v0 =	vmul.f32 v0, v10  }
0x201: {  	v28 =	vld [tilespmem:s21+$0x9400]  }
0x202: {  	v0 =	vmul.f32 v0, v26;
	_ =	sdelay $0x1  }
0x203: {  	v0 =	vadd.f32 v0, v27;
	_ =	sdelay $0x1  }
0x204: {  	v29 =	vadd.f32 v28, v17;
	[tilespmem:s21+$0x1070] =	vst v0  }
0x205: {  	v30 =	vld [tilespmem:$0x10280]  }
0x206: {  	v0 =	vsub.f32 v29, v9  }
0x207: {  	v31 =	vld [tilespmem:$0x10680]  }
0x208: {  	v0 =	vmul.f32 v0, v10  }
0x209: {  	v32 =	vld [tilespmem:s21+$0x9410]  }
0x20a: {  	v0 =	vmul.f32 v0, v30;
	_ =	sdelay $0x1  }
0x20b: {  	v0 =	vadd.f32 v0, v31;
	_ =	sdelay $0x1  }
0x20c: {  	v33 =	vadd.f32 v32, v16;
	[tilespmem:s21+$0x1400] =	vst v0  }
0x20d: {  	v34 =	vld [tilespmem:$0x10290]  }
0x20e: {  	v0 =	vsub.f32 v33, v9  }
0x20f: {  	v35 =	vld [tilespmem:$0x10690]  }
0x210: {  	v0 =	vmul.f32 v0, v10  }
0x211: {  	v36 =	vld [tilespmem:s21+$0x9420]  }
0x212: {  	v0 =	vmul.f32 v0, v34;
	_ =	sdelay $0x1  }
0x213: {  	v0 =	vadd.f32 v0, v35;
	_ =	sdelay $0x1  }
0x214: {  	v37 =	vadd.f32 v36, v15;
	[tilespmem:s21+$0x1410] =	vst v0  }
0x215: {  	v38 =	vld [tilespmem:$0x102A0]  }
0x216: {  	v0 =	vsub.f32 v37, v9  }
0x217: {  	v39 =	vld [tilespmem:$0x106A0]  }
0x218: {  	v0 =	vmul.f32 v0, v10  }
0x219: {  	v40 =	vld [tilespmem:s21+$0x9430]  }
0x21a: {  	v0 =	vmul.f32 v0, v38;
	_ =	sdelay $0x1  }
0x21b: {  	v0 =	vadd.f32 v0, v39;
	_ =	sdelay $0x1  }
0x21c: {  	v41 =	vadd.f32 v40, v14;
	[tilespmem:s21+$0x1420] =	vst v0  }
0x21d: {  	v42 =	vld [tilespmem:$0x102B0]  }
0x21e: {  	v0 =	vsub.f32 v41, v9  }
0x21f: {  	v43 =	vld [tilespmem:$0x106B0]  }
0x220: {  	v0 =	vmul.f32 v0, v10  }
0x221: {  	v44 =	vld [tilespmem:s21+$0x9440]  }
0x222: {  	v0 =	vmul.f32 v0, v42;
	_ =	sdelay $0x1  }
0x223: {  	v0 =	vadd.f32 v0, v43;
	_ =	sdelay $0x1  }
0x224: {  	v45 =	vadd.f32 v44, v13;
	[tilespmem:s21+$0x1430] =	vst v0  }
0x225: {  	v46 =	vld [tilespmem:$0x102C0]  }
0x226: {  	v0 =	vsub.f32 v45, v9  }
0x227: {  	v47 =	vld [tilespmem:$0x106C0]  }
0x228: {  	v0 =	vmul.f32 v0, v10  }
0x229: {  	v48 =	vld [tilespmem:s21+$0x9450]  }
0x22a: {  	v0 =	vmul.f32 v0, v46;
	_ =	sdelay $0x1  }
0x22b: {  	v0 =	vadd.f32 v0, v47;
	_ =	sdelay $0x1  }
0x22c: {  	v49 =	vadd.f32 v48, v12;
	[tilespmem:s21+$0x1440] =	vst v0  }
0x22d: {  	v50 =	vld [tilespmem:$0x102D0]  }
0x22e: {  	v0 =	vsub.f32 v49, v9  }
0x22f: {  	v51 =	vld [tilespmem:$0x106D0]  }
0x230: {  	v0 =	vmul.f32 v0, v10  }
0x231: {  	v52 =	vld [tilespmem:s21+$0x9460]  }
0x232: {  	v0 =	vmul.f32 v0, v50;
	_ =	sdelay $0x1  }
0x233: {  	v0 =	vadd.f32 v0, v51;
	_ =	sdelay $0x1  }
0x234: {  	v53 =	vadd.f32 v52, v11;
	[tilespmem:s21+$0x1450] =	vst v0  }
0x235: {  	v54 =	vld [tilespmem:$0x102E0]  }
0x236: {  	v0 =	vsub.f32 v53, v9  }
0x237: {  	v55 =	vld [tilespmem:$0x106E0]  }
0x238: {  	v0 =	vmul.f32 v0, v10  }
0x239: {  	v56 =	vld [tilespmem:s21+$0x9470]  }
0x23a: {  	v0 =	vmul.f32 v0, v54;
	_ =	sdelay $0x1  }
0x23b: {  	v0 =	vadd.f32 v0, v55;
	_ =	sdelay $0x1  }
0x23c: {  	v57 =	vadd.f32 v56, v8;
	[tilespmem:s21+$0x1460] =	vst v0  }
0x23d: {  	v58 =	vld [tilespmem:$0x102F0]  }
0x23e: {  	v0 =	vsub.f32 v57, v9  }
0x23f: {  	v59 =	vld [tilespmem:$0x106F0]  }
0x240: {  	v0 =	vmul.f32 v0, v10  }
0x241: {  	v60 =	vld [tilespmem:s21+$0x9800]  }
0x242: {  	v0 =	vmul.f32 v0, v58;
	_ =	sdelay $0x1  }
0x243: {  	v0 =	vadd.f32 v0, v59;
	_ =	sdelay $0x1  }
0x244: {  	v61 =	vadd.f32 v60, v7;
	[tilespmem:s21+$0x1470] =	vst v0  }
0x245: {  	v62 =	vld [tilespmem:$0x10300]  }
0x246: {  	v0 =	vsub.f32 v61, v9  }
0x247: {  	v63 =	vld [tilespmem:$0x10700]  }
0x248: {  	v0 =	vmul.f32 v0, v10  }
0x249: {  	v12 =	vld [tilespmem:s21+$0x9810]  }
0x24a: {  	v0 =	vmul.f32 v0, v62;
	_ =	sdelay $0x1  }
0x24b: {  	v0 =	vadd.f32 v0, v63;
	_ =	sdelay $0x1  }
0x24c: {  	v13 =	vadd.f32 v12, v6;
	[tilespmem:s21+$0x1800] =	vst v0  }
0x24d: {  	v14 =	vld [tilespmem:$0x10310]  }
0x24e: {  	v0 =	vsub.f32 v13, v9  }
0x24f: {  	v15 =	vld [tilespmem:$0x10710]  }
0x250: {  	v0 =	vmul.f32 v0, v10  }
0x251: {  	v16 =	vld [tilespmem:s21+$0x9820]  }
0x252: {  	v0 =	vmul.f32 v0, v14;
	_ =	sdelay $0x1  }
0x253: {  	v0 =	vadd.f32 v0, v15;
	_ =	sdelay $0x1  }
0x254: {  	v17 =	vadd.f32 v16, v5;
	[tilespmem:s21+$0x1810] =	vst v0  }
0x255: {  	v18 =	vld [tilespmem:$0x10320]  }
0x256: {  	v0 =	vsub.f32 v17, v9  }
0x257: {  	v19 =	vld [tilespmem:$0x10720]  }
0x258: {  	v0 =	vmul.f32 v0, v10  }
0x259: {  	v20 =	vld [tilespmem:s21+$0x9830]  }
0x25a: {  	v0 =	vmul.f32 v0, v18;
	_ =	sdelay $0x1  }
0x25b: {  	v0 =	vadd.f32 v0, v19;
	_ =	sdelay $0x1  }
0x25c: {  	v21 =	vadd.f32 v20, v4;
	[tilespmem:s21+$0x1820] =	vst v0  }
0x25d: {  	v22 =	vld [tilespmem:$0x10330]  }
0x25e: {  	v0 =	vsub.f32 v21, v9  }
0x25f: {  	v23 =	vld [tilespmem:$0x10730]  }
0x260: {  	v0 =	vmul.f32 v0, v10  }
0x261: {  	v24 =	vld [tilespmem:s21+$0x9840]  }
0x262: {  	v0 =	vmul.f32 v0, v22;
	_ =	sdelay $0x1  }
0x263: {  	v0 =	vadd.f32 v0, v23;
	_ =	sdelay $0x1  }
0x264: {  	v25 =	vadd.f32 v24, v3;
	[tilespmem:s21+$0x1830] =	vst v0  }
0x265: {  	v26 =	vld [tilespmem:$0x10340]  }
0x266: {  	v0 =	vsub.f32 v25, v9  }
0x267: {  	v27 =	vld [tilespmem:$0x10740]  }
0x268: {  	v0 =	vmul.f32 v0, v10  }
0x269: {  	v28 =	vld [tilespmem:s21+$0x9850]  }
0x26a: {  	v0 =	vmul.f32 v0, v26;
	_ =	sdelay $0x1  }
0x26b: {  	v0 =	vadd.f32 v0, v27;
	_ =	sdelay $0x1  }
0x26c: {  	v29 =	vadd.f32 v28, v2;
	[tilespmem:s21+$0x1840] =	vst v0  }
0x26d: {  	v30 =	vld [tilespmem:$0x10350]  }
0x26e: {  	v0 =	vsub.f32 v29, v9  }
0x26f: {  	v31 =	vld [tilespmem:$0x10750]  }
0x270: {  	v32 =	vld [tilespmem:s21+$0x9860];
	v0 =	vmul.f32 v0, v10  }
0x271: {  	v33 =	vld [tilespmem:$0x1FFE0]  }
0x272: {  	v0 =	vmul.f32 v0, v30;
	_ =	sdelay $0x1  }
0x273: {  	v0 =	vadd.f32 v0, v31;
	_ =	sdelay $0x1  }
0x274: {  	[tilespmem:s21+$0x1850] =	vst v0;
	v0 =	vadd.f32 v32, v33  }
0x275: {  	v34 =	vld [tilespmem:$0x10360]  }
0x276: {  	v0 =	vsub.f32 v0, v9  }
0x277: {  	v35 =	vld [tilespmem:$0x10760]  }
0x278: {  	v36 =	vld [tilespmem:s21+$0x9870];
	v0 =	vmul.f32 v0, v10  }
0x279: {  	v37 =	vld [tilespmem:$0x1FFF0]  }
0x27a: {  	v0 =	vmul.f32 v0, v34;
	_ =	sdelay $0x1  }
0x27b: {  	v0 =	vadd.f32 v0, v35;
	_ =	sdelay $0x1  }
0x27c: {  	[tilespmem:s21+$0x1860] =	vst v0;
	v0 =	vadd.f32 v36, v37  }
0x27d: {  	v38 =	vld [tilespmem:$0x10370]  }
0x27e: {  	v0 =	vsub.f32 v0, v9  }
0x27f: {  	v39 =	vld [tilespmem:$0x10770]  }
0x280: {  	v0 =	vmul.f32 v0, v10;
	_ =	sdelay $0x1  }
0x281: {  	v0 =	vmul.f32 v0, v38;
	_ =	sdelay $0x1  }
0x282: {  	v0 =	vadd.f32 v0, v39;
	_ =	sdelay $0x1  }
0x283: {  	[tilespmem:s21+$0x1870] =	vst v0  }
0x284: {  	v0 =	vld [tilespmem:s30+$0x0]  }
0x285: {  	v40 =	vld [tilespmem:s30+$0x8000];
	_ =	sdelay $0x4  }
0x286: {  	v0 =	vadd.f32 v40, v0  }
0x287: {  	v41 =	vld [tilespmem:$0x10380]  }
0x288: {  	v0 =	vsub.f32 v0, v9  }
0x289: {  	v42 =	vld [tilespmem:$0x10780]  }
0x28a: {  	v0 =	vmul.f32 v0, v10;
	_ =	sdelay $0x1  }
0x28b: {  	v0 =	vmul.f32 v0, v41;
	_ =	sdelay $0x1  }
0x28c: {  	v0 =	vadd.f32 v0, v42;
	_ =	sdelay $0x1  }
0x28d: {  	[tilespmem:s30+$0x0] =	vst v0  }
0x28e: {  	v0 =	vld [tilespmem:s29+$0x0]  }
0x28f: {  	v43 =	vld [tilespmem:s29+$0x8000];
	_ =	sdelay $0x4  }
0x290: {  	v0 =	vadd.f32 v43, v0  }
0x291: {  	v44 =	vld [tilespmem:$0x10390]  }
0x292: {  	v0 =	vsub.f32 v0, v9  }
0x293: {  	v45 =	vld [tilespmem:$0x10790]  }
0x294: {  	v0 =	vmul.f32 v0, v10;
	_ =	sdelay $0x1  }
0x295: {  	v0 =	vmul.f32 v0, v44;
	_ =	sdelay $0x1  }
0x296: {  	v0 =	vadd.f32 v0, v45;
	_ =	sdelay $0x1  }
0x297: {  	[tilespmem:s29+$0x0] =	vst v0  }
0x298: {  	v0 =	vld [tilespmem:s28+$0x0]  }
0x299: {  	v46 =	vld [tilespmem:s28+$0x8000];
	_ =	sdelay $0x4  }
0x29a: {  	v0 =	vadd.f32 v46, v0  }
0x29b: {  	v47 =	vld [tilespmem:$0x103A0]  }
0x29c: {  	v0 =	vsub.f32 v0, v9  }
0x29d: {  	v48 =	vld [tilespmem:$0x107A0]  }
0x29e: {  	v0 =	vmul.f32 v0, v10;
	_ =	sdelay $0x1  }
0x29f: {  	v0 =	vmul.f32 v0, v47;
	_ =	sdelay $0x1  }
0x2a0: {  	v0 =	vadd.f32 v0, v48;
	_ =	sdelay $0x1  }
0x2a1: {  	[tilespmem:s28+$0x0] =	vst v0  }
0x2a2: {  	v0 =	vld [tilespmem:s26+$0x0]  }
0x2a3: {  	v49 =	vld [tilespmem:s26+$0x8000];
	_ =	sdelay $0x4  }
0x2a4: {  	v0 =	vadd.f32 v49, v0  }
0x2a5: {  	v50 =	vld [tilespmem:$0x103B0]  }
0x2a6: {  	v0 =	vsub.f32 v0, v9  }
0x2a7: {  	v51 =	vld [tilespmem:$0x107B0]  }
0x2a8: {  	v0 =	vmul.f32 v0, v10;
	_ =	sdelay $0x1  }
0x2a9: {  	v0 =	vmul.f32 v0, v50;
	_ =	sdelay $0x1  }
0x2aa: {  	v0 =	vadd.f32 v0, v51;
	_ =	sdelay $0x1  }
0x2ab: {  	[tilespmem:s26+$0x0] =	vst v0  }
0x2ac: {  	v0 =	vld [tilespmem:s25+$0x0]  }
0x2ad: {  	v52 =	vld [tilespmem:s25+$0x8000];
	_ =	sdelay $0x4  }
0x2ae: {  	v0 =	vadd.f32 v52, v0  }
0x2af: {  	v53 =	vld [tilespmem:$0x103C0]  }
0x2b0: {  	v0 =	vsub.f32 v0, v9  }
0x2b1: {  	v54 =	vld [tilespmem:$0x107C0]  }
0x2b2: {  	v0 =	vmul.f32 v0, v10;
	_ =	sdelay $0x1  }
0x2b3: {  	v0 =	vmul.f32 v0, v53;
	_ =	sdelay $0x1  }
0x2b4: {  	v0 =	vadd.f32 v0, v54;
	_ =	sdelay $0x1  }
0x2b5: {  	[tilespmem:s25+$0x0] =	vst v0  }
0x2b6: {  	v0 =	vld [tilespmem:s24+$0x0]  }
0x2b7: {  	v55 =	vld [tilespmem:s24+$0x8000];
	_ =	sdelay $0x4  }
0x2b8: {  	v0 =	vadd.f32 v55, v0  }
0x2b9: {  	v56 =	vld [tilespmem:$0x103D0]  }
0x2ba: {  	v0 =	vsub.f32 v0, v9  }
0x2bb: {  	v57 =	vld [tilespmem:$0x107D0]  }
0x2bc: {  	v0 =	vmul.f32 v0, v10;
	_ =	sdelay $0x1  }
0x2bd: {  	v0 =	vmul.f32 v0, v56;
	_ =	sdelay $0x1  }
0x2be: {  	v0 =	vadd.f32 v0, v57;
	_ =	sdelay $0x1  }
0x2bf: {  	[tilespmem:s24+$0x0] =	vst v0  }
0x2c0: {  	v0 =	vld [tilespmem:s23+$0x0]  }
0x2c1: {  	v58 =	vld [tilespmem:s23+$0x8000];
	_ =	sdelay $0x4  }
0x2c2: {  	v0 =	vadd.f32 v58, v0  }
0x2c3: {  	v59 =	vld [tilespmem:$0x103E0]  }
0x2c4: {  	v0 =	vsub.f32 v0, v9  }
0x2c5: {  	v60 =	vld [tilespmem:$0x107E0]  }
0x2c6: {  	v0 =	vmul.f32 v0, v10;
	_ =	sdelay $0x1  }
0x2c7: {  	v0 =	vmul.f32 v0, v59;
	_ =	sdelay $0x1  }
0x2c8: {  	v0 =	vadd.f32 v0, v60;
	_ =	sdelay $0x1  }
0x2c9: {  	[tilespmem:s23+$0x0] =	vst v0  }
0x2ca: {  	v0 =	vld [tilespmem:s22+$0x0]  }
0x2cb: {  	v61 =	vld [tilespmem:s22+$0x8000];
	_ =	sdelay $0x4  }
0x2cc: {  	v0 =	vadd.f32 v61, v0  }
0x2cd: {  	v62 =	vld [tilespmem:$0x103F0]  }
0x2ce: {  	v0 =	vsub.f32 v0, v9  }
0x2cf: {  	v63 =	vld [tilespmem:$0x107F0]  }
0x2d0: {  	v0 =	vmul.f32 v0, v10  }
0x2d1: {  	p0 =	sne.s32 s20, $0xF80  }
.Ltmp0:
0x2d2: {  	v0 =	vmul.f32 v0, v62;
	(pc) =	sbr.rel @p0 .LBB2_3-.Ltmp0, $4  }
0x2d3: {  	_ = 	snop  }
0x2d4: {  	v0 =	vadd.f32 v0, v63  }
0x2d5: {  	s17 =	sadd.s32 $0x1, s17  }
0x2d6: {  	s18 =	sadd.s32 $0x400, s18;
	s20 =	sadd.s32 $0x80, s20;
	s19 =	sadd.s32 $0x400, s19;
	[tilespmem:s22+$0x0] =	vst v0  }
0x2d7: {  	s15 =	sadd.s32 $0x1, s15  }
0x2d8: {  	p0 =	sne.s32 s15, $0x20  }
.Ltmp1:
0x2d9: {  	s1 =	sadd.s32 s5, s16;
	(pc) =	sbr.rel @p0 .LBB2_2-.Ltmp1, $4  }
0x2da: {  	[hbm4b:s1+s6] =	stream.linear.scatter [tilespmem:s6], [sflag:$0x1], $0x8000, $0x38;
	[tilespmem:$0x10800] =	vst v63  }
0x2db: {  	_ =	swait.ge [sflag:s11], $0x8000  }
0x2dc: {  	[sflag:s11] =	ssyncset.done $0x0  }
0x2dd: {  	[sflag:s11] =	ssyncadd.s32 $0xFFFF8000  }
0x2de: {  	s14 =	sadd.s32 $0x1, s14  }
0x2df: {  	p0 =	sne.s32 s14, s9  }
.Ltmp2:
0x2e0: {  	_ = 	snop;
	(pc) =	sbr.rel @p0 .LBB2_1-.Ltmp2, $1  }
0x2e1: {  	_ =	sdelay $0x3  }
0x2e2: {  	_ =	sfence.sel $0x180000  }
0x2e3: {  	[bflag:$0x0] =	sbarrier.arrive $0xFFFF  }
0x2e4: {  	_ =	strace $0x90000047  }
0x2e5: {  	s0 =	stileid.u32;
	[bflag:$0x2] =	sbarrier.arrive $0xFFFF  }
0x2e6: {  	p0 =	sne.s32 s0, $0x0;
	s0 =	rddreg [dreg:$0x5]  }
0x2e7: {  	s0 =	sadd.s32 @!p0 $0x100000, s0  }
0x2e8: {  	[sflag:s0] =	ssyncadd.tile.s32 @!p0 $0x1;
	_ =	shalt  }
.Lfunc_end2:
_tile_overlayer_lowered:
.L_overlay_start_2:
0x2e9: {  	(tag) =	ssettag $0x2  }
0x2ea: {  	s0 =	rddreg [dreg:$0x0];
	s2 =	stileid.u32  }
0x2eb: {  	s1 =	rddreg [dreg:$0x1];
	p0 =	sne.s32 s2, $0x0  }
0x2ec: {  	s3 =	rddreg [dreg:$0x2];
	[bflag:$0x3] =	sbarrier.arrive $0xFFFF;
	s2 =	simm.s32 @!p0 $0x1C01  }
0x2ed: {  	[timem:s3], [sflag:s2] =	dma.local @!p0 [hbm:s0], s1  }
0x2ee: {  	s0 =	simm.s32 @!p0 $0x1  }
0x2ef: {  	_ =	swait.ge @!p0 [sflag:s0], s1  }
0x2f0: {  	s1 =	ssub.s32 @!p0 $0x0, s1;
	[sflag:s0] =	ssyncset.done @!p0 $0x0  }
0x2f1: {  	[sflag:s0] =	ssyncadd.s32 @!p0 s1  }
0x2f2: {  	[bflag:$0x3] =	sbarrier.arrive $0xFFFF  }
0x2f3: {  	_ =	shalt  }

</sc_bundles>
